<compile_context>
chip_gen: v7x
topology: tpu7x:2x2x1
jax: 0.10.2.dev20260603
libtpu: 0.0.44.dev20260713+nightly
codegen_flags: <defaults>
</compile_context>

<pallas_src>
import math

import jax
import jax.numpy as jnp
import numpy as np
from jax import lax
from jax._src import config as _jax_config
from jax.experimental import pallas as pl
from jax.experimental.pallas import tpu as pltpu
from jax.experimental.pallas import tpu_sc as plsc

L = 16
F = 2
T = 524288
N_MIN, N_MAX = 16, 2048
_b = math.exp((math.log(N_MAX) - math.log(N_MIN)) / (L - 1))
RESOLUTIONS = [math.floor(N_MIN * _b ** i) for i in range(L)]
P1D = np.int32(np.array((2 * 2654435761) % (1 << 32), np.uint64)
               .astype(np.uint32).view(np.int32))
P2D = np.int32(2 * 805459861)
MASKD = np.int32((T - 1) << 1)

N_PTS = 262144
NC, NS = 2, 16
NW = NC * NS
PTS_PER_W = N_PTS // NW
GRP = 16
BLK = 512
NG = BLK // GRP
NBLK = PTS_PER_W // BLK
NCORNER = 8
LVL_WORDS = T * F
STAGE_WORDS = LVL_WORDS // NS
GIDX = F * NCORNER * GRP
GPG = 4
SGRP = GPG * GRP
NSG = BLK // SGRP
BIDX = GPG * GIDX


def _encode_kernel(xt_hbm, emb_hbm, resl_hbm, out_hbm, x_v, resl_v,
                   oc0_v, oc1_v, idx0_v, idx1_v, rows0_v, rows1_v,
                   lvl_sp, sem0, sem1):
    cid = lax.axis_index("c").astype(jnp.int32)
    sub = lax.axis_index("s").astype(jnp.int32)
    wid = sub * jnp.int32(NC) + cid
    pbase = wid * jnp.int32(PTS_PER_W)
    lanes = lax.iota(jnp.int32, GRP)

    for d in range(3):
        pltpu.sync_copy(
            xt_hbm.at[pl.ds(jnp.int32(d * N_PTS) + pbase, PTS_PER_W)],
            x_v.at[pl.ds(d * PTS_PER_W, PTS_PER_W)])
    pltpu.sync_copy(resl_hbm, resl_v)

    def _coords(poff):
        px = x_v[pl.ds(poff, GRP)]
        py = x_v[pl.ds(jnp.int32(PTS_PER_W) + poff, GRP)]
        pz = x_v[pl.ds(jnp.int32(2 * PTS_PER_W) + poff, GRP)]
        return px, py, pz

    def _level(l, _):
        resv = resl_v[pl.ds(l * jnp.int32(GRP), GRP)]
        pltpu.sync_copy(
            emb_hbm.at[pl.ds(l * jnp.int32(LVL_WORDS)
                             + sub * jnp.int32(STAGE_WORDS), STAGE_WORDS)],
            lvl_sp.at[pl.ds(sub * jnp.int32(STAGE_WORDS), STAGE_WORDS)])
        plsc.subcore_barrier()

        def _compute_idx(poff, idx_v):
            for g in range(GPG):
                px, py, pz = _coords(poff + jnp.int32(g * GRP))
                hx0 = (px * resv).astype(jnp.int32)
                hx0 = hx0 + hx0
                hx1 = hx0 + jnp.int32(2)
                iy = (py * resv).astype(jnp.int32)
                iz = (pz * resv).astype(jnp.int32)
                hy0 = iy * P1D
                hy1 = hy0 + P1D
                hz0 = iz * P2D
                hz1 = hz0 + P2D
                gb = g * GIDX
                for c in range(NCORNER):
                    hx = hx1 if (c & 4) else hx0
                    hy = hy1 if (c & 2) else hy0
                    hz = hz1 if (c & 1) else hz0
                    w0 = (hx ^ hy ^ hz) & MASKD
                    idx_v[pl.ds(gb + c * GRP, GRP)] = w0
                    idx_v[pl.ds(gb + NCORNER * GRP + c * GRP, GRP)] = (
                        w0 + jnp.int32(1))

        def _fire(idx_v, rows_v, sem):
            pltpu.async_copy(lvl_sp.at[idx_v], rows_v, sem)

        def _drain(idx_v, rows_v, sem):
            pltpu.make_async_copy(lvl_sp.at[idx_v], rows_v, sem).wait()

        def _interp(poff, goff, rows_v):
            for g in range(GPG):
                px, py, pz = _coords(poff + jnp.int32(g * GRP))
                xs = px * resv
                ys = py * resv
                zs = pz * resv
                fx = xs - xs.astype(jnp.int32).astype(jnp.float32)
                fy = ys - ys.astype(jnp.int32).astype(jnp.float32)
                fz = zs - zs.astype(jnp.int32).astype(jnp.float32)
                gb = g * GIDX
                for f, oc_v in ((0, oc0_v), (1, oc1_v)):
                    v = [rows_v[pl.ds(gb + f * NCORNER * GRP + c * GRP, GRP)]
                         for c in range(NCORNER)]
                    c00 = v[0] + (v[4] - v[0]) * fx
                    c01 = v[1] + (v[5] - v[1]) * fx
                    c10 = v[2] + (v[6] - v[2]) * fx
                    c11 = v[3] + (v[7] - v[3]) * fx
                    c0 = c00 + (c10 - c00) * fy
                    c1 = c01 + (c11 - c01) * fy
                    oc_v[pl.ds(goff + jnp.int32(g * GRP), GRP)] = (
                        c0 + (c1 - c0) * fz)

        def _block(blk, _):
            boff = blk * jnp.int32(BLK)
            _compute_idx(boff, idx0_v)
            _fire(idx0_v, rows0_v, sem0)

            def _pair(it, _):
                goff0 = it * jnp.int32(2 * SGRP)
                goff1 = goff0 + jnp.int32(SGRP)
                _compute_idx(boff + goff1, idx1_v)
                _fire(idx1_v, rows1_v, sem1)
                _drain(idx0_v, rows0_v, sem0)
                _interp(boff + goff0, goff0, rows0_v)

                @pl.when(it < jnp.int32(NSG // 2 - 1))
                def _tail():
                    _compute_idx(boff + goff1 + jnp.int32(SGRP), idx0_v)
                    _fire(idx0_v, rows0_v, sem0)

                _drain(idx1_v, rows1_v, sem1)
                _interp(boff + goff1, goff1, rows1_v)
                return _

            lax.fori_loop(np.int32(0), np.int32(NSG // 2), _pair, None)
            row0 = pbase + boff
            lf = l * jnp.int32(F)
            pltpu.sync_copy(
                oc0_v, out_hbm.at[pl.ds(lf * jnp.int32(N_PTS) + row0, BLK)])
            pltpu.sync_copy(
                oc1_v, out_hbm.at[pl.ds((lf + jnp.int32(1))
                                        * jnp.int32(N_PTS) + row0, BLK)])
            return _

        lax.fori_loop(np.int32(0), np.int32(NBLK), _block, None)
        plsc.subcore_barrier()
        return _

    lax.fori_loop(np.int32(0), np.int32(L), _level, None)


@jax.jit
def _encode(xt, emb, resl):
    call = pl.kernel(
        _encode_kernel,
        out_type=jax.ShapeDtypeStruct((L * F * N_PTS,), jnp.float32),
        mesh=plsc.VectorSubcoreMesh(core_axis_name="c", subcore_axis_name="s",
                                    num_cores=NC, num_subcores=NS),
        scratch_types=[
            pltpu.VMEM((3 * PTS_PER_W,), jnp.float32),
            pltpu.VMEM((L * GRP,), jnp.float32),
            pltpu.VMEM((BLK,), jnp.float32),
            pltpu.VMEM((BLK,), jnp.float32),
            pltpu.VMEM((BIDX,), jnp.int32),
            pltpu.VMEM((BIDX,), jnp.int32),
            pltpu.VMEM((BIDX,), jnp.float32),
            pltpu.VMEM((BIDX,), jnp.float32),
            pltpu.VMEM_SHARED((LVL_WORDS,), jnp.float32),
            pltpu.SemaphoreType.DMA,
            pltpu.SemaphoreType.DMA,
        ],
        compiler_params=pltpu.CompilerParams(needs_layout_passes=False),
    )
    return call(xt, emb, resl)


_RESL = np.repeat(np.array(RESOLUTIONS, np.float32), GRP)


def kernel(x, embeddings):
    xt = x.astype(jnp.float32).T.reshape(3 * N_PTS)
    emb = embeddings.astype(jnp.float32).reshape(L * T * F)
    resl = jnp.asarray(_RESL)
    with _jax_config.enable_x64(False):
        out = _encode(xt, emb, resl)
    return out.reshape(L * F, N_PTS).T

# --- scband reference (transcript-rebuilt; emitter-appended) ---
"""Pipeline reference for scband-hash-encoding-py-torch-87436944212735 (READ-ONLY COPY).

The authoritative reference and input builder live on the scoring server;
editing this copy changes nothing except your own understanding.
"""

import math
import jax, jax.numpy as jnp
import numpy as np

jax.config.update("jax_enable_x64", True)

L = 16
F = 2
T = 524288
N_MIN = 16
N_MAX = 2048
PRIMES = (1, 2654435761, 805459861)
_b = math.exp((math.log(N_MAX) - math.log(N_MIN)) / (L - 1))
RESOLUTIONS = [math.floor(N_MIN * _b ** i) for i in range(L)]
OFFSETS = jnp.array([[0, 0, 0], [0, 0, 1], [0, 1, 0], [0, 1, 1],
                     [1, 0, 0], [1, 0, 1], [1, 1, 0], [1, 1, 1]], dtype=jnp.int64)


def setup_inputs(seed: int = 0) -> dict:
    key = jax.random.key(seed)
    k1, k2 = jax.random.split(key)
    x = jax.random.uniform(k1, (262144, 3), dtype=jnp.float32)
    embeddings = jax.random.uniform(k2, (L, T, F), minval=-0.0001, maxval=0.0001, dtype=jnp.float32)
    return {"x": x, "embeddings": embeddings}


def reference(x, embeddings):
    encoded_features = []
    for i, res in enumerate(RESOLUTIONS):
        x_scaled = x * res
        x_floor = x_scaled.astype(jnp.int64)
        weights = x_scaled - x_floor.astype(jnp.float32)
        fx, fy, fz = weights[:, 0], weights[:, 1], weights[:, 2]
        c = x_floor[:, None, :] + OFFSETS[None, :, :]
        h = ((c[..., 0] * PRIMES[0]) ^ (c[..., 1] * PRIMES[1]) ^ (c[..., 2] * PRIMES[2])) % T
        corners = jnp.take(embeddings[i], h, axis=0)  # [N, 8, F]
        c00 = corners[:, 0] * (1 - fx)[:, None] + corners[:, 4] * fx[:, None]
        c01 = corners[:, 1] * (1 - fx)[:, None] + corners[:, 5] * fx[:, None]
        c10 = corners[:, 2] * (1 - fx)[:, None] + corners[:, 6] * fx[:, None]
        c11 = corners[:, 3] * (1 - fx)[:, None] + corners[:, 7] * fx[:, None]
        c0 = c00 * (1 - fy)[:, None] + c10 * fy[:, None]
        c1 = c01 * (1 - fy)[:, None] + c11 * fy[:, None]
        cc = c0 * (1 - fz)[:, None] + c1 * fz[:, None]
        encoded_features.append(cc)
    return jnp.concatenate(encoded_features, axis=-1)

if __name__ == "__main__":
    import jax
    _d = setup_inputs()
    print(jax.jit(kernel)(*tuple(_d.values())))

</pallas_src>

<mosaic_0001>
#map = affine_map<(d0, d1) -> (0)>
module attributes {stable_mosaic.version = 14 : i64} {
  func.func @_encode_kernel(%arg0: i32, %arg1: i32, %arg2: memref<786432xf32, #tpu.memory_space<hbm>>, %arg3: memref<16777216xf32, #tpu.memory_space<hbm>>, %arg4: memref<256xf32, #tpu.memory_space<hbm>>, %arg5: memref<8388608xf32, #tpu.memory_space<hbm>>, %arg6: memref<24576xf32, #tpu.memory_space<vmem>>, %arg7: memref<256xf32, #tpu.memory_space<vmem>>, %arg8: memref<512xf32, #tpu.memory_space<vmem>>, %arg9: memref<512xf32, #tpu.memory_space<vmem>>, %arg10: memref<1024xi32, #tpu.memory_space<vmem>>, %arg11: memref<1024xi32, #tpu.memory_space<vmem>>, %arg12: memref<1024xf32, #tpu.memory_space<vmem>>, %arg13: memref<1024xf32, #tpu.memory_space<vmem>>, %arg14: memref<1048576xf32, #tpu.memory_space<vmem_shared>>, %arg15: memref<!tpu.dma_semaphore, #tpu.memory_space<semaphore_mem>>, %arg16: memref<!tpu.dma_semaphore, #tpu.memory_space<semaphore_mem>>) attributes {dimension_semantics = [#tpu.dimension_semantics<core_parallel>, #tpu.dimension_semantics<subcore_parallel>], iteration_bounds = array<i64: 2, 16>, scalar_prefetch = 0 : i64, scratch_operands = 11 : i64, tpu.core_type = #tpu.core_type<sc_vector_subcore>, window_params = [{transform_indices = #map}, {transform_indices = #map}, {transform_indices = #map}, {transform_indices = #map}]} {
    %mul3A = arith.constant 2 : i32
    %mul3A_0 = arith.muli %arg1, %mul3A : i32
    %add3A = arith.addi %mul3A_0, %arg0 : i32
    %mul3A_1 = arith.constant 8192 : i32
    %mul3A_2 = arith.muli %add3A, %mul3A_1 : i32
    %iota3A = tpu.iota {dimensions = array<i32: 0>} : vector<16xi32>
    %add3A_3 = arith.constant 0 : i32
    %add3A_4 = arith.addi %add3A_3, %mul3A_2 : i32
    "tpu.region"() ({
      %run_scoped3A = tpu.sem_alloc : memref<!tpu.dma_semaphore, #tpu.memory_space<semaphore_mem>>
      %dma_start3A = arith.constant 0 : i32
      %dma_start3A_13 = tpu.memref_slice %arg6[%dma_start3A] : memref<24576xf32, #tpu.memory_space<vmem>> -> memref<8192xf32, #tpu.memory_space<vmem>>
      %dma_start3A_14 = tpu.memref_slice %arg2[%add3A_4] : memref<786432xf32, #tpu.memory_space<hbm>> -> memref<8192xf32, #tpu.memory_space<hbm>>
      %dma_start3A_15 = arith.constant 0 : i32
      %dma_start3A_16 = tpu.memref_slice %arg6[%dma_start3A_15] : memref<24576xf32, #tpu.memory_space<vmem>> -> memref<8192xf32, #tpu.memory_space<vmem>>
      %dma_start3A_17 = tpu.memref_slice %arg2[%add3A_4] : memref<786432xf32, #tpu.memory_space<hbm>> -> memref<8192xf32, #tpu.memory_space<hbm>>
      tpu.enqueue_dma source(%dma_start3A_17 : memref<8192xf32, #tpu.memory_space<hbm>>) target(%dma_start3A_16 : memref<8192xf32, #tpu.memory_space<vmem>>) target_semaphore(%run_scoped3A : memref<!tpu.dma_semaphore, #tpu.memory_space<semaphore_mem>>)
      %dma_wait3A = arith.constant 0 : i32
      %dma_wait3A_18 = tpu.memref_slice %arg6[%dma_wait3A] : memref<24576xf32, #tpu.memory_space<vmem>> -> memref<8192xf32, #tpu.memory_space<vmem>>
      %dma_wait3A_19 = tpu.memref_slice %arg2[%add3A_4] : memref<786432xf32, #tpu.memory_space<hbm>> -> memref<8192xf32, #tpu.memory_space<hbm>>
      %dma_wait3A_20 = arith.constant 0 : i32
      %dma_wait3A_21 = tpu.memref_slice %arg6[%dma_wait3A_20] : memref<24576xf32, #tpu.memory_space<vmem>> -> memref<8192xf32, #tpu.memory_space<vmem>>
      %dma_wait3A_22 = tpu.memref_slice %arg2[%add3A_4] : memref<786432xf32, #tpu.memory_space<hbm>> -> memref<8192xf32, #tpu.memory_space<hbm>>
      tpu.wait_dma2 semaphore(%run_scoped3A : memref<!tpu.dma_semaphore, #tpu.memory_space<semaphore_mem>>) src(%dma_wait3A_22 : memref<8192xf32, #tpu.memory_space<hbm>>) dst(%dma_wait3A_21 : memref<8192xf32, #tpu.memory_space<vmem>>)
      tpu.yield
    }) : () -> ()
    %add3A_5 = arith.constant 262144 : i32
    %add3A_6 = arith.addi %add3A_5, %mul3A_2 : i32
    "tpu.region"() ({
      %run_scoped3A = tpu.sem_alloc : memref<!tpu.dma_semaphore, #tpu.memory_space<semaphore_mem>>
      %dma_start3A = arith.constant 8192 : i32
      %dma_start3A_13 = tpu.memref_slice %arg6[%dma_start3A] : memref<24576xf32, #tpu.memory_space<vmem>> -> memref<8192xf32, #tpu.memory_space<vmem>>
      %dma_start3A_14 = tpu.memref_slice %arg2[%add3A_6] : memref<786432xf32, #tpu.memory_space<hbm>> -> memref<8192xf32, #tpu.memory_space<hbm>>
      %dma_start3A_15 = arith.constant 8192 : i32
      %dma_start3A_16 = tpu.memref_slice %arg6[%dma_start3A_15] : memref<24576xf32, #tpu.memory_space<vmem>> -> memref<8192xf32, #tpu.memory_space<vmem>>
      %dma_start3A_17 = tpu.memref_slice %arg2[%add3A_6] : memref<786432xf32, #tpu.memory_space<hbm>> -> memref<8192xf32, #tpu.memory_space<hbm>>
      tpu.enqueue_dma source(%dma_start3A_17 : memref<8192xf32, #tpu.memory_space<hbm>>) target(%dma_start3A_16 : memref<8192xf32, #tpu.memory_space<vmem>>) target_semaphore(%run_scoped3A : memref<!tpu.dma_semaphore, #tpu.memory_space<semaphore_mem>>)
      %dma_wait3A = arith.constant 8192 : i32
      %dma_wait3A_18 = tpu.memref_slice %arg6[%dma_wait3A] : memref<24576xf32, #tpu.memory_space<vmem>> -> memref<8192xf32, #tpu.memory_space<vmem>>
      %dma_wait3A_19 = tpu.memref_slice %arg2[%add3A_6] : memref<786432xf32, #tpu.memory_space<hbm>> -> memref<8192xf32, #tpu.memory_space<hbm>>
      %dma_wait3A_20 = arith.constant 8192 : i32
      %dma_wait3A_21 = tpu.memref_slice %arg6[%dma_wait3A_20] : memref<24576xf32, #tpu.memory_space<vmem>> -> memref<8192xf32, #tpu.memory_space<vmem>>
      %dma_wait3A_22 = tpu.memref_slice %arg2[%add3A_6] : memref<786432xf32, #tpu.memory_space<hbm>> -> memref<8192xf32, #tpu.memory_space<hbm>>
      tpu.wait_dma2 semaphore(%run_scoped3A : memref<!tpu.dma_semaphore, #tpu.memory_space<semaphore_mem>>) src(%dma_wait3A_22 : memref<8192xf32, #tpu.memory_space<hbm>>) dst(%dma_wait3A_21 : memref<8192xf32, #tpu.memory_space<vmem>>)
      tpu.yield
    }) : () -> ()
    %add3A_7 = arith.constant 524288 : i32
    %add3A_8 = arith.addi %add3A_7, %mul3A_2 : i32
    "tpu.region"() ({
      %run_scoped3A = tpu.sem_alloc : memref<!tpu.dma_semaphore, #tpu.memory_space<semaphore_mem>>
      %dma_start3A = arith.constant 16384 : i32
      %dma_start3A_13 = tpu.memref_slice %arg6[%dma_start3A] : memref<24576xf32, #tpu.memory_space<vmem>> -> memref<8192xf32, #tpu.memory_space<vmem>>
      %dma_start3A_14 = tpu.memref_slice %arg2[%add3A_8] : memref<786432xf32, #tpu.memory_space<hbm>> -> memref<8192xf32, #tpu.memory_space<hbm>>
      %dma_start3A_15 = arith.constant 16384 : i32
      %dma_start3A_16 = tpu.memref_slice %arg6[%dma_start3A_15] : memref<24576xf32, #tpu.memory_space<vmem>> -> memref<8192xf32, #tpu.memory_space<vmem>>
      %dma_start3A_17 = tpu.memref_slice %arg2[%add3A_8] : memref<786432xf32, #tpu.memory_space<hbm>> -> memref<8192xf32, #tpu.memory_space<hbm>>
      tpu.enqueue_dma source(%dma_start3A_17 : memref<8192xf32, #tpu.memory_space<hbm>>) target(%dma_start3A_16 : memref<8192xf32, #tpu.memory_space<vmem>>) target_semaphore(%run_scoped3A : memref<!tpu.dma_semaphore, #tpu.memory_space<semaphore_mem>>)
      %dma_wait3A = arith.constant 16384 : i32
      %dma_wait3A_18 = tpu.memref_slice %arg6[%dma_wait3A] : memref<24576xf32, #tpu.memory_space<vmem>> -> memref<8192xf32, #tpu.memory_space<vmem>>
      %dma_wait3A_19 = tpu.memref_slice %arg2[%add3A_8] : memref<786432xf32, #tpu.memory_space<hbm>> -> memref<8192xf32, #tpu.memory_space<hbm>>
      %dma_wait3A_20 = arith.constant 16384 : i32
      %dma_wait3A_21 = tpu.memref_slice %arg6[%dma_wait3A_20] : memref<24576xf32, #tpu.memory_space<vmem>> -> memref<8192xf32, #tpu.memory_space<vmem>>
      %dma_wait3A_22 = tpu.memref_slice %arg2[%add3A_8] : memref<786432xf32, #tpu.memory_space<hbm>> -> memref<8192xf32, #tpu.memory_space<hbm>>
      tpu.wait_dma2 semaphore(%run_scoped3A : memref<!tpu.dma_semaphore, #tpu.memory_space<semaphore_mem>>) src(%dma_wait3A_22 : memref<8192xf32, #tpu.memory_space<hbm>>) dst(%dma_wait3A_21 : memref<8192xf32, #tpu.memory_space<vmem>>)
      tpu.yield
    }) : () -> ()
    "tpu.region"() ({
      %run_scoped3A = tpu.sem_alloc : memref<!tpu.dma_semaphore, #tpu.memory_space<semaphore_mem>>
      tpu.enqueue_dma source(%arg4 : memref<256xf32, #tpu.memory_space<hbm>>) target(%arg7 : memref<256xf32, #tpu.memory_space<vmem>>) target_semaphore(%run_scoped3A : memref<!tpu.dma_semaphore, #tpu.memory_space<semaphore_mem>>)
      tpu.wait_dma2 semaphore(%run_scoped3A : memref<!tpu.dma_semaphore, #tpu.memory_space<semaphore_mem>>) src(%arg4 : memref<256xf32, #tpu.memory_space<hbm>>) dst(%arg7 : memref<256xf32, #tpu.memory_space<vmem>>)
      tpu.yield
    }) : () -> ()
    %scan3A = arith.constant 0 : i32
    %scan3A_9 = arith.constant 16 : i32
    %scan3A_10 = arith.addi %scan3A, %scan3A_9 : i32
    %scan3A_11 = arith.constant 1 : i32
    scf.for %scan3A_13 = %scan3A to %scan3A_10 step %scan3A_11  : i32 {
      %mul3A_14 = arith.constant 16 : i32
      %mul3A_15 = arith.muli %scan3A_13, %mul3A_14 : i32
      %get3A = arith.index_cast %mul3A_15 : i32 to index
      %get3A_16 = tpu.vector_load %arg7[%get3A] {strides = array<i32>} : memref<256xf32, #tpu.memory_space<vmem>>, vector<16xf32>,
      %mul3A_17 = arith.constant 1048576 : i32
      %mul3A_18 = arith.muli %scan3A_13, %mul3A_17 : i32
      %mul3A_19 = arith.constant 65536 : i32
      %mul3A_20 = arith.muli %arg1, %mul3A_19 : i32
      %add3A_21 = arith.addi %mul3A_18, %mul3A_20 : i32
      %mul3A_22 = arith.constant 65536 : i32
      %mul3A_23 = arith.muli %arg1, %mul3A_22 : i32
      "tpu.region"() ({
        %run_scoped3A = tpu.sem_alloc : memref<!tpu.dma_semaphore, #tpu.memory_space<semaphore_mem>>
        %dma_start3A = tpu.memref_slice %arg14[%mul3A_23] : memref<1048576xf32, #tpu.memory_space<vmem_shared>> -> memref<65536xf32, #tpu.memory_space<vmem_shared>>
        %dma_start3A_30 = tpu.memref_slice %arg3[%add3A_21] : memref<16777216xf32, #tpu.memory_space<hbm>> -> memref<65536xf32, #tpu.memory_space<hbm>>
        tpu.enqueue_dma source(%dma_start3A_30 : memref<65536xf32, #tpu.memory_space<hbm>>) target(%dma_start3A : memref<65536xf32, #tpu.memory_space<vmem_shared>>) target_semaphore(%run_scoped3A : memref<!tpu.dma_semaphore, #tpu.memory_space<semaphore_mem>>)
        %dma_wait3A = tpu.memref_slice %arg14[%mul3A_23] : memref<1048576xf32, #tpu.memory_space<vmem_shared>> -> memref<65536xf32, #tpu.memory_space<vmem_shared>>
        %dma_wait3A_31 = tpu.memref_slice %arg3[%add3A_21] : memref<16777216xf32, #tpu.memory_space<hbm>> -> memref<65536xf32, #tpu.memory_space<hbm>>
        tpu.wait_dma2 semaphore(%run_scoped3A : memref<!tpu.dma_semaphore, #tpu.memory_space<semaphore_mem>>) src(%dma_wait3A_31 : memref<65536xf32, #tpu.memory_space<hbm>>) dst(%dma_wait3A : memref<65536xf32, #tpu.memory_space<vmem_shared>>)
        tpu.yield
      }) : () -> ()
      %barrier3A = arith.constant 0 : index
      tpu.barrier barrier_id(%barrier3A)
      %scan3A_24 = arith.constant 0 : i32
      %scan3A_25 = arith.constant 16 : i32
      %scan3A_26 = arith.addi %scan3A_24, %scan3A_25 : i32
      %scan3A_27 = arith.constant 1 : i32
      scf.for %scan3A_30 = %scan3A_24 to %scan3A_26 step %scan3A_27  : i32 {
        %mul3A_31 = arith.constant 512 : i32
        %mul3A_32 = arith.muli %scan3A_30, %mul3A_31 : i32
        %add3A_33 = arith.constant 0 : i32
        %add3A_34 = arith.addi %mul3A_32, %add3A_33 : i32
        %get3A_35 = arith.index_cast %add3A_34 : i32 to index
        %get3A_36 = tpu.vector_load %arg6[%get3A_35] {strides = array<i32>} : memref<24576xf32, #tpu.memory_space<vmem>>, vector<16xf32>,
        %add3A_37 = arith.constant 8192 : i32
        %add3A_38 = arith.addi %add3A_37, %add3A_34 : i32
        %get3A_39 = arith.index_cast %add3A_38 : i32 to index
        %get3A_40 = tpu.vector_load %arg6[%get3A_39] {strides = array<i32>} : memref<24576xf32, #tpu.memory_space<vmem>>, vector<16xf32>,
        %add3A_41 = arith.constant 16384 : i32
        %add3A_42 = arith.addi %add3A_41, %add3A_34 : i32
        %get3A_43 = arith.index_cast %add3A_42 : i32 to index
        %get3A_44 = tpu.vector_load %arg6[%get3A_43] {strides = array<i32>} : memref<24576xf32, #tpu.memory_space<vmem>>, vector<16xf32>,
        %mul3A_45 = arith.mulf %get3A_36, %get3A_16 : vector<16xf32>
        %convert_element_type3A = arith.fptosi %mul3A_45 : vector<16xf32> to vector<16xi32>
        %add3A_46 = arith.addi %convert_element_type3A, %convert_element_type3A : vector<16xi32>
        %add3A_47 = arith.constant 2 : i32
        %add3A_48 = vector.broadcast %add3A_47 : i32 to vector<16xi32>
        %add3A_49 = arith.addi %add3A_46, %add3A_48 : vector<16xi32>
        %mul3A_50 = arith.mulf %get3A_40, %get3A_16 : vector<16xf32>
        %convert_element_type3A_51 = arith.fptosi %mul3A_50 : vector<16xf32> to vector<16xi32>
        %mul3A_52 = arith.mulf %get3A_44, %get3A_16 : vector<16xf32>
        %convert_element_type3A_53 = arith.fptosi %mul3A_52 : vector<16xf32> to vector<16xi32>
        %mul3A_54 = arith.constant 1013904226 : i32
        %mul3A_55 = vector.broadcast %mul3A_54 : i32 to vector<16xi32>
        %mul3A_56 = arith.muli %convert_element_type3A_51, %mul3A_55 : vector<16xi32>
        %add3A_57 = arith.constant 1013904226 : i32
        %add3A_58 = vector.broadcast %add3A_57 : i32 to vector<16xi32>
        %add3A_59 = arith.addi %mul3A_56, %add3A_58 : vector<16xi32>
        %mul3A_60 = arith.constant 1610919722 : i32
        %mul3A_61 = vector.broadcast %mul3A_60 : i32 to vector<16xi32>
        %mul3A_62 = arith.muli %convert_element_type3A_53, %mul3A_61 : vector<16xi32>
        %add3A_63 = arith.constant 1610919722 : i32
        %add3A_64 = vector.broadcast %add3A_63 : i32 to vector<16xi32>
        %add3A_65 = arith.addi %mul3A_62, %add3A_64 : vector<16xi32>
        %xor3A = arith.xori %add3A_46, %mul3A_56 : vector<16xi32>
        %xor3A_66 = arith.xori %xor3A, %mul3A_62 : vector<16xi32>
        %and3A = arith.constant 1048574 : i32
        %and3A_67 = vector.broadcast %and3A : i32 to vector<16xi32>
        %and3A_68 = arith.andi %xor3A_66, %and3A_67 : vector<16xi32>
        %swap3A = arith.constant 0 : index
        %swap3A_69 = tpu.vector_load %arg10[%swap3A] {strides = array<i32>} : memref<1024xi32, #tpu.memory_space<vmem>>, vector<16xi32>,
        tpu.vector_store %arg10[%swap3A], %and3A_68 {strides = array<i32>} : memref<1024xi32, #tpu.memory_space<vmem>>, vector<16xi32>,
        %add3A_70 = arith.constant 1 : i32
        %add3A_71 = vector.broadcast %add3A_70 : i32 to vector<16xi32>
        %add3A_72 = arith.addi %and3A_68, %add3A_71 : vector<16xi32>
        %swap3A_73 = arith.constant 128 : index
        %swap3A_74 = tpu.vector_load %arg10[%swap3A_73] {strides = array<i32>} : memref<1024xi32, #tpu.memory_space<vmem>>, vector<16xi32>,
        tpu.vector_store %arg10[%swap3A_73], %add3A_72 {strides = array<i32>} : memref<1024xi32, #tpu.memory_space<vmem>>, vector<16xi32>,
        %xor3A_75 = arith.xori %add3A_46, %mul3A_56 : vector<16xi32>
        %xor3A_76 = arith.xori %xor3A_75, %add3A_65 : vector<16xi32>
        %and3A_77 = arith.constant 1048574 : i32
        %and3A_78 = vector.broadcast %and3A_77 : i32 to vector<16xi32>
        %and3A_79 = arith.andi %xor3A_76, %and3A_78 : vector<16xi32>
        %swap3A_80 = arith.constant 16 : index
        %swap3A_81 = tpu.vector_load %arg10[%swap3A_80] {strides = array<i32>} : memref<1024xi32, #tpu.memory_space<vmem>>, vector<16xi32>,
        tpu.vector_store %arg10[%swap3A_80], %and3A_79 {strides = array<i32>} : memref<1024xi32, #tpu.memory_space<vmem>>, vector<16xi32>,
        %add3A_82 = arith.constant 1 : i32
        %add3A_83 = vector.broadcast %add3A_82 : i32 to vector<16xi32>
        %add3A_84 = arith.addi %and3A_79, %add3A_83 : vector<16xi32>
        %swap3A_85 = arith.constant 144 : index
        %swap3A_86 = tpu.vector_load %arg10[%swap3A_85] {strides = array<i32>} : memref<1024xi32, #tpu.memory_space<vmem>>, vector<16xi32>,
        tpu.vector_store %arg10[%swap3A_85], %add3A_84 {strides = array<i32>} : memref<1024xi32, #tpu.memory_space<vmem>>, vector<16xi32>,
        %xor3A_87 = arith.xori %add3A_46, %add3A_59 : vector<16xi32>
        %xor3A_88 = arith.xori %xor3A_87, %mul3A_62 : vector<16xi32>
        %and3A_89 = arith.constant 1048574 : i32
        %and3A_90 = vector.broadcast %and3A_89 : i32 to vector<16xi32>
        %and3A_91 = arith.andi %xor3A_88, %and3A_90 : vector<16xi32>
        %swap3A_92 = arith.constant 32 : index
        %swap3A_93 = tpu.vector_load %arg10[%swap3A_92] {strides = array<i32>} : memref<1024xi32, #tpu.memory_space<vmem>>, vector<16xi32>,
        tpu.vector_store %arg10[%swap3A_92], %and3A_91 {strides = array<i32>} : memref<1024xi32, #tpu.memory_space<vmem>>, vector<16xi32>,
        %add3A_94 = arith.constant 1 : i32
        %add3A_95 = vector.broadcast %add3A_94 : i32 to vector<16xi32>
        %add3A_96 = arith.addi %and3A_91, %add3A_95 : vector<16xi32>
        %swap3A_97 = arith.constant 160 : index
        %swap3A_98 = tpu.vector_load %arg10[%swap3A_97] {strides = array<i32>} : memref<1024xi32, #tpu.memory_space<vmem>>, vector<16xi32>,
        tpu.vector_store %arg10[%swap3A_97], %add3A_96 {strides = array<i32>} : memref<1024xi32, #tpu.memory_space<vmem>>, vector<16xi32>,
        %xor3A_99 = arith.xori %add3A_46, %add3A_59 : vector<16xi32>
        %xor3A_100 = arith.xori %xor3A_99, %add3A_65 : vector<16xi32>
        %and3A_101 = arith.constant 1048574 : i32
        %and3A_102 = vector.broadcast %and3A_101 : i32 to vector<16xi32>
        %and3A_103 = arith.andi %xor3A_100, %and3A_102 : vector<16xi32>
        %swap3A_104 = arith.constant 48 : index
        %swap3A_105 = tpu.vector_load %arg10[%swap3A_104] {strides = array<i32>} : memref<1024xi32, #tpu.memory_space<vmem>>, vector<16xi32>,
        tpu.vector_store %arg10[%swap3A_104], %and3A_103 {strides = array<i32>} : memref<1024xi32, #tpu.memory_space<vmem>>, vector<16xi32>,
        %add3A_106 = arith.constant 1 : i32
        %add3A_107 = vector.broadcast %add3A_106 : i32 to vector<16xi32>
        %add3A_108 = arith.addi %and3A_103, %add3A_107 : vector<16xi32>
        %swap3A_109 = arith.constant 176 : index
        %swap3A_110 = tpu.vector_load %arg10[%swap3A_109] {strides = array<i32>} : memref<1024xi32, #tpu.memory_space<vmem>>, vector<16xi32>,
        tpu.vector_store %arg10[%swap3A_109], %add3A_108 {strides = array<i32>} : memref<1024xi32, #tpu.memory_space<vmem>>, vector<16xi32>,
        %xor3A_111 = arith.xori %add3A_49, %mul3A_56 : vector<16xi32>
        %xor3A_112 = arith.xori %xor3A_111, %mul3A_62 : vector<16xi32>
        %and3A_113 = arith.constant 1048574 : i32
        %and3A_114 = vector.broadcast %and3A_113 : i32 to vector<16xi32>
        %and3A_115 = arith.andi %xor3A_112, %and3A_114 : vector<16xi32>
        %swap3A_116 = arith.constant 64 : index
        %swap3A_117 = tpu.vector_load %arg10[%swap3A_116] {strides = array<i32>} : memref<1024xi32, #tpu.memory_space<vmem>>, vector<16xi32>,
        tpu.vector_store %arg10[%swap3A_116], %and3A_115 {strides = array<i32>} : memref<1024xi32, #tpu.memory_space<vmem>>, vector<16xi32>,
        %add3A_118 = arith.constant 1 : i32
        %add3A_119 = vector.broadcast %add3A_118 : i32 to vector<16xi32>
        %add3A_120 = arith.addi %and3A_115, %add3A_119 : vector<16xi32>
        %swap3A_121 = arith.constant 192 : index
        %swap3A_122 = tpu.vector_load %arg10[%swap3A_121] {strides = array<i32>} : memref<1024xi32, #tpu.memory_space<vmem>>, vector<16xi32>,
        tpu.vector_store %arg10[%swap3A_121], %add3A_120 {strides = array<i32>} : memref<1024xi32, #tpu.memory_space<vmem>>, vector<16xi32>,
        %xor3A_123 = arith.xori %add3A_49, %mul3A_56 : vector<16xi32>
        %xor3A_124 = arith.xori %xor3A_123, %add3A_65 : vector<16xi32>
        %and3A_125 = arith.constant 1048574 : i32
        %and3A_126 = vector.broadcast %and3A_125 : i32 to vector<16xi32>
        %and3A_127 = arith.andi %xor3A_124, %and3A_126 : vector<16xi32>
        %swap3A_128 = arith.constant 80 : index
        %swap3A_129 = tpu.vector_load %arg10[%swap3A_128] {strides = array<i32>} : memref<1024xi32, #tpu.memory_space<vmem>>, vector<16xi32>,
        tpu.vector_store %arg10[%swap3A_128], %and3A_127 {strides = array<i32>} : memref<1024xi32, #tpu.memory_space<vmem>>, vector<16xi32>,
        %add3A_130 = arith.constant 1 : i32
        %add3A_131 = vector.broadcast %add3A_130 : i32 to vector<16xi32>
        %add3A_132 = arith.addi %and3A_127, %add3A_131 : vector<16xi32>
        %swap3A_133 = arith.constant 208 : index
        %swap3A_134 = tpu.vector_load %arg10[%swap3A_133] {strides = array<i32>} : memref<1024xi32, #tpu.memory_space<vmem>>, vector<16xi32>,
        tpu.vector_store %arg10[%swap3A_133], %add3A_132 {strides = array<i32>} : memref<1024xi32, #tpu.memory_space<vmem>>, vector<16xi32>,
        %xor3A_135 = arith.xori %add3A_49, %add3A_59 : vector<16xi32>
        %xor3A_136 = arith.xori %xor3A_135, %mul3A_62 : vector<16xi32>
        %and3A_137 = arith.constant 1048574 : i32
        %and3A_138 = vector.broadcast %and3A_137 : i32 to vector<16xi32>
        %and3A_139 = arith.andi %xor3A_136, %and3A_138 : vector<16xi32>
        %swap3A_140 = arith.constant 96 : index
        %swap3A_141 = tpu.vector_load %arg10[%swap3A_140] {strides = array<i32>} : memref<1024xi32, #tpu.memory_space<vmem>>, vector<16xi32>,
        tpu.vector_store %arg10[%swap3A_140], %and3A_139 {strides = array<i32>} : memref<1024xi32, #tpu.memory_space<vmem>>, vector<16xi32>,
        %add3A_142 = arith.constant 1 : i32
        %add3A_143 = vector.broadcast %add3A_142 : i32 to vector<16xi32>
        %add3A_144 = arith.addi %and3A_139, %add3A_143 : vector<16xi32>
        %swap3A_145 = arith.constant 224 : index
        %swap3A_146 = tpu.vector_load %arg10[%swap3A_145] {strides = array<i32>} : memref<1024xi32, #tpu.memory_space<vmem>>, vector<16xi32>,
        tpu.vector_store %arg10[%swap3A_145], %add3A_144 {strides = array<i32>} : memref<1024xi32, #tpu.memory_space<vmem>>, vector<16xi32>,
        %xor3A_147 = arith.xori %add3A_49, %add3A_59 : vector<16xi32>
        %xor3A_148 = arith.xori %xor3A_147, %add3A_65 : vector<16xi32>
        %and3A_149 = arith.constant 1048574 : i32
        %and3A_150 = vector.broadcast %and3A_149 : i32 to vector<16xi32>
        %and3A_151 = arith.andi %xor3A_148, %and3A_150 : vector<16xi32>
        %swap3A_152 = arith.constant 112 : index
        %swap3A_153 = tpu.vector_load %arg10[%swap3A_152] {strides = array<i32>} : memref<1024xi32, #tpu.memory_space<vmem>>, vector<16xi32>,
        tpu.vector_store %arg10[%swap3A_152], %and3A_151 {strides = array<i32>} : memref<1024xi32, #tpu.memory_space<vmem>>, vector<16xi32>,
        %add3A_154 = arith.constant 1 : i32
        %add3A_155 = vector.broadcast %add3A_154 : i32 to vector<16xi32>
        %add3A_156 = arith.addi %and3A_151, %add3A_155 : vector<16xi32>
        %swap3A_157 = arith.constant 240 : index
        %swap3A_158 = tpu.vector_load %arg10[%swap3A_157] {strides = array<i32>} : memref<1024xi32, #tpu.memory_space<vmem>>, vector<16xi32>,
        tpu.vector_store %arg10[%swap3A_157], %add3A_156 {strides = array<i32>} : memref<1024xi32, #tpu.memory_space<vmem>>, vector<16xi32>,
        %add3A_159 = arith.constant 16 : i32
        %add3A_160 = arith.addi %mul3A_32, %add3A_159 : i32
        %get3A_161 = arith.index_cast %add3A_160 : i32 to index
        %get3A_162 = tpu.vector_load %arg6[%get3A_161] {strides = array<i32>} : memref<24576xf32, #tpu.memory_space<vmem>>, vector<16xf32>,
        %add3A_163 = arith.constant 8192 : i32
        %add3A_164 = arith.addi %add3A_163, %add3A_160 : i32
        %get3A_165 = arith.index_cast %add3A_164 : i32 to index
        %get3A_166 = tpu.vector_load %arg6[%get3A_165] {strides = array<i32>} : memref<24576xf32, #tpu.memory_space<vmem>>, vector<16xf32>,
        %add3A_167 = arith.constant 16384 : i32
        %add3A_168 = arith.addi %add3A_167, %add3A_160 : i32
        %get3A_169 = arith.index_cast %add3A_168 : i32 to index
        %get3A_170 = tpu.vector_load %arg6[%get3A_169] {strides = array<i32>} : memref<24576xf32, #tpu.memory_space<vmem>>, vector<16xf32>,
        %mul3A_171 = arith.mulf %get3A_162, %get3A_16 : vector<16xf32>
        %convert_element_type3A_172 = arith.fptosi %mul3A_171 : vector<16xf32> to vector<16xi32>
        %add3A_173 = arith.addi %convert_element_type3A_172, %convert_element_type3A_172 : vector<16xi32>
        %add3A_174 = arith.constant 2 : i32
        %add3A_175 = vector.broadcast %add3A_174 : i32 to vector<16xi32>
        %add3A_176 = arith.addi %add3A_173, %add3A_175 : vector<16xi32>
        %mul3A_177 = arith.mulf %get3A_166, %get3A_16 : vector<16xf32>
        %convert_element_type3A_178 = arith.fptosi %mul3A_177 : vector<16xf32> to vector<16xi32>
        %mul3A_179 = arith.mulf %get3A_170, %get3A_16 : vector<16xf32>
        %convert_element_type3A_180 = arith.fptosi %mul3A_179 : vector<16xf32> to vector<16xi32>
        %mul3A_181 = arith.constant 1013904226 : i32
        %mul3A_182 = vector.broadcast %mul3A_181 : i32 to vector<16xi32>
        %mul3A_183 = arith.muli %convert_element_type3A_178, %mul3A_182 : vector<16xi32>
        %add3A_184 = arith.constant 1013904226 : i32
        %add3A_185 = vector.broadcast %add3A_184 : i32 to vector<16xi32>
        %add3A_186 = arith.addi %mul3A_183, %add3A_185 : vector<16xi32>
        %mul3A_187 = arith.constant 1610919722 : i32
        %mul3A_188 = vector.broadcast %mul3A_187 : i32 to vector<16xi32>
        %mul3A_189 = arith.muli %convert_element_type3A_180, %mul3A_188 : vector<16xi32>
        %add3A_190 = arith.constant 1610919722 : i32
        %add3A_191 = vector.broadcast %add3A_190 : i32 to vector<16xi32>
        %add3A_192 = arith.addi %mul3A_189, %add3A_191 : vector<16xi32>
        %xor3A_193 = arith.xori %add3A_173, %mul3A_183 : vector<16xi32>
        %xor3A_194 = arith.xori %xor3A_193, %mul3A_189 : vector<16xi32>
        %and3A_195 = arith.constant 1048574 : i32
        %and3A_196 = vector.broadcast %and3A_195 : i32 to vector<16xi32>
        %and3A_197 = arith.andi %xor3A_194, %and3A_196 : vector<16xi32>
        %swap3A_198 = arith.constant 256 : index
        %swap3A_199 = tpu.vector_load %arg10[%swap3A_198] {strides = array<i32>} : memref<1024xi32, #tpu.memory_space<vmem>>, vector<16xi32>,
        tpu.vector_store %arg10[%swap3A_198], %and3A_197 {strides = array<i32>} : memref<1024xi32, #tpu.memory_space<vmem>>, vector<16xi32>,
        %add3A_200 = arith.constant 1 : i32
        %add3A_201 = vector.broadcast %add3A_200 : i32 to vector<16xi32>
        %add3A_202 = arith.addi %and3A_197, %add3A_201 : vector<16xi32>
        %swap3A_203 = arith.constant 384 : index
        %swap3A_204 = tpu.vector_load %arg10[%swap3A_203] {strides = array<i32>} : memref<1024xi32, #tpu.memory_space<vmem>>, vector<16xi32>,
        tpu.vector_store %arg10[%swap3A_203], %add3A_202 {strides = array<i32>} : memref<1024xi32, #tpu.memory_space<vmem>>, vector<16xi32>,
        %xor3A_205 = arith.xori %add3A_173, %mul3A_183 : vector<16xi32>
        %xor3A_206 = arith.xori %xor3A_205, %add3A_192 : vector<16xi32>
        %and3A_207 = arith.constant 1048574 : i32
        %and3A_208 = vector.broadcast %and3A_207 : i32 to vector<16xi32>
        %and3A_209 = arith.andi %xor3A_206, %and3A_208 : vector<16xi32>
        %swap3A_210 = arith.constant 272 : index
        %swap3A_211 = tpu.vector_load %arg10[%swap3A_210] {strides = array<i32>} : memref<1024xi32, #tpu.memory_space<vmem>>, vector<16xi32>,
        tpu.vector_store %arg10[%swap3A_210], %and3A_209 {strides = array<i32>} : memref<1024xi32, #tpu.memory_space<vmem>>, vector<16xi32>,
        %add3A_212 = arith.constant 1 : i32
        %add3A_213 = vector.broadcast %add3A_212 : i32 to vector<16xi32>
        %add3A_214 = arith.addi %and3A_209, %add3A_213 : vector<16xi32>
        %swap3A_215 = arith.constant 400 : index
        %swap3A_216 = tpu.vector_load %arg10[%swap3A_215] {strides = array<i32>} : memref<1024xi32, #tpu.memory_space<vmem>>, vector<16xi32>,
        tpu.vector_store %arg10[%swap3A_215], %add3A_214 {strides = array<i32>} : memref<1024xi32, #tpu.memory_space<vmem>>, vector<16xi32>,
        %xor3A_217 = arith.xori %add3A_173, %add3A_186 : vector<16xi32>
        %xor3A_218 = arith.xori %xor3A_217, %mul3A_189 : vector<16xi32>
        %and3A_219 = arith.constant 1048574 : i32
        %and3A_220 = vector.broadcast %and3A_219 : i32 to vector<16xi32>
        %and3A_221 = arith.andi %xor3A_218, %and3A_220 : vector<16xi32>
        %swap3A_222 = arith.constant 288 : index
        %swap3A_223 = tpu.vector_load %arg10[%swap3A_222] {strides = array<i32>} : memref<1024xi32, #tpu.memory_space<vmem>>, vector<16xi32>,
        tpu.vector_store %arg10[%swap3A_222], %and3A_221 {strides = array<i32>} : memref<1024xi32, #tpu.memory_space<vmem>>, vector<16xi32>,
        %add3A_224 = arith.constant 1 : i32
        %add3A_225 = vector.broadcast %add3A_224 : i32 to vector<16xi32>
        %add3A_226 = arith.addi %and3A_221, %add3A_225 : vector<16xi32>
        %swap3A_227 = arith.constant 416 : index
        %swap3A_228 = tpu.vector_load %arg10[%swap3A_227] {strides = array<i32>} : memref<1024xi32, #tpu.memory_space<vmem>>, vector<16xi32>,
        tpu.vector_store %arg10[%swap3A_227], %add3A_226 {strides = array<i32>} : memref<1024xi32, #tpu.memory_space<vmem>>, vector<16xi32>,
        %xor3A_229 = arith.xori %add3A_173, %add3A_186 : vector<16xi32>
        %xor3A_230 = arith.xori %xor3A_229, %add3A_192 : vector<16xi32>
        %and3A_231 = arith.constant 1048574 : i32
        %and3A_232 = vector.broadcast %and3A_231 : i32 to vector<16xi32>
        %and3A_233 = arith.andi %xor3A_230, %and3A_232 : vector<16xi32>
        %swap3A_234 = arith.constant 304 : index
        %swap3A_235 = tpu.vector_load %arg10[%swap3A_234] {strides = array<i32>} : memref<1024xi32, #tpu.memory_space<vmem>>, vector<16xi32>,
        tpu.vector_store %arg10[%swap3A_234], %and3A_233 {strides = array<i32>} : memref<1024xi32, #tpu.memory_space<vmem>>, vector<16xi32>,
        %add3A_236 = arith.constant 1 : i32
        %add3A_237 = vector.broadcast %add3A_236 : i32 to vector<16xi32>
        %add3A_238 = arith.addi %and3A_233, %add3A_237 : vector<16xi32>
        %swap3A_239 = arith.constant 432 : index
        %swap3A_240 = tpu.vector_load %arg10[%swap3A_239] {strides = array<i32>} : memref<1024xi32, #tpu.memory_space<vmem>>, vector<16xi32>,
        tpu.vector_store %arg10[%swap3A_239], %add3A_238 {strides = array<i32>} : memref<1024xi32, #tpu.memory_space<vmem>>, vector<16xi32>,
        %xor3A_241 = arith.xori %add3A_176, %mul3A_183 : vector<16xi32>
        %xor3A_242 = arith.xori %xor3A_241, %mul3A_189 : vector<16xi32>
        %and3A_243 = arith.constant 1048574 : i32
        %and3A_244 = vector.broadcast %and3A_243 : i32 to vector<16xi32>
        %and3A_245 = arith.andi %xor3A_242, %and3A_244 : vector<16xi32>
        %swap3A_246 = arith.constant 320 : index
        %swap3A_247 = tpu.vector_load %arg10[%swap3A_246] {strides = array<i32>} : memref<1024xi32, #tpu.memory_space<vmem>>, vector<16xi32>,
        tpu.vector_store %arg10[%swap3A_246], %and3A_245 {strides = array<i32>} : memref<1024xi32, #tpu.memory_space<vmem>>, vector<16xi32>,
        %add3A_248 = arith.constant 1 : i32
        %add3A_249 = vector.broadcast %add3A_248 : i32 to vector<16xi32>
        %add3A_250 = arith.addi %and3A_245, %add3A_249 : vector<16xi32>
        %swap3A_251 = arith.constant 448 : index
        %swap3A_252 = tpu.vector_load %arg10[%swap3A_251] {strides = array<i32>} : memref<1024xi32, #tpu.memory_space<vmem>>, vector<16xi32>,
        tpu.vector_store %arg10[%swap3A_251], %add3A_250 {strides = array<i32>} : memref<1024xi32, #tpu.memory_space<vmem>>, vector<16xi32>,
        %xor3A_253 = arith.xori %add3A_176, %mul3A_183 : vector<16xi32>
        %xor3A_254 = arith.xori %xor3A_253, %add3A_192 : vector<16xi32>
        %and3A_255 = arith.constant 1048574 : i32
        %and3A_256 = vector.broadcast %and3A_255 : i32 to vector<16xi32>
        %and3A_257 = arith.andi %xor3A_254, %and3A_256 : vector<16xi32>
        %swap3A_258 = arith.constant 336 : index
        %swap3A_259 = tpu.vector_load %arg10[%swap3A_258] {strides = array<i32>} : memref<1024xi32, #tpu.memory_space<vmem>>, vector<16xi32>,
        tpu.vector_store %arg10[%swap3A_258], %and3A_257 {strides = array<i32>} : memref<1024xi32, #tpu.memory_space<vmem>>, vector<16xi32>,
        %add3A_260 = arith.constant 1 : i32
        %add3A_261 = vector.broadcast %add3A_260 : i32 to vector<16xi32>
        %add3A_262 = arith.addi %and3A_257, %add3A_261 : vector<16xi32>
        %swap3A_263 = arith.constant 464 : index
        %swap3A_264 = tpu.vector_load %arg10[%swap3A_263] {strides = array<i32>} : memref<1024xi32, #tpu.memory_space<vmem>>, vector<16xi32>,
        tpu.vector_store %arg10[%swap3A_263], %add3A_262 {strides = array<i32>} : memref<1024xi32, #tpu.memory_space<vmem>>, vector<16xi32>,
        %xor3A_265 = arith.xori %add3A_176, %add3A_186 : vector<16xi32>
        %xor3A_266 = arith.xori %xor3A_265, %mul3A_189 : vector<16xi32>
        %and3A_267 = arith.constant 1048574 : i32
        %and3A_268 = vector.broadcast %and3A_267 : i32 to vector<16xi32>
        %and3A_269 = arith.andi %xor3A_266, %and3A_268 : vector<16xi32>
        %swap3A_270 = arith.constant 352 : index
        %swap3A_271 = tpu.vector_load %arg10[%swap3A_270] {strides = array<i32>} : memref<1024xi32, #tpu.memory_space<vmem>>, vector<16xi32>,
        tpu.vector_store %arg10[%swap3A_270], %and3A_269 {strides = array<i32>} : memref<1024xi32, #tpu.memory_space<vmem>>, vector<16xi32>,
        %add3A_272 = arith.constant 1 : i32
        %add3A_273 = vector.broadcast %add3A_272 : i32 to vector<16xi32>
        %add3A_274 = arith.addi %and3A_269, %add3A_273 : vector<16xi32>
        %swap3A_275 = arith.constant 480 : index
        %swap3A_276 = tpu.vector_load %arg10[%swap3A_275] {strides = array<i32>} : memref<1024xi32, #tpu.memory_space<vmem>>, vector<16xi32>,
        tpu.vector_store %arg10[%swap3A_275], %add3A_274 {strides = array<i32>} : memref<1024xi32, #tpu.memory_space<vmem>>, vector<16xi32>,
        %xor3A_277 = arith.xori %add3A_176, %add3A_186 : vector<16xi32>
        %xor3A_278 = arith.xori %xor3A_277, %add3A_192 : vector<16xi32>
        %and3A_279 = arith.constant 1048574 : i32
        %and3A_280 = vector.broadcast %and3A_279 : i32 to vector<16xi32>
        %and3A_281 = arith.andi %xor3A_278, %and3A_280 : vector<16xi32>
        %swap3A_282 = arith.constant 368 : index
        %swap3A_283 = tpu.vector_load %arg10[%swap3A_282] {strides = array<i32>} : memref<1024xi32, #tpu.memory_space<vmem>>, vector<16xi32>,
        tpu.vector_store %arg10[%swap3A_282], %and3A_281 {strides = array<i32>} : memref<1024xi32, #tpu.memory_space<vmem>>, vector<16xi32>,
        %add3A_284 = arith.constant 1 : i32
        %add3A_285 = vector.broadcast %add3A_284 : i32 to vector<16xi32>
        %add3A_286 = arith.addi %and3A_281, %add3A_285 : vector<16xi32>
        %swap3A_287 = arith.constant 496 : index
        %swap3A_288 = tpu.vector_load %arg10[%swap3A_287] {strides = array<i32>} : memref<1024xi32, #tpu.memory_space<vmem>>, vector<16xi32>,
        tpu.vector_store %arg10[%swap3A_287], %add3A_286 {strides = array<i32>} : memref<1024xi32, #tpu.memory_space<vmem>>, vector<16xi32>,
        %add3A_289 = arith.constant 32 : i32
        %add3A_290 = arith.addi %mul3A_32, %add3A_289 : i32
        %get3A_291 = arith.index_cast %add3A_290 : i32 to index
        %get3A_292 = tpu.vector_load %arg6[%get3A_291] {strides = array<i32>} : memref<24576xf32, #tpu.memory_space<vmem>>, vector<16xf32>,
        %add3A_293 = arith.constant 8192 : i32
        %add3A_294 = arith.addi %add3A_293, %add3A_290 : i32
        %get3A_295 = arith.index_cast %add3A_294 : i32 to index
        %get3A_296 = tpu.vector_load %arg6[%get3A_295] {strides = array<i32>} : memref<24576xf32, #tpu.memory_space<vmem>>, vector<16xf32>,
        %add3A_297 = arith.constant 16384 : i32
        %add3A_298 = arith.addi %add3A_297, %add3A_290 : i32
        %get3A_299 = arith.index_cast %add3A_298 : i32 to index
        %get3A_300 = tpu.vector_load %arg6[%get3A_299] {strides = array<i32>} : memref<24576xf32, #tpu.memory_space<vmem>>, vector<16xf32>,
        %mul3A_301 = arith.mulf %get3A_292, %get3A_16 : vector<16xf32>
        %convert_element_type3A_302 = arith.fptosi %mul3A_301 : vector<16xf32> to vector<16xi32>
        %add3A_303 = arith.addi %convert_element_type3A_302, %convert_element_type3A_302 : vector<16xi32>
        %add3A_304 = arith.constant 2 : i32
        %add3A_305 = vector.broadcast %add3A_304 : i32 to vector<16xi32>
        %add3A_306 = arith.addi %add3A_303, %add3A_305 : vector<16xi32>
        %mul3A_307 = arith.mulf %get3A_296, %get3A_16 : vector<16xf32>
        %convert_element_type3A_308 = arith.fptosi %mul3A_307 : vector<16xf32> to vector<16xi32>
        %mul3A_309 = arith.mulf %get3A_300, %get3A_16 : vector<16xf32>
        %convert_element_type3A_310 = arith.fptosi %mul3A_309 : vector<16xf32> to vector<16xi32>
        %mul3A_311 = arith.constant 1013904226 : i32
        %mul3A_312 = vector.broadcast %mul3A_311 : i32 to vector<16xi32>
        %mul3A_313 = arith.muli %convert_element_type3A_308, %mul3A_312 : vector<16xi32>
        %add3A_314 = arith.constant 1013904226 : i32
        %add3A_315 = vector.broadcast %add3A_314 : i32 to vector<16xi32>
        %add3A_316 = arith.addi %mul3A_313, %add3A_315 : vector<16xi32>
        %mul3A_317 = arith.constant 1610919722 : i32
        %mul3A_318 = vector.broadcast %mul3A_317 : i32 to vector<16xi32>
        %mul3A_319 = arith.muli %convert_element_type3A_310, %mul3A_318 : vector<16xi32>
        %add3A_320 = arith.constant 1610919722 : i32
        %add3A_321 = vector.broadcast %add3A_320 : i32 to vector<16xi32>
        %add3A_322 = arith.addi %mul3A_319, %add3A_321 : vector<16xi32>
        %xor3A_323 = arith.xori %add3A_303, %mul3A_313 : vector<16xi32>
        %xor3A_324 = arith.xori %xor3A_323, %mul3A_319 : vector<16xi32>
        %and3A_325 = arith.constant 1048574 : i32
        %and3A_326 = vector.broadcast %and3A_325 : i32 to vector<16xi32>
        %and3A_327 = arith.andi %xor3A_324, %and3A_326 : vector<16xi32>
        %swap3A_328 = arith.constant 512 : index
        %swap3A_329 = tpu.vector_load %arg10[%swap3A_328] {strides = array<i32>} : memref<1024xi32, #tpu.memory_space<vmem>>, vector<16xi32>,
        tpu.vector_store %arg10[%swap3A_328], %and3A_327 {strides = array<i32>} : memref<1024xi32, #tpu.memory_space<vmem>>, vector<16xi32>,
        %add3A_330 = arith.constant 1 : i32
        %add3A_331 = vector.broadcast %add3A_330 : i32 to vector<16xi32>
        %add3A_332 = arith.addi %and3A_327, %add3A_331 : vector<16xi32>
        %swap3A_333 = arith.constant 640 : index
        %swap3A_334 = tpu.vector_load %arg10[%swap3A_333] {strides = array<i32>} : memref<1024xi32, #tpu.memory_space<vmem>>, vector<16xi32>,
        tpu.vector_store %arg10[%swap3A_333], %add3A_332 {strides = array<i32>} : memref<1024xi32, #tpu.memory_space<vmem>>, vector<16xi32>,
        %xor3A_335 = arith.xori %add3A_303, %mul3A_313 : vector<16xi32>
        %xor3A_336 = arith.xori %xor3A_335, %add3A_322 : vector<16xi32>
        %and3A_337 = arith.constant 1048574 : i32
        %and3A_338 = vector.broadcast %and3A_337 : i32 to vector<16xi32>
        %and3A_339 = arith.andi %xor3A_336, %and3A_338 : vector<16xi32>
        %swap3A_340 = arith.constant 528 : index
        %swap3A_341 = tpu.vector_load %arg10[%swap3A_340] {strides = array<i32>} : memref<1024xi32, #tpu.memory_space<vmem>>, vector<16xi32>,
        tpu.vector_store %arg10[%swap3A_340], %and3A_339 {strides = array<i32>} : memref<1024xi32, #tpu.memory_space<vmem>>, vector<16xi32>,
        %add3A_342 = arith.constant 1 : i32
        %add3A_343 = vector.broadcast %add3A_342 : i32 to vector<16xi32>
        %add3A_344 = arith.addi %and3A_339, %add3A_343 : vector<16xi32>
        %swap3A_345 = arith.constant 656 : index
        %swap3A_346 = tpu.vector_load %arg10[%swap3A_345] {strides = array<i32>} : memref<1024xi32, #tpu.memory_space<vmem>>, vector<16xi32>,
        tpu.vector_store %arg10[%swap3A_345], %add3A_344 {strides = array<i32>} : memref<1024xi32, #tpu.memory_space<vmem>>, vector<16xi32>,
        %xor3A_347 = arith.xori %add3A_303, %add3A_316 : vector<16xi32>
        %xor3A_348 = arith.xori %xor3A_347, %mul3A_319 : vector<16xi32>
        %and3A_349 = arith.constant 1048574 : i32
        %and3A_350 = vector.broadcast %and3A_349 : i32 to vector<16xi32>
        %and3A_351 = arith.andi %xor3A_348, %and3A_350 : vector<16xi32>
        %swap3A_352 = arith.constant 544 : index
        %swap3A_353 = tpu.vector_load %arg10[%swap3A_352] {strides = array<i32>} : memref<1024xi32, #tpu.memory_space<vmem>>, vector<16xi32>,
        tpu.vector_store %arg10[%swap3A_352], %and3A_351 {strides = array<i32>} : memref<1024xi32, #tpu.memory_space<vmem>>, vector<16xi32>,
        %add3A_354 = arith.constant 1 : i32
        %add3A_355 = vector.broadcast %add3A_354 : i32 to vector<16xi32>
        %add3A_356 = arith.addi %and3A_351, %add3A_355 : vector<16xi32>
        %swap3A_357 = arith.constant 672 : index
        %swap3A_358 = tpu.vector_load %arg10[%swap3A_357] {strides = array<i32>} : memref<1024xi32, #tpu.memory_space<vmem>>, vector<16xi32>,
        tpu.vector_store %arg10[%swap3A_357], %add3A_356 {strides = array<i32>} : memref<1024xi32, #tpu.memory_space<vmem>>, vector<16xi32>,
        %xor3A_359 = arith.xori %add3A_303, %add3A_316 : vector<16xi32>
        %xor3A_360 = arith.xori %xor3A_359, %add3A_322 : vector<16xi32>
        %and3A_361 = arith.constant 1048574 : i32
        %and3A_362 = vector.broadcast %and3A_361 : i32 to vector<16xi32>
        %and3A_363 = arith.andi %xor3A_360, %and3A_362 : vector<16xi32>
        %swap3A_364 = arith.constant 560 : index
        %swap3A_365 = tpu.vector_load %arg10[%swap3A_364] {strides = array<i32>} : memref<1024xi32, #tpu.memory_space<vmem>>, vector<16xi32>,
        tpu.vector_store %arg10[%swap3A_364], %and3A_363 {strides = array<i32>} : memref<1024xi32, #tpu.memory_space<vmem>>, vector<16xi32>,
        %add3A_366 = arith.constant 1 : i32
        %add3A_367 = vector.broadcast %add3A_366 : i32 to vector<16xi32>
        %add3A_368 = arith.addi %and3A_363, %add3A_367 : vector<16xi32>
        %swap3A_369 = arith.constant 688 : index
        %swap3A_370 = tpu.vector_load %arg10[%swap3A_369] {strides = array<i32>} : memref<1024xi32, #tpu.memory_space<vmem>>, vector<16xi32>,
        tpu.vector_store %arg10[%swap3A_369], %add3A_368 {strides = array<i32>} : memref<1024xi32, #tpu.memory_space<vmem>>, vector<16xi32>,
        %xor3A_371 = arith.xori %add3A_306, %mul3A_313 : vector<16xi32>
        %xor3A_372 = arith.xori %xor3A_371, %mul3A_319 : vector<16xi32>
        %and3A_373 = arith.constant 1048574 : i32
        %and3A_374 = vector.broadcast %and3A_373 : i32 to vector<16xi32>
        %and3A_375 = arith.andi %xor3A_372, %and3A_374 : vector<16xi32>
        %swap3A_376 = arith.constant 576 : index
        %swap3A_377 = tpu.vector_load %arg10[%swap3A_376] {strides = array<i32>} : memref<1024xi32, #tpu.memory_space<vmem>>, vector<16xi32>,
        tpu.vector_store %arg10[%swap3A_376], %and3A_375 {strides = array<i32>} : memref<1024xi32, #tpu.memory_space<vmem>>, vector<16xi32>,
        %add3A_378 = arith.constant 1 : i32
        %add3A_379 = vector.broadcast %add3A_378 : i32 to vector<16xi32>
        %add3A_380 = arith.addi %and3A_375, %add3A_379 : vector<16xi32>
        %swap3A_381 = arith.constant 704 : index
        %swap3A_382 = tpu.vector_load %arg10[%swap3A_381] {strides = array<i32>} : memref<1024xi32, #tpu.memory_space<vmem>>, vector<16xi32>,
        tpu.vector_store %arg10[%swap3A_381], %add3A_380 {strides = array<i32>} : memref<1024xi32, #tpu.memory_space<vmem>>, vector<16xi32>,
        %xor3A_383 = arith.xori %add3A_306, %mul3A_313 : vector<16xi32>
        %xor3A_384 = arith.xori %xor3A_383, %add3A_322 : vector<16xi32>
        %and3A_385 = arith.constant 1048574 : i32
        %and3A_386 = vector.broadcast %and3A_385 : i32 to vector<16xi32>
        %and3A_387 = arith.andi %xor3A_384, %and3A_386 : vector<16xi32>
        %swap3A_388 = arith.constant 592 : index
        %swap3A_389 = tpu.vector_load %arg10[%swap3A_388] {strides = array<i32>} : memref<1024xi32, #tpu.memory_space<vmem>>, vector<16xi32>,
        tpu.vector_store %arg10[%swap3A_388], %and3A_387 {strides = array<i32>} : memref<1024xi32, #tpu.memory_space<vmem>>, vector<16xi32>,
        %add3A_390 = arith.constant 1 : i32
        %add3A_391 = vector.broadcast %add3A_390 : i32 to vector<16xi32>
        %add3A_392 = arith.addi %and3A_387, %add3A_391 : vector<16xi32>
        %swap3A_393 = arith.constant 720 : index
        %swap3A_394 = tpu.vector_load %arg10[%swap3A_393] {strides = array<i32>} : memref<1024xi32, #tpu.memory_space<vmem>>, vector<16xi32>,
        tpu.vector_store %arg10[%swap3A_393], %add3A_392 {strides = array<i32>} : memref<1024xi32, #tpu.memory_space<vmem>>, vector<16xi32>,
        %xor3A_395 = arith.xori %add3A_306, %add3A_316 : vector<16xi32>
        %xor3A_396 = arith.xori %xor3A_395, %mul3A_319 : vector<16xi32>
        %and3A_397 = arith.constant 1048574 : i32
        %and3A_398 = vector.broadcast %and3A_397 : i32 to vector<16xi32>
        %and3A_399 = arith.andi %xor3A_396, %and3A_398 : vector<16xi32>
        %swap3A_400 = arith.constant 608 : index
        %swap3A_401 = tpu.vector_load %arg10[%swap3A_400] {strides = array<i32>} : memref<1024xi32, #tpu.memory_space<vmem>>, vector<16xi32>,
        tpu.vector_store %arg10[%swap3A_400], %and3A_399 {strides = array<i32>} : memref<1024xi32, #tpu.memory_space<vmem>>, vector<16xi32>,
        %add3A_402 = arith.constant 1 : i32
        %add3A_403 = vector.broadcast %add3A_402 : i32 to vector<16xi32>
        %add3A_404 = arith.addi %and3A_399, %add3A_403 : vector<16xi32>
        %swap3A_405 = arith.constant 736 : index
        %swap3A_406 = tpu.vector_load %arg10[%swap3A_405] {strides = array<i32>} : memref<1024xi32, #tpu.memory_space<vmem>>, vector<16xi32>,
        tpu.vector_store %arg10[%swap3A_405], %add3A_404 {strides = array<i32>} : memref<1024xi32, #tpu.memory_space<vmem>>, vector<16xi32>,
        %xor3A_407 = arith.xori %add3A_306, %add3A_316 : vector<16xi32>
        %xor3A_408 = arith.xori %xor3A_407, %add3A_322 : vector<16xi32>
        %and3A_409 = arith.constant 1048574 : i32
        %and3A_410 = vector.broadcast %and3A_409 : i32 to vector<16xi32>
        %and3A_411 = arith.andi %xor3A_408, %and3A_410 : vector<16xi32>
        %swap3A_412 = arith.constant 624 : index
        %swap3A_413 = tpu.vector_load %arg10[%swap3A_412] {strides = array<i32>} : memref<1024xi32, #tpu.memory_space<vmem>>, vector<16xi32>,
        tpu.vector_store %arg10[%swap3A_412], %and3A_411 {strides = array<i32>} : memref<1024xi32, #tpu.memory_space<vmem>>, vector<16xi32>,
        %add3A_414 = arith.constant 1 : i32
        %add3A_415 = vector.broadcast %add3A_414 : i32 to vector<16xi32>
        %add3A_416 = arith.addi %and3A_411, %add3A_415 : vector<16xi32>
        %swap3A_417 = arith.constant 752 : index
        %swap3A_418 = tpu.vector_load %arg10[%swap3A_417] {strides = array<i32>} : memref<1024xi32, #tpu.memory_space<vmem>>, vector<16xi32>,
        tpu.vector_store %arg10[%swap3A_417], %add3A_416 {strides = array<i32>} : memref<1024xi32, #tpu.memory_space<vmem>>, vector<16xi32>,
        %add3A_419 = arith.constant 48 : i32
        %add3A_420 = arith.addi %mul3A_32, %add3A_419 : i32
        %get3A_421 = arith.index_cast %add3A_420 : i32 to index
        %get3A_422 = tpu.vector_load %arg6[%get3A_421] {strides = array<i32>} : memref<24576xf32, #tpu.memory_space<vmem>>, vector<16xf32>,
        %add3A_423 = arith.constant 8192 : i32
        %add3A_424 = arith.addi %add3A_423, %add3A_420 : i32
        %get3A_425 = arith.index_cast %add3A_424 : i32 to index
        %get3A_426 = tpu.vector_load %arg6[%get3A_425] {strides = array<i32>} : memref<24576xf32, #tpu.memory_space<vmem>>, vector<16xf32>,
        %add3A_427 = arith.constant 16384 : i32
        %add3A_428 = arith.addi %add3A_427, %add3A_420 : i32
        %get3A_429 = arith.index_cast %add3A_428 : i32 to index
        %get3A_430 = tpu.vector_load %arg6[%get3A_429] {strides = array<i32>} : memref<24576xf32, #tpu.memory_space<vmem>>, vector<16xf32>,
        %mul3A_431 = arith.mulf %get3A_422, %get3A_16 : vector<16xf32>
        %convert_element_type3A_432 = arith.fptosi %mul3A_431 : vector<16xf32> to vector<16xi32>
        %add3A_433 = arith.addi %convert_element_type3A_432, %convert_element_type3A_432 : vector<16xi32>
        %add3A_434 = arith.constant 2 : i32
        %add3A_435 = vector.broadcast %add3A_434 : i32 to vector<16xi32>
        %add3A_436 = arith.addi %add3A_433, %add3A_435 : vector<16xi32>
        %mul3A_437 = arith.mulf %get3A_426, %get3A_16 : vector<16xf32>
        %convert_element_type3A_438 = arith.fptosi %mul3A_437 : vector<16xf32> to vector<16xi32>
        %mul3A_439 = arith.mulf %get3A_430, %get3A_16 : vector<16xf32>
        %convert_element_type3A_440 = arith.fptosi %mul3A_439 : vector<16xf32> to vector<16xi32>
        %mul3A_441 = arith.constant 1013904226 : i32
        %mul3A_442 = vector.broadcast %mul3A_441 : i32 to vector<16xi32>
        %mul3A_443 = arith.muli %convert_element_type3A_438, %mul3A_442 : vector<16xi32>
        %add3A_444 = arith.constant 1013904226 : i32
        %add3A_445 = vector.broadcast %add3A_444 : i32 to vector<16xi32>
        %add3A_446 = arith.addi %mul3A_443, %add3A_445 : vector<16xi32>
        %mul3A_447 = arith.constant 1610919722 : i32
        %mul3A_448 = vector.broadcast %mul3A_447 : i32 to vector<16xi32>
        %mul3A_449 = arith.muli %convert_element_type3A_440, %mul3A_448 : vector<16xi32>
        %add3A_450 = arith.constant 1610919722 : i32
        %add3A_451 = vector.broadcast %add3A_450 : i32 to vector<16xi32>
        %add3A_452 = arith.addi %mul3A_449, %add3A_451 : vector<16xi32>
        %xor3A_453 = arith.xori %add3A_433, %mul3A_443 : vector<16xi32>
        %xor3A_454 = arith.xori %xor3A_453, %mul3A_449 : vector<16xi32>
        %and3A_455 = arith.constant 1048574 : i32
        %and3A_456 = vector.broadcast %and3A_455 : i32 to vector<16xi32>
        %and3A_457 = arith.andi %xor3A_454, %and3A_456 : vector<16xi32>
        %swap3A_458 = arith.constant 768 : index
        %swap3A_459 = tpu.vector_load %arg10[%swap3A_458] {strides = array<i32>} : memref<1024xi32, #tpu.memory_space<vmem>>, vector<16xi32>,
        tpu.vector_store %arg10[%swap3A_458], %and3A_457 {strides = array<i32>} : memref<1024xi32, #tpu.memory_space<vmem>>, vector<16xi32>,
        %add3A_460 = arith.constant 1 : i32
        %add3A_461 = vector.broadcast %add3A_460 : i32 to vector<16xi32>
        %add3A_462 = arith.addi %and3A_457, %add3A_461 : vector<16xi32>
        %swap3A_463 = arith.constant 896 : index
        %swap3A_464 = tpu.vector_load %arg10[%swap3A_463] {strides = array<i32>} : memref<1024xi32, #tpu.memory_space<vmem>>, vector<16xi32>,
        tpu.vector_store %arg10[%swap3A_463], %add3A_462 {strides = array<i32>} : memref<1024xi32, #tpu.memory_space<vmem>>, vector<16xi32>,
        %xor3A_465 = arith.xori %add3A_433, %mul3A_443 : vector<16xi32>
        %xor3A_466 = arith.xori %xor3A_465, %add3A_452 : vector<16xi32>
        %and3A_467 = arith.constant 1048574 : i32
        %and3A_468 = vector.broadcast %and3A_467 : i32 to vector<16xi32>
        %and3A_469 = arith.andi %xor3A_466, %and3A_468 : vector<16xi32>
        %swap3A_470 = arith.constant 784 : index
        %swap3A_471 = tpu.vector_load %arg10[%swap3A_470] {strides = array<i32>} : memref<1024xi32, #tpu.memory_space<vmem>>, vector<16xi32>,
        tpu.vector_store %arg10[%swap3A_470], %and3A_469 {strides = array<i32>} : memref<1024xi32, #tpu.memory_space<vmem>>, vector<16xi32>,
        %add3A_472 = arith.constant 1 : i32
        %add3A_473 = vector.broadcast %add3A_472 : i32 to vector<16xi32>
        %add3A_474 = arith.addi %and3A_469, %add3A_473 : vector<16xi32>
        %swap3A_475 = arith.constant 912 : index
        %swap3A_476 = tpu.vector_load %arg10[%swap3A_475] {strides = array<i32>} : memref<1024xi32, #tpu.memory_space<vmem>>, vector<16xi32>,
        tpu.vector_store %arg10[%swap3A_475], %add3A_474 {strides = array<i32>} : memref<1024xi32, #tpu.memory_space<vmem>>, vector<16xi32>,
        %xor3A_477 = arith.xori %add3A_433, %add3A_446 : vector<16xi32>
        %xor3A_478 = arith.xori %xor3A_477, %mul3A_449 : vector<16xi32>
        %and3A_479 = arith.constant 1048574 : i32
        %and3A_480 = vector.broadcast %and3A_479 : i32 to vector<16xi32>
        %and3A_481 = arith.andi %xor3A_478, %and3A_480 : vector<16xi32>
        %swap3A_482 = arith.constant 800 : index
        %swap3A_483 = tpu.vector_load %arg10[%swap3A_482] {strides = array<i32>} : memref<1024xi32, #tpu.memory_space<vmem>>, vector<16xi32>,
        tpu.vector_store %arg10[%swap3A_482], %and3A_481 {strides = array<i32>} : memref<1024xi32, #tpu.memory_space<vmem>>, vector<16xi32>,
        %add3A_484 = arith.constant 1 : i32
        %add3A_485 = vector.broadcast %add3A_484 : i32 to vector<16xi32>
        %add3A_486 = arith.addi %and3A_481, %add3A_485 : vector<16xi32>
        %swap3A_487 = arith.constant 928 : index
        %swap3A_488 = tpu.vector_load %arg10[%swap3A_487] {strides = array<i32>} : memref<1024xi32, #tpu.memory_space<vmem>>, vector<16xi32>,
        tpu.vector_store %arg10[%swap3A_487], %add3A_486 {strides = array<i32>} : memref<1024xi32, #tpu.memory_space<vmem>>, vector<16xi32>,
        %xor3A_489 = arith.xori %add3A_433, %add3A_446 : vector<16xi32>
        %xor3A_490 = arith.xori %xor3A_489, %add3A_452 : vector<16xi32>
        %and3A_491 = arith.constant 1048574 : i32
        %and3A_492 = vector.broadcast %and3A_491 : i32 to vector<16xi32>
        %and3A_493 = arith.andi %xor3A_490, %and3A_492 : vector<16xi32>
        %swap3A_494 = arith.constant 816 : index
        %swap3A_495 = tpu.vector_load %arg10[%swap3A_494] {strides = array<i32>} : memref<1024xi32, #tpu.memory_space<vmem>>, vector<16xi32>,
        tpu.vector_store %arg10[%swap3A_494], %and3A_493 {strides = array<i32>} : memref<1024xi32, #tpu.memory_space<vmem>>, vector<16xi32>,
        %add3A_496 = arith.constant 1 : i32
        %add3A_497 = vector.broadcast %add3A_496 : i32 to vector<16xi32>
        %add3A_498 = arith.addi %and3A_493, %add3A_497 : vector<16xi32>
        %swap3A_499 = arith.constant 944 : index
        %swap3A_500 = tpu.vector_load %arg10[%swap3A_499] {strides = array<i32>} : memref<1024xi32, #tpu.memory_space<vmem>>, vector<16xi32>,
        tpu.vector_store %arg10[%swap3A_499], %add3A_498 {strides = array<i32>} : memref<1024xi32, #tpu.memory_space<vmem>>, vector<16xi32>,
        %xor3A_501 = arith.xori %add3A_436, %mul3A_443 : vector<16xi32>
        %xor3A_502 = arith.xori %xor3A_501, %mul3A_449 : vector<16xi32>
        %and3A_503 = arith.constant 1048574 : i32
        %and3A_504 = vector.broadcast %and3A_503 : i32 to vector<16xi32>
        %and3A_505 = arith.andi %xor3A_502, %and3A_504 : vector<16xi32>
        %swap3A_506 = arith.constant 832 : index
        %swap3A_507 = tpu.vector_load %arg10[%swap3A_506] {strides = array<i32>} : memref<1024xi32, #tpu.memory_space<vmem>>, vector<16xi32>,
        tpu.vector_store %arg10[%swap3A_506], %and3A_505 {strides = array<i32>} : memref<1024xi32, #tpu.memory_space<vmem>>, vector<16xi32>,
        %add3A_508 = arith.constant 1 : i32
        %add3A_509 = vector.broadcast %add3A_508 : i32 to vector<16xi32>
        %add3A_510 = arith.addi %and3A_505, %add3A_509 : vector<16xi32>
        %swap3A_511 = arith.constant 960 : index
        %swap3A_512 = tpu.vector_load %arg10[%swap3A_511] {strides = array<i32>} : memref<1024xi32, #tpu.memory_space<vmem>>, vector<16xi32>,
        tpu.vector_store %arg10[%swap3A_511], %add3A_510 {strides = array<i32>} : memref<1024xi32, #tpu.memory_space<vmem>>, vector<16xi32>,
        %xor3A_513 = arith.xori %add3A_436, %mul3A_443 : vector<16xi32>
        %xor3A_514 = arith.xori %xor3A_513, %add3A_452 : vector<16xi32>
        %and3A_515 = arith.constant 1048574 : i32
        %and3A_516 = vector.broadcast %and3A_515 : i32 to vector<16xi32>
        %and3A_517 = arith.andi %xor3A_514, %and3A_516 : vector<16xi32>
        %swap3A_518 = arith.constant 848 : index
        %swap3A_519 = tpu.vector_load %arg10[%swap3A_518] {strides = array<i32>} : memref<1024xi32, #tpu.memory_space<vmem>>, vector<16xi32>,
        tpu.vector_store %arg10[%swap3A_518], %and3A_517 {strides = array<i32>} : memref<1024xi32, #tpu.memory_space<vmem>>, vector<16xi32>,
        %add3A_520 = arith.constant 1 : i32
        %add3A_521 = vector.broadcast %add3A_520 : i32 to vector<16xi32>
        %add3A_522 = arith.addi %and3A_517, %add3A_521 : vector<16xi32>
        %swap3A_523 = arith.constant 976 : index
        %swap3A_524 = tpu.vector_load %arg10[%swap3A_523] {strides = array<i32>} : memref<1024xi32, #tpu.memory_space<vmem>>, vector<16xi32>,
        tpu.vector_store %arg10[%swap3A_523], %add3A_522 {strides = array<i32>} : memref<1024xi32, #tpu.memory_space<vmem>>, vector<16xi32>,
        %xor3A_525 = arith.xori %add3A_436, %add3A_446 : vector<16xi32>
        %xor3A_526 = arith.xori %xor3A_525, %mul3A_449 : vector<16xi32>
        %and3A_527 = arith.constant 1048574 : i32
        %and3A_528 = vector.broadcast %and3A_527 : i32 to vector<16xi32>
        %and3A_529 = arith.andi %xor3A_526, %and3A_528 : vector<16xi32>
        %swap3A_530 = arith.constant 864 : index
        %swap3A_531 = tpu.vector_load %arg10[%swap3A_530] {strides = array<i32>} : memref<1024xi32, #tpu.memory_space<vmem>>, vector<16xi32>,
        tpu.vector_store %arg10[%swap3A_530], %and3A_529 {strides = array<i32>} : memref<1024xi32, #tpu.memory_space<vmem>>, vector<16xi32>,
        %add3A_532 = arith.constant 1 : i32
        %add3A_533 = vector.broadcast %add3A_532 : i32 to vector<16xi32>
        %add3A_534 = arith.addi %and3A_529, %add3A_533 : vector<16xi32>
        %swap3A_535 = arith.constant 992 : index
        %swap3A_536 = tpu.vector_load %arg10[%swap3A_535] {strides = array<i32>} : memref<1024xi32, #tpu.memory_space<vmem>>, vector<16xi32>,
        tpu.vector_store %arg10[%swap3A_535], %add3A_534 {strides = array<i32>} : memref<1024xi32, #tpu.memory_space<vmem>>, vector<16xi32>,
        %xor3A_537 = arith.xori %add3A_436, %add3A_446 : vector<16xi32>
        %xor3A_538 = arith.xori %xor3A_537, %add3A_452 : vector<16xi32>
        %and3A_539 = arith.constant 1048574 : i32
        %and3A_540 = vector.broadcast %and3A_539 : i32 to vector<16xi32>
        %and3A_541 = arith.andi %xor3A_538, %and3A_540 : vector<16xi32>
        %swap3A_542 = arith.constant 880 : index
        %swap3A_543 = tpu.vector_load %arg10[%swap3A_542] {strides = array<i32>} : memref<1024xi32, #tpu.memory_space<vmem>>, vector<16xi32>,
        tpu.vector_store %arg10[%swap3A_542], %and3A_541 {strides = array<i32>} : memref<1024xi32, #tpu.memory_space<vmem>>, vector<16xi32>,
        %add3A_544 = arith.constant 1 : i32
        %add3A_545 = vector.broadcast %add3A_544 : i32 to vector<16xi32>
        %add3A_546 = arith.addi %and3A_541, %add3A_545 : vector<16xi32>
        %swap3A_547 = arith.constant 1008 : index
        %swap3A_548 = tpu.vector_load %arg10[%swap3A_547] {strides = array<i32>} : memref<1024xi32, #tpu.memory_space<vmem>>, vector<16xi32>,
        tpu.vector_store %arg10[%swap3A_547], %add3A_546 {strides = array<i32>} : memref<1024xi32, #tpu.memory_space<vmem>>, vector<16xi32>,
        %dma_start3A = arith.constant 0 : i32
        %dma_start3A_549 = tpu.memref_slice %arg14[%dma_start3A] : memref<1048576xf32, #tpu.memory_space<vmem_shared>> -> memref<1048576xf32, #tpu.memory_space<vmem_shared>>
        tpu.enqueue_indirect_dma source(%dma_start3A_549 : memref<1048576xf32, #tpu.memory_space<vmem_shared>>) target(%arg12 : memref<1024xf32, #tpu.memory_space<vmem>>) offsets(%arg10 : memref<1024xi32, #tpu.memory_space<vmem>>) semaphore(%arg15 : memref<!tpu.dma_semaphore, #tpu.memory_space<semaphore_mem>>)
        %scan3A_550 = arith.constant 0 : i32
        %scan3A_551 = arith.constant 4 : i32
        %scan3A_552 = arith.addi %scan3A_550, %scan3A_551 : i32
        %scan3A_553 = arith.constant 1 : i32
        scf.for %scan3A_566 = %scan3A_550 to %scan3A_552 step %scan3A_553  : i32 {
          %mul3A_567 = arith.constant 128 : i32
          %mul3A_568 = arith.muli %scan3A_566, %mul3A_567 : i32
          %add3A_569 = arith.constant 64 : i32
          %add3A_570 = arith.addi %mul3A_568, %add3A_569 : i32
          %add3A_571 = arith.addi %mul3A_32, %add3A_570 : i32
          %add3A_572 = arith.constant 0 : i32
          %add3A_573 = arith.addi %add3A_571, %add3A_572 : i32
          %get3A_574 = arith.index_cast %add3A_573 : i32 to index
          %get3A_575 = tpu.vector_load %arg6[%get3A_574] {strides = array<i32>} : memref<24576xf32, #tpu.memory_space<vmem>>, vector<16xf32>,
          %add3A_576 = arith.constant 8192 : i32
          %add3A_577 = arith.addi %add3A_576, %add3A_573 : i32
          %get3A_578 = arith.index_cast %add3A_577 : i32 to index
          %get3A_579 = tpu.vector_load %arg6[%get3A_578] {strides = array<i32>} : memref<24576xf32, #tpu.memory_space<vmem>>, vector<16xf32>,
          %add3A_580 = arith.constant 16384 : i32
          %add3A_581 = arith.addi %add3A_580, %add3A_573 : i32
          %get3A_582 = arith.index_cast %add3A_581 : i32 to index
          %get3A_583 = tpu.vector_load %arg6[%get3A_582] {strides = array<i32>} : memref<24576xf32, #tpu.memory_space<vmem>>, vector<16xf32>,
          %mul3A_584 = arith.mulf %get3A_575, %get3A_16 : vector<16xf32>
          %convert_element_type3A_585 = arith.fptosi %mul3A_584 : vector<16xf32> to vector<16xi32>
          %add3A_586 = arith.addi %convert_element_type3A_585, %convert_element_type3A_585 : vector<16xi32>
          %add3A_587 = arith.constant 2 : i32
          %add3A_588 = vector.broadcast %add3A_587 : i32 to vector<16xi32>
          %add3A_589 = arith.addi %add3A_586, %add3A_588 : vector<16xi32>
          %mul3A_590 = arith.mulf %get3A_579, %get3A_16 : vector<16xf32>
          %convert_element_type3A_591 = arith.fptosi %mul3A_590 : vector<16xf32> to vector<16xi32>
          %mul3A_592 = arith.mulf %get3A_583, %get3A_16 : vector<16xf32>
          %convert_element_type3A_593 = arith.fptosi %mul3A_592 : vector<16xf32> to vector<16xi32>
          %mul3A_594 = arith.constant 1013904226 : i32
          %mul3A_595 = vector.broadcast %mul3A_594 : i32 to vector<16xi32>
          %mul3A_596 = arith.muli %convert_element_type3A_591, %mul3A_595 : vector<16xi32>
          %add3A_597 = arith.constant 1013904226 : i32
          %add3A_598 = vector.broadcast %add3A_597 : i32 to vector<16xi32>
          %add3A_599 = arith.addi %mul3A_596, %add3A_598 : vector<16xi32>
          %mul3A_600 = arith.constant 1610919722 : i32
          %mul3A_601 = vector.broadcast %mul3A_600 : i32 to vector<16xi32>
          %mul3A_602 = arith.muli %convert_element_type3A_593, %mul3A_601 : vector<16xi32>
          %add3A_603 = arith.constant 1610919722 : i32
          %add3A_604 = vector.broadcast %add3A_603 : i32 to vector<16xi32>
          %add3A_605 = arith.addi %mul3A_602, %add3A_604 : vector<16xi32>
          %xor3A_606 = arith.xori %add3A_586, %mul3A_596 : vector<16xi32>
          %xor3A_607 = arith.xori %xor3A_606, %mul3A_602 : vector<16xi32>
          %and3A_608 = arith.constant 1048574 : i32
          %and3A_609 = vector.broadcast %and3A_608 : i32 to vector<16xi32>
          %and3A_610 = arith.andi %xor3A_607, %and3A_609 : vector<16xi32>
          %swap3A_611 = arith.constant 0 : index
          %swap3A_612 = tpu.vector_load %arg11[%swap3A_611] {strides = array<i32>} : memref<1024xi32, #tpu.memory_space<vmem>>, vector<16xi32>,
          tpu.vector_store %arg11[%swap3A_611], %and3A_610 {strides = array<i32>} : memref<1024xi32, #tpu.memory_space<vmem>>, vector<16xi32>,
          %add3A_613 = arith.constant 1 : i32
          %add3A_614 = vector.broadcast %add3A_613 : i32 to vector<16xi32>
          %add3A_615 = arith.addi %and3A_610, %add3A_614 : vector<16xi32>
          %swap3A_616 = arith.constant 128 : index
          %swap3A_617 = tpu.vector_load %arg11[%swap3A_616] {strides = array<i32>} : memref<1024xi32, #tpu.memory_space<vmem>>, vector<16xi32>,
          tpu.vector_store %arg11[%swap3A_616], %add3A_615 {strides = array<i32>} : memref<1024xi32, #tpu.memory_space<vmem>>, vector<16xi32>,
          %xor3A_618 = arith.xori %add3A_586, %mul3A_596 : vector<16xi32>
          %xor3A_619 = arith.xori %xor3A_618, %add3A_605 : vector<16xi32>
          %and3A_620 = arith.constant 1048574 : i32
          %and3A_621 = vector.broadcast %and3A_620 : i32 to vector<16xi32>
          %and3A_622 = arith.andi %xor3A_619, %and3A_621 : vector<16xi32>
          %swap3A_623 = arith.constant 16 : index
          %swap3A_624 = tpu.vector_load %arg11[%swap3A_623] {strides = array<i32>} : memref<1024xi32, #tpu.memory_space<vmem>>, vector<16xi32>,
          tpu.vector_store %arg11[%swap3A_623], %and3A_622 {strides = array<i32>} : memref<1024xi32, #tpu.memory_space<vmem>>, vector<16xi32>,
          %add3A_625 = arith.constant 1 : i32
          %add3A_626 = vector.broadcast %add3A_625 : i32 to vector<16xi32>
          %add3A_627 = arith.addi %and3A_622, %add3A_626 : vector<16xi32>
          %swap3A_628 = arith.constant 144 : index
          %swap3A_629 = tpu.vector_load %arg11[%swap3A_628] {strides = array<i32>} : memref<1024xi32, #tpu.memory_space<vmem>>, vector<16xi32>,
          tpu.vector_store %arg11[%swap3A_628], %add3A_627 {strides = array<i32>} : memref<1024xi32, #tpu.memory_space<vmem>>, vector<16xi32>,
          %xor3A_630 = arith.xori %add3A_586, %add3A_599 : vector<16xi32>
          %xor3A_631 = arith.xori %xor3A_630, %mul3A_602 : vector<16xi32>
          %and3A_632 = arith.constant 1048574 : i32
          %and3A_633 = vector.broadcast %and3A_632 : i32 to vector<16xi32>
          %and3A_634 = arith.andi %xor3A_631, %and3A_633 : vector<16xi32>
          %swap3A_635 = arith.constant 32 : index
          %swap3A_636 = tpu.vector_load %arg11[%swap3A_635] {strides = array<i32>} : memref<1024xi32, #tpu.memory_space<vmem>>, vector<16xi32>,
          tpu.vector_store %arg11[%swap3A_635], %and3A_634 {strides = array<i32>} : memref<1024xi32, #tpu.memory_space<vmem>>, vector<16xi32>,
          %add3A_637 = arith.constant 1 : i32
          %add3A_638 = vector.broadcast %add3A_637 : i32 to vector<16xi32>
          %add3A_639 = arith.addi %and3A_634, %add3A_638 : vector<16xi32>
          %swap3A_640 = arith.constant 160 : index
          %swap3A_641 = tpu.vector_load %arg11[%swap3A_640] {strides = array<i32>} : memref<1024xi32, #tpu.memory_space<vmem>>, vector<16xi32>,
          tpu.vector_store %arg11[%swap3A_640], %add3A_639 {strides = array<i32>} : memref<1024xi32, #tpu.memory_space<vmem>>, vector<16xi32>,
          %xor3A_642 = arith.xori %add3A_586, %add3A_599 : vector<16xi32>
          %xor3A_643 = arith.xori %xor3A_642, %add3A_605 : vector<16xi32>
          %and3A_644 = arith.constant 1048574 : i32
          %and3A_645 = vector.broadcast %and3A_644 : i32 to vector<16xi32>
          %and3A_646 = arith.andi %xor3A_643, %and3A_645 : vector<16xi32>
          %swap3A_647 = arith.constant 48 : index
          %swap3A_648 = tpu.vector_load %arg11[%swap3A_647] {strides = array<i32>} : memref<1024xi32, #tpu.memory_space<vmem>>, vector<16xi32>,
          tpu.vector_store %arg11[%swap3A_647], %and3A_646 {strides = array<i32>} : memref<1024xi32, #tpu.memory_space<vmem>>, vector<16xi32>,
          %add3A_649 = arith.constant 1 : i32
          %add3A_650 = vector.broadcast %add3A_649 : i32 to vector<16xi32>
          %add3A_651 = arith.addi %and3A_646, %add3A_650 : vector<16xi32>
          %swap3A_652 = arith.constant 176 : index
          %swap3A_653 = tpu.vector_load %arg11[%swap3A_652] {strides = array<i32>} : memref<1024xi32, #tpu.memory_space<vmem>>, vector<16xi32>,
          tpu.vector_store %arg11[%swap3A_652], %add3A_651 {strides = array<i32>} : memref<1024xi32, #tpu.memory_space<vmem>>, vector<16xi32>,
          %xor3A_654 = arith.xori %add3A_589, %mul3A_596 : vector<16xi32>
          %xor3A_655 = arith.xori %xor3A_654, %mul3A_602 : vector<16xi32>
          %and3A_656 = arith.constant 1048574 : i32
          %and3A_657 = vector.broadcast %and3A_656 : i32 to vector<16xi32>
          %and3A_658 = arith.andi %xor3A_655, %and3A_657 : vector<16xi32>
          %swap3A_659 = arith.constant 64 : index
          %swap3A_660 = tpu.vector_load %arg11[%swap3A_659] {strides = array<i32>} : memref<1024xi32, #tpu.memory_space<vmem>>, vector<16xi32>,
          tpu.vector_store %arg11[%swap3A_659], %and3A_658 {strides = array<i32>} : memref<1024xi32, #tpu.memory_space<vmem>>, vector<16xi32>,
          %add3A_661 = arith.constant 1 : i32
          %add3A_662 = vector.broadcast %add3A_661 : i32 to vector<16xi32>
          %add3A_663 = arith.addi %and3A_658, %add3A_662 : vector<16xi32>
          %swap3A_664 = arith.constant 192 : index
          %swap3A_665 = tpu.vector_load %arg11[%swap3A_664] {strides = array<i32>} : memref<1024xi32, #tpu.memory_space<vmem>>, vector<16xi32>,
          tpu.vector_store %arg11[%swap3A_664], %add3A_663 {strides = array<i32>} : memref<1024xi32, #tpu.memory_space<vmem>>, vector<16xi32>,
          %xor3A_666 = arith.xori %add3A_589, %mul3A_596 : vector<16xi32>
          %xor3A_667 = arith.xori %xor3A_666, %add3A_605 : vector<16xi32>
          %and3A_668 = arith.constant 1048574 : i32
          %and3A_669 = vector.broadcast %and3A_668 : i32 to vector<16xi32>
          %and3A_670 = arith.andi %xor3A_667, %and3A_669 : vector<16xi32>
          %swap3A_671 = arith.constant 80 : index
          %swap3A_672 = tpu.vector_load %arg11[%swap3A_671] {strides = array<i32>} : memref<1024xi32, #tpu.memory_space<vmem>>, vector<16xi32>,
          tpu.vector_store %arg11[%swap3A_671], %and3A_670 {strides = array<i32>} : memref<1024xi32, #tpu.memory_space<vmem>>, vector<16xi32>,
          %add3A_673 = arith.constant 1 : i32
          %add3A_674 = vector.broadcast %add3A_673 : i32 to vector<16xi32>
          %add3A_675 = arith.addi %and3A_670, %add3A_674 : vector<16xi32>
          %swap3A_676 = arith.constant 208 : index
          %swap3A_677 = tpu.vector_load %arg11[%swap3A_676] {strides = array<i32>} : memref<1024xi32, #tpu.memory_space<vmem>>, vector<16xi32>,
          tpu.vector_store %arg11[%swap3A_676], %add3A_675 {strides = array<i32>} : memref<1024xi32, #tpu.memory_space<vmem>>, vector<16xi32>,
          %xor3A_678 = arith.xori %add3A_589, %add3A_599 : vector<16xi32>
          %xor3A_679 = arith.xori %xor3A_678, %mul3A_602 : vector<16xi32>
          %and3A_680 = arith.constant 1048574 : i32
          %and3A_681 = vector.broadcast %and3A_680 : i32 to vector<16xi32>
          %and3A_682 = arith.andi %xor3A_679, %and3A_681 : vector<16xi32>
          %swap3A_683 = arith.constant 96 : index
          %swap3A_684 = tpu.vector_load %arg11[%swap3A_683] {strides = array<i32>} : memref<1024xi32, #tpu.memory_space<vmem>>, vector<16xi32>,
          tpu.vector_store %arg11[%swap3A_683], %and3A_682 {strides = array<i32>} : memref<1024xi32, #tpu.memory_space<vmem>>, vector<16xi32>,
          %add3A_685 = arith.constant 1 : i32
          %add3A_686 = vector.broadcast %add3A_685 : i32 to vector<16xi32>
          %add3A_687 = arith.addi %and3A_682, %add3A_686 : vector<16xi32>
          %swap3A_688 = arith.constant 224 : index
          %swap3A_689 = tpu.vector_load %arg11[%swap3A_688] {strides = array<i32>} : memref<1024xi32, #tpu.memory_space<vmem>>, vector<16xi32>,
          tpu.vector_store %arg11[%swap3A_688], %add3A_687 {strides = array<i32>} : memref<1024xi32, #tpu.memory_space<vmem>>, vector<16xi32>,
          %xor3A_690 = arith.xori %add3A_589, %add3A_599 : vector<16xi32>
          %xor3A_691 = arith.xori %xor3A_690, %add3A_605 : vector<16xi32>
          %and3A_692 = arith.constant 1048574 : i32
          %and3A_693 = vector.broadcast %and3A_692 : i32 to vector<16xi32>
          %and3A_694 = arith.andi %xor3A_691, %and3A_693 : vector<16xi32>
          %swap3A_695 = arith.constant 112 : index
          %swap3A_696 = tpu.vector_load %arg11[%swap3A_695] {strides = array<i32>} : memref<1024xi32, #tpu.memory_space<vmem>>, vector<16xi32>,
          tpu.vector_store %arg11[%swap3A_695], %and3A_694 {strides = array<i32>} : memref<1024xi32, #tpu.memory_space<vmem>>, vector<16xi32>,
          %add3A_697 = arith.constant 1 : i32
          %add3A_698 = vector.broadcast %add3A_697 : i32 to vector<16xi32>
          %add3A_699 = arith.addi %and3A_694, %add3A_698 : vector<16xi32>
          %swap3A_700 = arith.constant 240 : index
          %swap3A_701 = tpu.vector_load %arg11[%swap3A_700] {strides = array<i32>} : memref<1024xi32, #tpu.memory_space<vmem>>, vector<16xi32>,
          tpu.vector_store %arg11[%swap3A_700], %add3A_699 {strides = array<i32>} : memref<1024xi32, #tpu.memory_space<vmem>>, vector<16xi32>,
          %add3A_702 = arith.constant 16 : i32
          %add3A_703 = arith.addi %add3A_571, %add3A_702 : i32
          %get3A_704 = arith.index_cast %add3A_703 : i32 to index
          %get3A_705 = tpu.vector_load %arg6[%get3A_704] {strides = array<i32>} : memref<24576xf32, #tpu.memory_space<vmem>>, vector<16xf32>,
          %add3A_706 = arith.constant 8192 : i32
          %add3A_707 = arith.addi %add3A_706, %add3A_703 : i32
          %get3A_708 = arith.index_cast %add3A_707 : i32 to index
          %get3A_709 = tpu.vector_load %arg6[%get3A_708] {strides = array<i32>} : memref<24576xf32, #tpu.memory_space<vmem>>, vector<16xf32>,
          %add3A_710 = arith.constant 16384 : i32
          %add3A_711 = arith.addi %add3A_710, %add3A_703 : i32
          %get3A_712 = arith.index_cast %add3A_711 : i32 to index
          %get3A_713 = tpu.vector_load %arg6[%get3A_712] {strides = array<i32>} : memref<24576xf32, #tpu.memory_space<vmem>>, vector<16xf32>,
          %mul3A_714 = arith.mulf %get3A_705, %get3A_16 : vector<16xf32>
          %convert_element_type3A_715 = arith.fptosi %mul3A_714 : vector<16xf32> to vector<16xi32>
          %add3A_716 = arith.addi %convert_element_type3A_715, %convert_element_type3A_715 : vector<16xi32>
          %add3A_717 = arith.constant 2 : i32
          %add3A_718 = vector.broadcast %add3A_717 : i32 to vector<16xi32>
          %add3A_719 = arith.addi %add3A_716, %add3A_718 : vector<16xi32>
          %mul3A_720 = arith.mulf %get3A_709, %get3A_16 : vector<16xf32>
          %convert_element_type3A_721 = arith.fptosi %mul3A_720 : vector<16xf32> to vector<16xi32>
          %mul3A_722 = arith.mulf %get3A_713, %get3A_16 : vector<16xf32>
          %convert_element_type3A_723 = arith.fptosi %mul3A_722 : vector<16xf32> to vector<16xi32>
          %mul3A_724 = arith.constant 1013904226 : i32
          %mul3A_725 = vector.broadcast %mul3A_724 : i32 to vector<16xi32>
          %mul3A_726 = arith.muli %convert_element_type3A_721, %mul3A_725 : vector<16xi32>
          %add3A_727 = arith.constant 1013904226 : i32
          %add3A_728 = vector.broadcast %add3A_727 : i32 to vector<16xi32>
          %add3A_729 = arith.addi %mul3A_726, %add3A_728 : vector<16xi32>
          %mul3A_730 = arith.constant 1610919722 : i32
          %mul3A_731 = vector.broadcast %mul3A_730 : i32 to vector<16xi32>
          %mul3A_732 = arith.muli %convert_element_type3A_723, %mul3A_731 : vector<16xi32>
          %add3A_733 = arith.constant 1610919722 : i32
          %add3A_734 = vector.broadcast %add3A_733 : i32 to vector<16xi32>
          %add3A_735 = arith.addi %mul3A_732, %add3A_734 : vector<16xi32>
          %xor3A_736 = arith.xori %add3A_716, %mul3A_726 : vector<16xi32>
          %xor3A_737 = arith.xori %xor3A_736, %mul3A_732 : vector<16xi32>
          %and3A_738 = arith.constant 1048574 : i32
          %and3A_739 = vector.broadcast %and3A_738 : i32 to vector<16xi32>
          %and3A_740 = arith.andi %xor3A_737, %and3A_739 : vector<16xi32>
          %swap3A_741 = arith.constant 256 : index
          %swap3A_742 = tpu.vector_load %arg11[%swap3A_741] {strides = array<i32>} : memref<1024xi32, #tpu.memory_space<vmem>>, vector<16xi32>,
          tpu.vector_store %arg11[%swap3A_741], %and3A_740 {strides = array<i32>} : memref<1024xi32, #tpu.memory_space<vmem>>, vector<16xi32>,
          %add3A_743 = arith.constant 1 : i32
          %add3A_744 = vector.broadcast %add3A_743 : i32 to vector<16xi32>
          %add3A_745 = arith.addi %and3A_740, %add3A_744 : vector<16xi32>
          %swap3A_746 = arith.constant 384 : index
          %swap3A_747 = tpu.vector_load %arg11[%swap3A_746] {strides = array<i32>} : memref<1024xi32, #tpu.memory_space<vmem>>, vector<16xi32>,
          tpu.vector_store %arg11[%swap3A_746], %add3A_745 {strides = array<i32>} : memref<1024xi32, #tpu.memory_space<vmem>>, vector<16xi32>,
          %xor3A_748 = arith.xori %add3A_716, %mul3A_726 : vector<16xi32>
          %xor3A_749 = arith.xori %xor3A_748, %add3A_735 : vector<16xi32>
          %and3A_750 = arith.constant 1048574 : i32
          %and3A_751 = vector.broadcast %and3A_750 : i32 to vector<16xi32>
          %and3A_752 = arith.andi %xor3A_749, %and3A_751 : vector<16xi32>
          %swap3A_753 = arith.constant 272 : index
          %swap3A_754 = tpu.vector_load %arg11[%swap3A_753] {strides = array<i32>} : memref<1024xi32, #tpu.memory_space<vmem>>, vector<16xi32>,
          tpu.vector_store %arg11[%swap3A_753], %and3A_752 {strides = array<i32>} : memref<1024xi32, #tpu.memory_space<vmem>>, vector<16xi32>,
          %add3A_755 = arith.constant 1 : i32
          %add3A_756 = vector.broadcast %add3A_755 : i32 to vector<16xi32>
          %add3A_757 = arith.addi %and3A_752, %add3A_756 : vector<16xi32>
          %swap3A_758 = arith.constant 400 : index
          %swap3A_759 = tpu.vector_load %arg11[%swap3A_758] {strides = array<i32>} : memref<1024xi32, #tpu.memory_space<vmem>>, vector<16xi32>,
          tpu.vector_store %arg11[%swap3A_758], %add3A_757 {strides = array<i32>} : memref<1024xi32, #tpu.memory_space<vmem>>, vector<16xi32>,
          %xor3A_760 = arith.xori %add3A_716, %add3A_729 : vector<16xi32>
          %xor3A_761 = arith.xori %xor3A_760, %mul3A_732 : vector<16xi32>
          %and3A_762 = arith.constant 1048574 : i32
          %and3A_763 = vector.broadcast %and3A_762 : i32 to vector<16xi32>
          %and3A_764 = arith.andi %xor3A_761, %and3A_763 : vector<16xi32>
          %swap3A_765 = arith.constant 288 : index
          %swap3A_766 = tpu.vector_load %arg11[%swap3A_765] {strides = array<i32>} : memref<1024xi32, #tpu.memory_space<vmem>>, vector<16xi32>,
          tpu.vector_store %arg11[%swap3A_765], %and3A_764 {strides = array<i32>} : memref<1024xi32, #tpu.memory_space<vmem>>, vector<16xi32>,
          %add3A_767 = arith.constant 1 : i32
          %add3A_768 = vector.broadcast %add3A_767 : i32 to vector<16xi32>
          %add3A_769 = arith.addi %and3A_764, %add3A_768 : vector<16xi32>
          %swap3A_770 = arith.constant 416 : index
          %swap3A_771 = tpu.vector_load %arg11[%swap3A_770] {strides = array<i32>} : memref<1024xi32, #tpu.memory_space<vmem>>, vector<16xi32>,
          tpu.vector_store %arg11[%swap3A_770], %add3A_769 {strides = array<i32>} : memref<1024xi32, #tpu.memory_space<vmem>>, vector<16xi32>,
          %xor3A_772 = arith.xori %add3A_716, %add3A_729 : vector<16xi32>
          %xor3A_773 = arith.xori %xor3A_772, %add3A_735 : vector<16xi32>
          %and3A_774 = arith.constant 1048574 : i32
          %and3A_775 = vector.broadcast %and3A_774 : i32 to vector<16xi32>
          %and3A_776 = arith.andi %xor3A_773, %and3A_775 : vector<16xi32>
          %swap3A_777 = arith.constant 304 : index
          %swap3A_778 = tpu.vector_load %arg11[%swap3A_777] {strides = array<i32>} : memref<1024xi32, #tpu.memory_space<vmem>>, vector<16xi32>,
          tpu.vector_store %arg11[%swap3A_777], %and3A_776 {strides = array<i32>} : memref<1024xi32, #tpu.memory_space<vmem>>, vector<16xi32>,
          %add3A_779 = arith.constant 1 : i32
          %add3A_780 = vector.broadcast %add3A_779 : i32 to vector<16xi32>
          %add3A_781 = arith.addi %and3A_776, %add3A_780 : vector<16xi32>
          %swap3A_782 = arith.constant 432 : index
          %swap3A_783 = tpu.vector_load %arg11[%swap3A_782] {strides = array<i32>} : memref<1024xi32, #tpu.memory_space<vmem>>, vector<16xi32>,
          tpu.vector_store %arg11[%swap3A_782], %add3A_781 {strides = array<i32>} : memref<1024xi32, #tpu.memory_space<vmem>>, vector<16xi32>,
          %xor3A_784 = arith.xori %add3A_719, %mul3A_726 : vector<16xi32>
          %xor3A_785 = arith.xori %xor3A_784, %mul3A_732 : vector<16xi32>
          %and3A_786 = arith.constant 1048574 : i32
          %and3A_787 = vector.broadcast %and3A_786 : i32 to vector<16xi32>
          %and3A_788 = arith.andi %xor3A_785, %and3A_787 : vector<16xi32>
          %swap3A_789 = arith.constant 320 : index
          %swap3A_790 = tpu.vector_load %arg11[%swap3A_789] {strides = array<i32>} : memref<1024xi32, #tpu.memory_space<vmem>>, vector<16xi32>,
          tpu.vector_store %arg11[%swap3A_789], %and3A_788 {strides = array<i32>} : memref<1024xi32, #tpu.memory_space<vmem>>, vector<16xi32>,
          %add3A_791 = arith.constant 1 : i32
          %add3A_792 = vector.broadcast %add3A_791 : i32 to vector<16xi32>
          %add3A_793 = arith.addi %and3A_788, %add3A_792 : vector<16xi32>
          %swap3A_794 = arith.constant 448 : index
          %swap3A_795 = tpu.vector_load %arg11[%swap3A_794] {strides = array<i32>} : memref<1024xi32, #tpu.memory_space<vmem>>, vector<16xi32>,
          tpu.vector_store %arg11[%swap3A_794], %add3A_793 {strides = array<i32>} : memref<1024xi32, #tpu.memory_space<vmem>>, vector<16xi32>,
          %xor3A_796 = arith.xori %add3A_719, %mul3A_726 : vector<16xi32>
          %xor3A_797 = arith.xori %xor3A_796, %add3A_735 : vector<16xi32>
          %and3A_798 = arith.constant 1048574 : i32
          %and3A_799 = vector.broadcast %and3A_798 : i32 to vector<16xi32>
          %and3A_800 = arith.andi %xor3A_797, %and3A_799 : vector<16xi32>
          %swap3A_801 = arith.constant 336 : index
          %swap3A_802 = tpu.vector_load %arg11[%swap3A_801] {strides = array<i32>} : memref<1024xi32, #tpu.memory_space<vmem>>, vector<16xi32>,
          tpu.vector_store %arg11[%swap3A_801], %and3A_800 {strides = array<i32>} : memref<1024xi32, #tpu.memory_space<vmem>>, vector<16xi32>,
          %add3A_803 = arith.constant 1 : i32
          %add3A_804 = vector.broadcast %add3A_803 : i32 to vector<16xi32>
          %add3A_805 = arith.addi %and3A_800, %add3A_804 : vector<16xi32>
          %swap3A_806 = arith.constant 464 : index
          %swap3A_807 = tpu.vector_load %arg11[%swap3A_806] {strides = array<i32>} : memref<1024xi32, #tpu.memory_space<vmem>>, vector<16xi32>,
          tpu.vector_store %arg11[%swap3A_806], %add3A_805 {strides = array<i32>} : memref<1024xi32, #tpu.memory_space<vmem>>, vector<16xi32>,
          %xor3A_808 = arith.xori %add3A_719, %add3A_729 : vector<16xi32>
          %xor3A_809 = arith.xori %xor3A_808, %mul3A_732 : vector<16xi32>
          %and3A_810 = arith.constant 1048574 : i32
          %and3A_811 = vector.broadcast %and3A_810 : i32 to vector<16xi32>
          %and3A_812 = arith.andi %xor3A_809, %and3A_811 : vector<16xi32>
          %swap3A_813 = arith.constant 352 : index
          %swap3A_814 = tpu.vector_load %arg11[%swap3A_813] {strides = array<i32>} : memref<1024xi32, #tpu.memory_space<vmem>>, vector<16xi32>,
          tpu.vector_store %arg11[%swap3A_813], %and3A_812 {strides = array<i32>} : memref<1024xi32, #tpu.memory_space<vmem>>, vector<16xi32>,
          %add3A_815 = arith.constant 1 : i32
          %add3A_816 = vector.broadcast %add3A_815 : i32 to vector<16xi32>
          %add3A_817 = arith.addi %and3A_812, %add3A_816 : vector<16xi32>
          %swap3A_818 = arith.constant 480 : index
          %swap3A_819 = tpu.vector_load %arg11[%swap3A_818] {strides = array<i32>} : memref<1024xi32, #tpu.memory_space<vmem>>, vector<16xi32>,
          tpu.vector_store %arg11[%swap3A_818], %add3A_817 {strides = array<i32>} : memref<1024xi32, #tpu.memory_space<vmem>>, vector<16xi32>,
          %xor3A_820 = arith.xori %add3A_719, %add3A_729 : vector<16xi32>
          %xor3A_821 = arith.xori %xor3A_820, %add3A_735 : vector<16xi32>
          %and3A_822 = arith.constant 1048574 : i32
          %and3A_823 = vector.broadcast %and3A_822 : i32 to vector<16xi32>
          %and3A_824 = arith.andi %xor3A_821, %and3A_823 : vector<16xi32>
          %swap3A_825 = arith.constant 368 : index
          %swap3A_826 = tpu.vector_load %arg11[%swap3A_825] {strides = array<i32>} : memref<1024xi32, #tpu.memory_space<vmem>>, vector<16xi32>,
          tpu.vector_store %arg11[%swap3A_825], %and3A_824 {strides = array<i32>} : memref<1024xi32, #tpu.memory_space<vmem>>, vector<16xi32>,
          %add3A_827 = arith.constant 1 : i32
          %add3A_828 = vector.broadcast %add3A_827 : i32 to vector<16xi32>
          %add3A_829 = arith.addi %and3A_824, %add3A_828 : vector<16xi32>
          %swap3A_830 = arith.constant 496 : index
          %swap3A_831 = tpu.vector_load %arg11[%swap3A_830] {strides = array<i32>} : memref<1024xi32, #tpu.memory_space<vmem>>, vector<16xi32>,
          tpu.vector_store %arg11[%swap3A_830], %add3A_829 {strides = array<i32>} : memref<1024xi32, #tpu.memory_space<vmem>>, vector<16xi32>,
          %add3A_832 = arith.constant 32 : i32
          %add3A_833 = arith.addi %add3A_571, %add3A_832 : i32
          %get3A_834 = arith.index_cast %add3A_833 : i32 to index
          %get3A_835 = tpu.vector_load %arg6[%get3A_834] {strides = array<i32>} : memref<24576xf32, #tpu.memory_space<vmem>>, vector<16xf32>,
          %add3A_836 = arith.constant 8192 : i32
          %add3A_837 = arith.addi %add3A_836, %add3A_833 : i32
          %get3A_838 = arith.index_cast %add3A_837 : i32 to index
          %get3A_839 = tpu.vector_load %arg6[%get3A_838] {strides = array<i32>} : memref<24576xf32, #tpu.memory_space<vmem>>, vector<16xf32>,
          %add3A_840 = arith.constant 16384 : i32
          %add3A_841 = arith.addi %add3A_840, %add3A_833 : i32
          %get3A_842 = arith.index_cast %add3A_841 : i32 to index
          %get3A_843 = tpu.vector_load %arg6[%get3A_842] {strides = array<i32>} : memref<24576xf32, #tpu.memory_space<vmem>>, vector<16xf32>,
          %mul3A_844 = arith.mulf %get3A_835, %get3A_16 : vector<16xf32>
          %convert_element_type3A_845 = arith.fptosi %mul3A_844 : vector<16xf32> to vector<16xi32>
          %add3A_846 = arith.addi %convert_element_type3A_845, %convert_element_type3A_845 : vector<16xi32>
          %add3A_847 = arith.constant 2 : i32
          %add3A_848 = vector.broadcast %add3A_847 : i32 to vector<16xi32>
          %add3A_849 = arith.addi %add3A_846, %add3A_848 : vector<16xi32>
          %mul3A_850 = arith.mulf %get3A_839, %get3A_16 : vector<16xf32>
          %convert_element_type3A_851 = arith.fptosi %mul3A_850 : vector<16xf32> to vector<16xi32>
          %mul3A_852 = arith.mulf %get3A_843, %get3A_16 : vector<16xf32>
          %convert_element_type3A_853 = arith.fptosi %mul3A_852 : vector<16xf32> to vector<16xi32>
          %mul3A_854 = arith.constant 1013904226 : i32
          %mul3A_855 = vector.broadcast %mul3A_854 : i32 to vector<16xi32>
          %mul3A_856 = arith.muli %convert_element_type3A_851, %mul3A_855 : vector<16xi32>
          %add3A_857 = arith.constant 1013904226 : i32
          %add3A_858 = vector.broadcast %add3A_857 : i32 to vector<16xi32>
          %add3A_859 = arith.addi %mul3A_856, %add3A_858 : vector<16xi32>
          %mul3A_860 = arith.constant 1610919722 : i32
          %mul3A_861 = vector.broadcast %mul3A_860 : i32 to vector<16xi32>
          %mul3A_862 = arith.muli %convert_element_type3A_853, %mul3A_861 : vector<16xi32>
          %add3A_863 = arith.constant 1610919722 : i32
          %add3A_864 = vector.broadcast %add3A_863 : i32 to vector<16xi32>
          %add3A_865 = arith.addi %mul3A_862, %add3A_864 : vector<16xi32>
          %xor3A_866 = arith.xori %add3A_846, %mul3A_856 : vector<16xi32>
          %xor3A_867 = arith.xori %xor3A_866, %mul3A_862 : vector<16xi32>
          %and3A_868 = arith.constant 1048574 : i32
          %and3A_869 = vector.broadcast %and3A_868 : i32 to vector<16xi32>
          %and3A_870 = arith.andi %xor3A_867, %and3A_869 : vector<16xi32>
          %swap3A_871 = arith.constant 512 : index
          %swap3A_872 = tpu.vector_load %arg11[%swap3A_871] {strides = array<i32>} : memref<1024xi32, #tpu.memory_space<vmem>>, vector<16xi32>,
          tpu.vector_store %arg11[%swap3A_871], %and3A_870 {strides = array<i32>} : memref<1024xi32, #tpu.memory_space<vmem>>, vector<16xi32>,
          %add3A_873 = arith.constant 1 : i32
          %add3A_874 = vector.broadcast %add3A_873 : i32 to vector<16xi32>
          %add3A_875 = arith.addi %and3A_870, %add3A_874 : vector<16xi32>
          %swap3A_876 = arith.constant 640 : index
          %swap3A_877 = tpu.vector_load %arg11[%swap3A_876] {strides = array<i32>} : memref<1024xi32, #tpu.memory_space<vmem>>, vector<16xi32>,
          tpu.vector_store %arg11[%swap3A_876], %add3A_875 {strides = array<i32>} : memref<1024xi32, #tpu.memory_space<vmem>>, vector<16xi32>,
          %xor3A_878 = arith.xori %add3A_846, %mul3A_856 : vector<16xi32>
          %xor3A_879 = arith.xori %xor3A_878, %add3A_865 : vector<16xi32>
          %and3A_880 = arith.constant 1048574 : i32
          %and3A_881 = vector.broadcast %and3A_880 : i32 to vector<16xi32>
          %and3A_882 = arith.andi %xor3A_879, %and3A_881 : vector<16xi32>
          %swap3A_883 = arith.constant 528 : index
          %swap3A_884 = tpu.vector_load %arg11[%swap3A_883] {strides = array<i32>} : memref<1024xi32, #tpu.memory_space<vmem>>, vector<16xi32>,
          tpu.vector_store %arg11[%swap3A_883], %and3A_882 {strides = array<i32>} : memref<1024xi32, #tpu.memory_space<vmem>>, vector<16xi32>,
          %add3A_885 = arith.constant 1 : i32
          %add3A_886 = vector.broadcast %add3A_885 : i32 to vector<16xi32>
          %add3A_887 = arith.addi %and3A_882, %add3A_886 : vector<16xi32>
          %swap3A_888 = arith.constant 656 : index
          %swap3A_889 = tpu.vector_load %arg11[%swap3A_888] {strides = array<i32>} : memref<1024xi32, #tpu.memory_space<vmem>>, vector<16xi32>,
          tpu.vector_store %arg11[%swap3A_888], %add3A_887 {strides = array<i32>} : memref<1024xi32, #tpu.memory_space<vmem>>, vector<16xi32>,
          %xor3A_890 = arith.xori %add3A_846, %add3A_859 : vector<16xi32>
          %xor3A_891 = arith.xori %xor3A_890, %mul3A_862 : vector<16xi32>
          %and3A_892 = arith.constant 1048574 : i32
          %and3A_893 = vector.broadcast %and3A_892 : i32 to vector<16xi32>
          %and3A_894 = arith.andi %xor3A_891, %and3A_893 : vector<16xi32>
          %swap3A_895 = arith.constant 544 : index
          %swap3A_896 = tpu.vector_load %arg11[%swap3A_895] {strides = array<i32>} : memref<1024xi32, #tpu.memory_space<vmem>>, vector<16xi32>,
          tpu.vector_store %arg11[%swap3A_895], %and3A_894 {strides = array<i32>} : memref<1024xi32, #tpu.memory_space<vmem>>, vector<16xi32>,
          %add3A_897 = arith.constant 1 : i32
          %add3A_898 = vector.broadcast %add3A_897 : i32 to vector<16xi32>
          %add3A_899 = arith.addi %and3A_894, %add3A_898 : vector<16xi32>
          %swap3A_900 = arith.constant 672 : index
          %swap3A_901 = tpu.vector_load %arg11[%swap3A_900] {strides = array<i32>} : memref<1024xi32, #tpu.memory_space<vmem>>, vector<16xi32>,
          tpu.vector_store %arg11[%swap3A_900], %add3A_899 {strides = array<i32>} : memref<1024xi32, #tpu.memory_space<vmem>>, vector<16xi32>,
          %xor3A_902 = arith.xori %add3A_846, %add3A_859 : vector<16xi32>
          %xor3A_903 = arith.xori %xor3A_902, %add3A_865 : vector<16xi32>
          %and3A_904 = arith.constant 1048574 : i32
          %and3A_905 = vector.broadcast %and3A_904 : i32 to vector<16xi32>
          %and3A_906 = arith.andi %xor3A_903, %and3A_905 : vector<16xi32>
          %swap3A_907 = arith.constant 560 : index
          %swap3A_908 = tpu.vector_load %arg11[%swap3A_907] {strides = array<i32>} : memref<1024xi32, #tpu.memory_space<vmem>>, vector<16xi32>,
          tpu.vector_store %arg11[%swap3A_907], %and3A_906 {strides = array<i32>} : memref<1024xi32, #tpu.memory_space<vmem>>, vector<16xi32>,
          %add3A_909 = arith.constant 1 : i32
          %add3A_910 = vector.broadcast %add3A_909 : i32 to vector<16xi32>
          %add3A_911 = arith.addi %and3A_906, %add3A_910 : vector<16xi32>
          %swap3A_912 = arith.constant 688 : index
          %swap3A_913 = tpu.vector_load %arg11[%swap3A_912] {strides = array<i32>} : memref<1024xi32, #tpu.memory_space<vmem>>, vector<16xi32>,
          tpu.vector_store %arg11[%swap3A_912], %add3A_911 {strides = array<i32>} : memref<1024xi32, #tpu.memory_space<vmem>>, vector<16xi32>,
          %xor3A_914 = arith.xori %add3A_849, %mul3A_856 : vector<16xi32>
          %xor3A_915 = arith.xori %xor3A_914, %mul3A_862 : vector<16xi32>
          %and3A_916 = arith.constant 1048574 : i32
          %and3A_917 = vector.broadcast %and3A_916 : i32 to vector<16xi32>
          %and3A_918 = arith.andi %xor3A_915, %and3A_917 : vector<16xi32>
          %swap3A_919 = arith.constant 576 : index
          %swap3A_920 = tpu.vector_load %arg11[%swap3A_919] {strides = array<i32>} : memref<1024xi32, #tpu.memory_space<vmem>>, vector<16xi32>,
          tpu.vector_store %arg11[%swap3A_919], %and3A_918 {strides = array<i32>} : memref<1024xi32, #tpu.memory_space<vmem>>, vector<16xi32>,
          %add3A_921 = arith.constant 1 : i32
          %add3A_922 = vector.broadcast %add3A_921 : i32 to vector<16xi32>
          %add3A_923 = arith.addi %and3A_918, %add3A_922 : vector<16xi32>
          %swap3A_924 = arith.constant 704 : index
          %swap3A_925 = tpu.vector_load %arg11[%swap3A_924] {strides = array<i32>} : memref<1024xi32, #tpu.memory_space<vmem>>, vector<16xi32>,
          tpu.vector_store %arg11[%swap3A_924], %add3A_923 {strides = array<i32>} : memref<1024xi32, #tpu.memory_space<vmem>>, vector<16xi32>,
          %xor3A_926 = arith.xori %add3A_849, %mul3A_856 : vector<16xi32>
          %xor3A_927 = arith.xori %xor3A_926, %add3A_865 : vector<16xi32>
          %and3A_928 = arith.constant 1048574 : i32
          %and3A_929 = vector.broadcast %and3A_928 : i32 to vector<16xi32>
          %and3A_930 = arith.andi %xor3A_927, %and3A_929 : vector<16xi32>
          %swap3A_931 = arith.constant 592 : index
          %swap3A_932 = tpu.vector_load %arg11[%swap3A_931] {strides = array<i32>} : memref<1024xi32, #tpu.memory_space<vmem>>, vector<16xi32>,
          tpu.vector_store %arg11[%swap3A_931], %and3A_930 {strides = array<i32>} : memref<1024xi32, #tpu.memory_space<vmem>>, vector<16xi32>,
          %add3A_933 = arith.constant 1 : i32
          %add3A_934 = vector.broadcast %add3A_933 : i32 to vector<16xi32>
          %add3A_935 = arith.addi %and3A_930, %add3A_934 : vector<16xi32>
          %swap3A_936 = arith.constant 720 : index
          %swap3A_937 = tpu.vector_load %arg11[%swap3A_936] {strides = array<i32>} : memref<1024xi32, #tpu.memory_space<vmem>>, vector<16xi32>,
          tpu.vector_store %arg11[%swap3A_936], %add3A_935 {strides = array<i32>} : memref<1024xi32, #tpu.memory_space<vmem>>, vector<16xi32>,
          %xor3A_938 = arith.xori %add3A_849, %add3A_859 : vector<16xi32>
          %xor3A_939 = arith.xori %xor3A_938, %mul3A_862 : vector<16xi32>
          %and3A_940 = arith.constant 1048574 : i32
          %and3A_941 = vector.broadcast %and3A_940 : i32 to vector<16xi32>
          %and3A_942 = arith.andi %xor3A_939, %and3A_941 : vector<16xi32>
          %swap3A_943 = arith.constant 608 : index
          %swap3A_944 = tpu.vector_load %arg11[%swap3A_943] {strides = array<i32>} : memref<1024xi32, #tpu.memory_space<vmem>>, vector<16xi32>,
          tpu.vector_store %arg11[%swap3A_943], %and3A_942 {strides = array<i32>} : memref<1024xi32, #tpu.memory_space<vmem>>, vector<16xi32>,
          %add3A_945 = arith.constant 1 : i32
          %add3A_946 = vector.broadcast %add3A_945 : i32 to vector<16xi32>
          %add3A_947 = arith.addi %and3A_942, %add3A_946 : vector<16xi32>
          %swap3A_948 = arith.constant 736 : index
          %swap3A_949 = tpu.vector_load %arg11[%swap3A_948] {strides = array<i32>} : memref<1024xi32, #tpu.memory_space<vmem>>, vector<16xi32>,
          tpu.vector_store %arg11[%swap3A_948], %add3A_947 {strides = array<i32>} : memref<1024xi32, #tpu.memory_space<vmem>>, vector<16xi32>,
          %xor3A_950 = arith.xori %add3A_849, %add3A_859 : vector<16xi32>
          %xor3A_951 = arith.xori %xor3A_950, %add3A_865 : vector<16xi32>
          %and3A_952 = arith.constant 1048574 : i32
          %and3A_953 = vector.broadcast %and3A_952 : i32 to vector<16xi32>
          %and3A_954 = arith.andi %xor3A_951, %and3A_953 : vector<16xi32>
          %swap3A_955 = arith.constant 624 : index
          %swap3A_956 = tpu.vector_load %arg11[%swap3A_955] {strides = array<i32>} : memref<1024xi32, #tpu.memory_space<vmem>>, vector<16xi32>,
          tpu.vector_store %arg11[%swap3A_955], %and3A_954 {strides = array<i32>} : memref<1024xi32, #tpu.memory_space<vmem>>, vector<16xi32>,
          %add3A_957 = arith.constant 1 : i32
          %add3A_958 = vector.broadcast %add3A_957 : i32 to vector<16xi32>
          %add3A_959 = arith.addi %and3A_954, %add3A_958 : vector<16xi32>
          %swap3A_960 = arith.constant 752 : index
          %swap3A_961 = tpu.vector_load %arg11[%swap3A_960] {strides = array<i32>} : memref<1024xi32, #tpu.memory_space<vmem>>, vector<16xi32>,
          tpu.vector_store %arg11[%swap3A_960], %add3A_959 {strides = array<i32>} : memref<1024xi32, #tpu.memory_space<vmem>>, vector<16xi32>,
          %add3A_962 = arith.constant 48 : i32
          %add3A_963 = arith.addi %add3A_571, %add3A_962 : i32
          %get3A_964 = arith.index_cast %add3A_963 : i32 to index
          %get3A_965 = tpu.vector_load %arg6[%get3A_964] {strides = array<i32>} : memref<24576xf32, #tpu.memory_space<vmem>>, vector<16xf32>,
          %add3A_966 = arith.constant 8192 : i32
          %add3A_967 = arith.addi %add3A_966, %add3A_963 : i32
          %get3A_968 = arith.index_cast %add3A_967 : i32 to index
          %get3A_969 = tpu.vector_load %arg6[%get3A_968] {strides = array<i32>} : memref<24576xf32, #tpu.memory_space<vmem>>, vector<16xf32>,
          %add3A_970 = arith.constant 16384 : i32
          %add3A_971 = arith.addi %add3A_970, %add3A_963 : i32
          %get3A_972 = arith.index_cast %add3A_971 : i32 to index
          %get3A_973 = tpu.vector_load %arg6[%get3A_972] {strides = array<i32>} : memref<24576xf32, #tpu.memory_space<vmem>>, vector<16xf32>,
          %mul3A_974 = arith.mulf %get3A_965, %get3A_16 : vector<16xf32>
          %convert_element_type3A_975 = arith.fptosi %mul3A_974 : vector<16xf32> to vector<16xi32>
          %add3A_976 = arith.addi %convert_element_type3A_975, %convert_element_type3A_975 : vector<16xi32>
          %add3A_977 = arith.constant 2 : i32
          %add3A_978 = vector.broadcast %add3A_977 : i32 to vector<16xi32>
          %add3A_979 = arith.addi %add3A_976, %add3A_978 : vector<16xi32>
          %mul3A_980 = arith.mulf %get3A_969, %get3A_16 : vector<16xf32>
          %convert_element_type3A_981 = arith.fptosi %mul3A_980 : vector<16xf32> to vector<16xi32>
          %mul3A_982 = arith.mulf %get3A_973, %get3A_16 : vector<16xf32>
          %convert_element_type3A_983 = arith.fptosi %mul3A_982 : vector<16xf32> to vector<16xi32>
          %mul3A_984 = arith.constant 1013904226 : i32
          %mul3A_985 = vector.broadcast %mul3A_984 : i32 to vector<16xi32>
          %mul3A_986 = arith.muli %convert_element_type3A_981, %mul3A_985 : vector<16xi32>
          %add3A_987 = arith.constant 1013904226 : i32
          %add3A_988 = vector.broadcast %add3A_987 : i32 to vector<16xi32>
          %add3A_989 = arith.addi %mul3A_986, %add3A_988 : vector<16xi32>
          %mul3A_990 = arith.constant 1610919722 : i32
          %mul3A_991 = vector.broadcast %mul3A_990 : i32 to vector<16xi32>
          %mul3A_992 = arith.muli %convert_element_type3A_983, %mul3A_991 : vector<16xi32>
          %add3A_993 = arith.constant 1610919722 : i32
          %add3A_994 = vector.broadcast %add3A_993 : i32 to vector<16xi32>
          %add3A_995 = arith.addi %mul3A_992, %add3A_994 : vector<16xi32>
          %xor3A_996 = arith.xori %add3A_976, %mul3A_986 : vector<16xi32>
          %xor3A_997 = arith.xori %xor3A_996, %mul3A_992 : vector<16xi32>
          %and3A_998 = arith.constant 1048574 : i32
          %and3A_999 = vector.broadcast %and3A_998 : i32 to vector<16xi32>
          %and3A_1000 = arith.andi %xor3A_997, %and3A_999 : vector<16xi32>
          %swap3A_1001 = arith.constant 768 : index
          %swap3A_1002 = tpu.vector_load %arg11[%swap3A_1001] {strides = array<i32>} : memref<1024xi32, #tpu.memory_space<vmem>>, vector<16xi32>,
          tpu.vector_store %arg11[%swap3A_1001], %and3A_1000 {strides = array<i32>} : memref<1024xi32, #tpu.memory_space<vmem>>, vector<16xi32>,
          %add3A_1003 = arith.constant 1 : i32
          %add3A_1004 = vector.broadcast %add3A_1003 : i32 to vector<16xi32>
          %add3A_1005 = arith.addi %and3A_1000, %add3A_1004 : vector<16xi32>
          %swap3A_1006 = arith.constant 896 : index
          %swap3A_1007 = tpu.vector_load %arg11[%swap3A_1006] {strides = array<i32>} : memref<1024xi32, #tpu.memory_space<vmem>>, vector<16xi32>,
          tpu.vector_store %arg11[%swap3A_1006], %add3A_1005 {strides = array<i32>} : memref<1024xi32, #tpu.memory_space<vmem>>, vector<16xi32>,
          %xor3A_1008 = arith.xori %add3A_976, %mul3A_986 : vector<16xi32>
          %xor3A_1009 = arith.xori %xor3A_1008, %add3A_995 : vector<16xi32>
          %and3A_1010 = arith.constant 1048574 : i32
          %and3A_1011 = vector.broadcast %and3A_1010 : i32 to vector<16xi32>
          %and3A_1012 = arith.andi %xor3A_1009, %and3A_1011 : vector<16xi32>
          %swap3A_1013 = arith.constant 784 : index
          %swap3A_1014 = tpu.vector_load %arg11[%swap3A_1013] {strides = array<i32>} : memref<1024xi32, #tpu.memory_space<vmem>>, vector<16xi32>,
          tpu.vector_store %arg11[%swap3A_1013], %and3A_1012 {strides = array<i32>} : memref<1024xi32, #tpu.memory_space<vmem>>, vector<16xi32>,
          %add3A_1015 = arith.constant 1 : i32
          %add3A_1016 = vector.broadcast %add3A_1015 : i32 to vector<16xi32>
          %add3A_1017 = arith.addi %and3A_1012, %add3A_1016 : vector<16xi32>
          %swap3A_1018 = arith.constant 912 : index
          %swap3A_1019 = tpu.vector_load %arg11[%swap3A_1018] {strides = array<i32>} : memref<1024xi32, #tpu.memory_space<vmem>>, vector<16xi32>,
          tpu.vector_store %arg11[%swap3A_1018], %add3A_1017 {strides = array<i32>} : memref<1024xi32, #tpu.memory_space<vmem>>, vector<16xi32>,
          %xor3A_1020 = arith.xori %add3A_976, %add3A_989 : vector<16xi32>
          %xor3A_1021 = arith.xori %xor3A_1020, %mul3A_992 : vector<16xi32>
          %and3A_1022 = arith.constant 1048574 : i32
          %and3A_1023 = vector.broadcast %and3A_1022 : i32 to vector<16xi32>
          %and3A_1024 = arith.andi %xor3A_1021, %and3A_1023 : vector<16xi32>
          %swap3A_1025 = arith.constant 800 : index
          %swap3A_1026 = tpu.vector_load %arg11[%swap3A_1025] {strides = array<i32>} : memref<1024xi32, #tpu.memory_space<vmem>>, vector<16xi32>,
          tpu.vector_store %arg11[%swap3A_1025], %and3A_1024 {strides = array<i32>} : memref<1024xi32, #tpu.memory_space<vmem>>, vector<16xi32>,
          %add3A_1027 = arith.constant 1 : i32
          %add3A_1028 = vector.broadcast %add3A_1027 : i32 to vector<16xi32>
          %add3A_1029 = arith.addi %and3A_1024, %add3A_1028 : vector<16xi32>
          %swap3A_1030 = arith.constant 928 : index
          %swap3A_1031 = tpu.vector_load %arg11[%swap3A_1030] {strides = array<i32>} : memref<1024xi32, #tpu.memory_space<vmem>>, vector<16xi32>,
          tpu.vector_store %arg11[%swap3A_1030], %add3A_1029 {strides = array<i32>} : memref<1024xi32, #tpu.memory_space<vmem>>, vector<16xi32>,
          %xor3A_1032 = arith.xori %add3A_976, %add3A_989 : vector<16xi32>
          %xor3A_1033 = arith.xori %xor3A_1032, %add3A_995 : vector<16xi32>
          %and3A_1034 = arith.constant 1048574 : i32
          %and3A_1035 = vector.broadcast %and3A_1034 : i32 to vector<16xi32>
          %and3A_1036 = arith.andi %xor3A_1033, %and3A_1035 : vector<16xi32>
          %swap3A_1037 = arith.constant 816 : index
          %swap3A_1038 = tpu.vector_load %arg11[%swap3A_1037] {strides = array<i32>} : memref<1024xi32, #tpu.memory_space<vmem>>, vector<16xi32>,
          tpu.vector_store %arg11[%swap3A_1037], %and3A_1036 {strides = array<i32>} : memref<1024xi32, #tpu.memory_space<vmem>>, vector<16xi32>,
          %add3A_1039 = arith.constant 1 : i32
          %add3A_1040 = vector.broadcast %add3A_1039 : i32 to vector<16xi32>
          %add3A_1041 = arith.addi %and3A_1036, %add3A_1040 : vector<16xi32>
          %swap3A_1042 = arith.constant 944 : index
          %swap3A_1043 = tpu.vector_load %arg11[%swap3A_1042] {strides = array<i32>} : memref<1024xi32, #tpu.memory_space<vmem>>, vector<16xi32>,
          tpu.vector_store %arg11[%swap3A_1042], %add3A_1041 {strides = array<i32>} : memref<1024xi32, #tpu.memory_space<vmem>>, vector<16xi32>,
          %xor3A_1044 = arith.xori %add3A_979, %mul3A_986 : vector<16xi32>
          %xor3A_1045 = arith.xori %xor3A_1044, %mul3A_992 : vector<16xi32>
          %and3A_1046 = arith.constant 1048574 : i32
          %and3A_1047 = vector.broadcast %and3A_1046 : i32 to vector<16xi32>
          %and3A_1048 = arith.andi %xor3A_1045, %and3A_1047 : vector<16xi32>
          %swap3A_1049 = arith.constant 832 : index
          %swap3A_1050 = tpu.vector_load %arg11[%swap3A_1049] {strides = array<i32>} : memref<1024xi32, #tpu.memory_space<vmem>>, vector<16xi32>,
          tpu.vector_store %arg11[%swap3A_1049], %and3A_1048 {strides = array<i32>} : memref<1024xi32, #tpu.memory_space<vmem>>, vector<16xi32>,
          %add3A_1051 = arith.constant 1 : i32
          %add3A_1052 = vector.broadcast %add3A_1051 : i32 to vector<16xi32>
          %add3A_1053 = arith.addi %and3A_1048, %add3A_1052 : vector<16xi32>
          %swap3A_1054 = arith.constant 960 : index
          %swap3A_1055 = tpu.vector_load %arg11[%swap3A_1054] {strides = array<i32>} : memref<1024xi32, #tpu.memory_space<vmem>>, vector<16xi32>,
          tpu.vector_store %arg11[%swap3A_1054], %add3A_1053 {strides = array<i32>} : memref<1024xi32, #tpu.memory_space<vmem>>, vector<16xi32>,
          %xor3A_1056 = arith.xori %add3A_979, %mul3A_986 : vector<16xi32>
          %xor3A_1057 = arith.xori %xor3A_1056, %add3A_995 : vector<16xi32>
          %and3A_1058 = arith.constant 1048574 : i32
          %and3A_1059 = vector.broadcast %and3A_1058 : i32 to vector<16xi32>
          %and3A_1060 = arith.andi %xor3A_1057, %and3A_1059 : vector<16xi32>
          %swap3A_1061 = arith.constant 848 : index
          %swap3A_1062 = tpu.vector_load %arg11[%swap3A_1061] {strides = array<i32>} : memref<1024xi32, #tpu.memory_space<vmem>>, vector<16xi32>,
          tpu.vector_store %arg11[%swap3A_1061], %and3A_1060 {strides = array<i32>} : memref<1024xi32, #tpu.memory_space<vmem>>, vector<16xi32>,
          %add3A_1063 = arith.constant 1 : i32
          %add3A_1064 = vector.broadcast %add3A_1063 : i32 to vector<16xi32>
          %add3A_1065 = arith.addi %and3A_1060, %add3A_1064 : vector<16xi32>
          %swap3A_1066 = arith.constant 976 : index
          %swap3A_1067 = tpu.vector_load %arg11[%swap3A_1066] {strides = array<i32>} : memref<1024xi32, #tpu.memory_space<vmem>>, vector<16xi32>,
          tpu.vector_store %arg11[%swap3A_1066], %add3A_1065 {strides = array<i32>} : memref<1024xi32, #tpu.memory_space<vmem>>, vector<16xi32>,
          %xor3A_1068 = arith.xori %add3A_979, %add3A_989 : vector<16xi32>
          %xor3A_1069 = arith.xori %xor3A_1068, %mul3A_992 : vector<16xi32>
          %and3A_1070 = arith.constant 1048574 : i32
          %and3A_1071 = vector.broadcast %and3A_1070 : i32 to vector<16xi32>
          %and3A_1072 = arith.andi %xor3A_1069, %and3A_1071 : vector<16xi32>
          %swap3A_1073 = arith.constant 864 : index
          %swap3A_1074 = tpu.vector_load %arg11[%swap3A_1073] {strides = array<i32>} : memref<1024xi32, #tpu.memory_space<vmem>>, vector<16xi32>,
          tpu.vector_store %arg11[%swap3A_1073], %and3A_1072 {strides = array<i32>} : memref<1024xi32, #tpu.memory_space<vmem>>, vector<16xi32>,
          %add3A_1075 = arith.constant 1 : i32
          %add3A_1076 = vector.broadcast %add3A_1075 : i32 to vector<16xi32>
          %add3A_1077 = arith.addi %and3A_1072, %add3A_1076 : vector<16xi32>
          %swap3A_1078 = arith.constant 992 : index
          %swap3A_1079 = tpu.vector_load %arg11[%swap3A_1078] {strides = array<i32>} : memref<1024xi32, #tpu.memory_space<vmem>>, vector<16xi32>,
          tpu.vector_store %arg11[%swap3A_1078], %add3A_1077 {strides = array<i32>} : memref<1024xi32, #tpu.memory_space<vmem>>, vector<16xi32>,
          %xor3A_1080 = arith.xori %add3A_979, %add3A_989 : vector<16xi32>
          %xor3A_1081 = arith.xori %xor3A_1080, %add3A_995 : vector<16xi32>
          %and3A_1082 = arith.constant 1048574 : i32
          %and3A_1083 = vector.broadcast %and3A_1082 : i32 to vector<16xi32>
          %and3A_1084 = arith.andi %xor3A_1081, %and3A_1083 : vector<16xi32>
          %swap3A_1085 = arith.constant 880 : index
          %swap3A_1086 = tpu.vector_load %arg11[%swap3A_1085] {strides = array<i32>} : memref<1024xi32, #tpu.memory_space<vmem>>, vector<16xi32>,
          tpu.vector_store %arg11[%swap3A_1085], %and3A_1084 {strides = array<i32>} : memref<1024xi32, #tpu.memory_space<vmem>>, vector<16xi32>,
          %add3A_1087 = arith.constant 1 : i32
          %add3A_1088 = vector.broadcast %add3A_1087 : i32 to vector<16xi32>
          %add3A_1089 = arith.addi %and3A_1084, %add3A_1088 : vector<16xi32>
          %swap3A_1090 = arith.constant 1008 : index
          %swap3A_1091 = tpu.vector_load %arg11[%swap3A_1090] {strides = array<i32>} : memref<1024xi32, #tpu.memory_space<vmem>>, vector<16xi32>,
          tpu.vector_store %arg11[%swap3A_1090], %add3A_1089 {strides = array<i32>} : memref<1024xi32, #tpu.memory_space<vmem>>, vector<16xi32>,
          %dma_start3A_1092 = arith.constant 0 : i32
          %dma_start3A_1093 = tpu.memref_slice %arg14[%dma_start3A_1092] : memref<1048576xf32, #tpu.memory_space<vmem_shared>> -> memref<1048576xf32, #tpu.memory_space<vmem_shared>>
          tpu.enqueue_indirect_dma source(%dma_start3A_1093 : memref<1048576xf32, #tpu.memory_space<vmem_shared>>) target(%arg13 : memref<1024xf32, #tpu.memory_space<vmem>>) offsets(%arg11 : memref<1024xi32, #tpu.memory_space<vmem>>) semaphore(%arg16 : memref<!tpu.dma_semaphore, #tpu.memory_space<semaphore_mem>>)
          %dma_wait3A = arith.constant 0 : i32
          %dma_wait3A_1094 = tpu.memref_slice %arg14[%dma_wait3A] : memref<1048576xf32, #tpu.memory_space<vmem_shared>> -> memref<1048576xf32, #tpu.memory_space<vmem_shared>>
          tpu.wait_indirect_dma semaphore(%arg15 : memref<!tpu.dma_semaphore, #tpu.memory_space<semaphore_mem>>) src(%dma_wait3A_1094 : memref<1048576xf32, #tpu.memory_space<vmem_shared>>) dst(%arg12 : memref<1024xf32, #tpu.memory_space<vmem>>)
          %add3A_1095 = arith.addi %mul3A_32, %mul3A_568 : i32
          %add3A_1096 = arith.constant 0 : i32
          %add3A_1097 = arith.addi %add3A_1095, %add3A_1096 : i32
          %get3A_1098 = arith.index_cast %add3A_1097 : i32 to index
          %get3A_1099 = tpu.vector_load %arg6[%get3A_1098] {strides = array<i32>} : memref<24576xf32, #tpu.memory_space<vmem>>, vector<16xf32>,
          %add3A_1100 = arith.constant 8192 : i32
          %add3A_1101 = arith.addi %add3A_1100, %add3A_1097 : i32
          %get3A_1102 = arith.index_cast %add3A_1101 : i32 to index
          %get3A_1103 = tpu.vector_load %arg6[%get3A_1102] {strides = array<i32>} : memref<24576xf32, #tpu.memory_space<vmem>>, vector<16xf32>,
          %add3A_1104 = arith.constant 16384 : i32
          %add3A_1105 = arith.addi %add3A_1104, %add3A_1097 : i32
          %get3A_1106 = arith.index_cast %add3A_1105 : i32 to index
          %get3A_1107 = tpu.vector_load %arg6[%get3A_1106] {strides = array<i32>} : memref<24576xf32, #tpu.memory_space<vmem>>, vector<16xf32>,
          %mul3A_1108 = arith.mulf %get3A_1099, %get3A_16 : vector<16xf32>
          %mul3A_1109 = arith.mulf %get3A_1103, %get3A_16 : vector<16xf32>
          %mul3A_1110 = arith.mulf %get3A_1107, %get3A_16 : vector<16xf32>
          %convert_element_type3A_1111 = arith.fptosi %mul3A_1108 : vector<16xf32> to vector<16xi32>
          %convert_element_type3A_1112 = arith.sitofp %convert_element_type3A_1111 : vector<16xi32> to vector<16xf32>
          %sub3A = arith.subf %mul3A_1108, %convert_element_type3A_1112 : vector<16xf32>
          %convert_element_type3A_1113 = arith.fptosi %mul3A_1109 : vector<16xf32> to vector<16xi32>
          %convert_element_type3A_1114 = arith.sitofp %convert_element_type3A_1113 : vector<16xi32> to vector<16xf32>
          %sub3A_1115 = arith.subf %mul3A_1109, %convert_element_type3A_1114 : vector<16xf32>
          %convert_element_type3A_1116 = arith.fptosi %mul3A_1110 : vector<16xf32> to vector<16xi32>
          %convert_element_type3A_1117 = arith.sitofp %convert_element_type3A_1116 : vector<16xi32> to vector<16xf32>
          %sub3A_1118 = arith.subf %mul3A_1110, %convert_element_type3A_1117 : vector<16xf32>
          %get3A_1119 = arith.constant 0 : index
          %get3A_1120 = tpu.vector_load %arg12[%get3A_1119] {strides = array<i32>} : memref<1024xf32, #tpu.memory_space<vmem>>, vector<16xf32>,
          %get3A_1121 = arith.constant 16 : index
          %get3A_1122 = tpu.vector_load %arg12[%get3A_1121] {strides = array<i32>} : memref<1024xf32, #tpu.memory_space<vmem>>, vector<16xf32>,
          %get3A_1123 = arith.constant 32 : index
          %get3A_1124 = tpu.vector_load %arg12[%get3A_1123] {strides = array<i32>} : memref<1024xf32, #tpu.memory_space<vmem>>, vector<16xf32>,
          %get3A_1125 = arith.constant 48 : index
          %get3A_1126 = tpu.vector_load %arg12[%get3A_1125] {strides = array<i32>} : memref<1024xf32, #tpu.memory_space<vmem>>, vector<16xf32>,
          %get3A_1127 = arith.constant 64 : index
          %get3A_1128 = tpu.vector_load %arg12[%get3A_1127] {strides = array<i32>} : memref<1024xf32, #tpu.memory_space<vmem>>, vector<16xf32>,
          %get3A_1129 = arith.constant 80 : index
          %get3A_1130 = tpu.vector_load %arg12[%get3A_1129] {strides = array<i32>} : memref<1024xf32, #tpu.memory_space<vmem>>, vector<16xf32>,
          %get3A_1131 = arith.constant 96 : index
          %get3A_1132 = tpu.vector_load %arg12[%get3A_1131] {strides = array<i32>} : memref<1024xf32, #tpu.memory_space<vmem>>, vector<16xf32>,
          %get3A_1133 = arith.constant 112 : index
          %get3A_1134 = tpu.vector_load %arg12[%get3A_1133] {strides = array<i32>} : memref<1024xf32, #tpu.memory_space<vmem>>, vector<16xf32>,
          %sub3A_1135 = arith.subf %get3A_1128, %get3A_1120 : vector<16xf32>
          %mul3A_1136 = arith.mulf %sub3A_1135, %sub3A : vector<16xf32>
          %add3A_1137 = arith.addf %get3A_1120, %mul3A_1136 : vector<16xf32>
          %sub3A_1138 = arith.subf %get3A_1130, %get3A_1122 : vector<16xf32>
          %mul3A_1139 = arith.mulf %sub3A_1138, %sub3A : vector<16xf32>
          %add3A_1140 = arith.addf %get3A_1122, %mul3A_1139 : vector<16xf32>
          %sub3A_1141 = arith.subf %get3A_1132, %get3A_1124 : vector<16xf32>
          %mul3A_1142 = arith.mulf %sub3A_1141, %sub3A : vector<16xf32>
          %add3A_1143 = arith.addf %get3A_1124, %mul3A_1142 : vector<16xf32>
          %sub3A_1144 = arith.subf %get3A_1134, %get3A_1126 : vector<16xf32>
          %mul3A_1145 = arith.mulf %sub3A_1144, %sub3A : vector<16xf32>
          %add3A_1146 = arith.addf %get3A_1126, %mul3A_1145 : vector<16xf32>
          %sub3A_1147 = arith.subf %add3A_1143, %add3A_1137 : vector<16xf32>
          %mul3A_1148 = arith.mulf %sub3A_1147, %sub3A_1115 : vector<16xf32>
          %add3A_1149 = arith.addf %add3A_1137, %mul3A_1148 : vector<16xf32>
          %sub3A_1150 = arith.subf %add3A_1146, %add3A_1140 : vector<16xf32>
          %mul3A_1151 = arith.mulf %sub3A_1150, %sub3A_1115 : vector<16xf32>
          %add3A_1152 = arith.addf %add3A_1140, %mul3A_1151 : vector<16xf32>
          %sub3A_1153 = arith.subf %add3A_1152, %add3A_1149 : vector<16xf32>
          %mul3A_1154 = arith.mulf %sub3A_1153, %sub3A_1118 : vector<16xf32>
          %add3A_1155 = arith.addf %add3A_1149, %mul3A_1154 : vector<16xf32>
          %add3A_1156 = arith.constant 0 : i32
          %add3A_1157 = arith.addi %mul3A_568, %add3A_1156 : i32
          %swap3A_1158 = arith.index_cast %add3A_1157 : i32 to index
          %swap3A_1159 = tpu.vector_load %arg8[%swap3A_1158] {strides = array<i32>} : memref<512xf32, #tpu.memory_space<vmem>>, vector<16xf32>,
          tpu.vector_store %arg8[%swap3A_1158], %add3A_1155 {strides = array<i32>} : memref<512xf32, #tpu.memory_space<vmem>>, vector<16xf32>,
          %get3A_1160 = arith.constant 128 : index
          %get3A_1161 = tpu.vector_load %arg12[%get3A_1160] {strides = array<i32>} : memref<1024xf32, #tpu.memory_space<vmem>>, vector<16xf32>,
          %get3A_1162 = arith.constant 144 : index
          %get3A_1163 = tpu.vector_load %arg12[%get3A_1162] {strides = array<i32>} : memref<1024xf32, #tpu.memory_space<vmem>>, vector<16xf32>,
          %get3A_1164 = arith.constant 160 : index
          %get3A_1165 = tpu.vector_load %arg12[%get3A_1164] {strides = array<i32>} : memref<1024xf32, #tpu.memory_space<vmem>>, vector<16xf32>,
          %get3A_1166 = arith.constant 176 : index
          %get3A_1167 = tpu.vector_load %arg12[%get3A_1166] {strides = array<i32>} : memref<1024xf32, #tpu.memory_space<vmem>>, vector<16xf32>,
          %get3A_1168 = arith.constant 192 : index
          %get3A_1169 = tpu.vector_load %arg12[%get3A_1168] {strides = array<i32>} : memref<1024xf32, #tpu.memory_space<vmem>>, vector<16xf32>,
          %get3A_1170 = arith.constant 208 : index
          %get3A_1171 = tpu.vector_load %arg12[%get3A_1170] {strides = array<i32>} : memref<1024xf32, #tpu.memory_space<vmem>>, vector<16xf32>,
          %get3A_1172 = arith.constant 224 : index
          %get3A_1173 = tpu.vector_load %arg12[%get3A_1172] {strides = array<i32>} : memref<1024xf32, #tpu.memory_space<vmem>>, vector<16xf32>,
          %get3A_1174 = arith.constant 240 : index
          %get3A_1175 = tpu.vector_load %arg12[%get3A_1174] {strides = array<i32>} : memref<1024xf32, #tpu.memory_space<vmem>>, vector<16xf32>,
          %sub3A_1176 = arith.subf %get3A_1169, %get3A_1161 : vector<16xf32>
          %mul3A_1177 = arith.mulf %sub3A_1176, %sub3A : vector<16xf32>
          %add3A_1178 = arith.addf %get3A_1161, %mul3A_1177 : vector<16xf32>
          %sub3A_1179 = arith.subf %get3A_1171, %get3A_1163 : vector<16xf32>
          %mul3A_1180 = arith.mulf %sub3A_1179, %sub3A : vector<16xf32>
          %add3A_1181 = arith.addf %get3A_1163, %mul3A_1180 : vector<16xf32>
          %sub3A_1182 = arith.subf %get3A_1173, %get3A_1165 : vector<16xf32>
          %mul3A_1183 = arith.mulf %sub3A_1182, %sub3A : vector<16xf32>
          %add3A_1184 = arith.addf %get3A_1165, %mul3A_1183 : vector<16xf32>
          %sub3A_1185 = arith.subf %get3A_1175, %get3A_1167 : vector<16xf32>
          %mul3A_1186 = arith.mulf %sub3A_1185, %sub3A : vector<16xf32>
          %add3A_1187 = arith.addf %get3A_1167, %mul3A_1186 : vector<16xf32>
          %sub3A_1188 = arith.subf %add3A_1184, %add3A_1178 : vector<16xf32>
          %mul3A_1189 = arith.mulf %sub3A_1188, %sub3A_1115 : vector<16xf32>
          %add3A_1190 = arith.addf %add3A_1178, %mul3A_1189 : vector<16xf32>
          %sub3A_1191 = arith.subf %add3A_1187, %add3A_1181 : vector<16xf32>
          %mul3A_1192 = arith.mulf %sub3A_1191, %sub3A_1115 : vector<16xf32>
          %add3A_1193 = arith.addf %add3A_1181, %mul3A_1192 : vector<16xf32>
          %sub3A_1194 = arith.subf %add3A_1193, %add3A_1190 : vector<16xf32>
          %mul3A_1195 = arith.mulf %sub3A_1194, %sub3A_1118 : vector<16xf32>
          %add3A_1196 = arith.addf %add3A_1190, %mul3A_1195 : vector<16xf32>
          %add3A_1197 = arith.constant 0 : i32
          %add3A_1198 = arith.addi %mul3A_568, %add3A_1197 : i32
          %swap3A_1199 = arith.index_cast %add3A_1198 : i32 to index
          %swap3A_1200 = tpu.vector_load %arg9[%swap3A_1199] {strides = array<i32>} : memref<512xf32, #tpu.memory_space<vmem>>, vector<16xf32>,
          tpu.vector_store %arg9[%swap3A_1199], %add3A_1196 {strides = array<i32>} : memref<512xf32, #tpu.memory_space<vmem>>, vector<16xf32>,
          %add3A_1201 = arith.constant 16 : i32
          %add3A_1202 = arith.addi %add3A_1095, %add3A_1201 : i32
          %get3A_1203 = arith.index_cast %add3A_1202 : i32 to index
          %get3A_1204 = tpu.vector_load %arg6[%get3A_1203] {strides = array<i32>} : memref<24576xf32, #tpu.memory_space<vmem>>, vector<16xf32>,
          %add3A_1205 = arith.constant 8192 : i32
          %add3A_1206 = arith.addi %add3A_1205, %add3A_1202 : i32
          %get3A_1207 = arith.index_cast %add3A_1206 : i32 to index
          %get3A_1208 = tpu.vector_load %arg6[%get3A_1207] {strides = array<i32>} : memref<24576xf32, #tpu.memory_space<vmem>>, vector<16xf32>,
          %add3A_1209 = arith.constant 16384 : i32
          %add3A_1210 = arith.addi %add3A_1209, %add3A_1202 : i32
          %get3A_1211 = arith.index_cast %add3A_1210 : i32 to index
          %get3A_1212 = tpu.vector_load %arg6[%get3A_1211] {strides = array<i32>} : memref<24576xf32, #tpu.memory_space<vmem>>, vector<16xf32>,
          %mul3A_1213 = arith.mulf %get3A_1204, %get3A_16 : vector<16xf32>
          %mul3A_1214 = arith.mulf %get3A_1208, %get3A_16 : vector<16xf32>
          %mul3A_1215 = arith.mulf %get3A_1212, %get3A_16 : vector<16xf32>
          %convert_element_type3A_1216 = arith.fptosi %mul3A_1213 : vector<16xf32> to vector<16xi32>
          %convert_element_type3A_1217 = arith.sitofp %convert_element_type3A_1216 : vector<16xi32> to vector<16xf32>
          %sub3A_1218 = arith.subf %mul3A_1213, %convert_element_type3A_1217 : vector<16xf32>
          %convert_element_type3A_1219 = arith.fptosi %mul3A_1214 : vector<16xf32> to vector<16xi32>
          %convert_element_type3A_1220 = arith.sitofp %convert_element_type3A_1219 : vector<16xi32> to vector<16xf32>
          %sub3A_1221 = arith.subf %mul3A_1214, %convert_element_type3A_1220 : vector<16xf32>
          %convert_element_type3A_1222 = arith.fptosi %mul3A_1215 : vector<16xf32> to vector<16xi32>
          %convert_element_type3A_1223 = arith.sitofp %convert_element_type3A_1222 : vector<16xi32> to vector<16xf32>
          %sub3A_1224 = arith.subf %mul3A_1215, %convert_element_type3A_1223 : vector<16xf32>
          %get3A_1225 = arith.constant 256 : index
          %get3A_1226 = tpu.vector_load %arg12[%get3A_1225] {strides = array<i32>} : memref<1024xf32, #tpu.memory_space<vmem>>, vector<16xf32>,
          %get3A_1227 = arith.constant 272 : index
          %get3A_1228 = tpu.vector_load %arg12[%get3A_1227] {strides = array<i32>} : memref<1024xf32, #tpu.memory_space<vmem>>, vector<16xf32>,
          %get3A_1229 = arith.constant 288 : index
          %get3A_1230 = tpu.vector_load %arg12[%get3A_1229] {strides = array<i32>} : memref<1024xf32, #tpu.memory_space<vmem>>, vector<16xf32>,
          %get3A_1231 = arith.constant 304 : index
          %get3A_1232 = tpu.vector_load %arg12[%get3A_1231] {strides = array<i32>} : memref<1024xf32, #tpu.memory_space<vmem>>, vector<16xf32>,
          %get3A_1233 = arith.constant 320 : index
          %get3A_1234 = tpu.vector_load %arg12[%get3A_1233] {strides = array<i32>} : memref<1024xf32, #tpu.memory_space<vmem>>, vector<16xf32>,
          %get3A_1235 = arith.constant 336 : index
          %get3A_1236 = tpu.vector_load %arg12[%get3A_1235] {strides = array<i32>} : memref<1024xf32, #tpu.memory_space<vmem>>, vector<16xf32>,
          %get3A_1237 = arith.constant 352 : index
          %get3A_1238 = tpu.vector_load %arg12[%get3A_1237] {strides = array<i32>} : memref<1024xf32, #tpu.memory_space<vmem>>, vector<16xf32>,
          %get3A_1239 = arith.constant 368 : index
          %get3A_1240 = tpu.vector_load %arg12[%get3A_1239] {strides = array<i32>} : memref<1024xf32, #tpu.memory_space<vmem>>, vector<16xf32>,
          %sub3A_1241 = arith.subf %get3A_1234, %get3A_1226 : vector<16xf32>
          %mul3A_1242 = arith.mulf %sub3A_1241, %sub3A_1218 : vector<16xf32>
          %add3A_1243 = arith.addf %get3A_1226, %mul3A_1242 : vector<16xf32>
          %sub3A_1244 = arith.subf %get3A_1236, %get3A_1228 : vector<16xf32>
          %mul3A_1245 = arith.mulf %sub3A_1244, %sub3A_1218 : vector<16xf32>
          %add3A_1246 = arith.addf %get3A_1228, %mul3A_1245 : vector<16xf32>
          %sub3A_1247 = arith.subf %get3A_1238, %get3A_1230 : vector<16xf32>
          %mul3A_1248 = arith.mulf %sub3A_1247, %sub3A_1218 : vector<16xf32>
          %add3A_1249 = arith.addf %get3A_1230, %mul3A_1248 : vector<16xf32>
          %sub3A_1250 = arith.subf %get3A_1240, %get3A_1232 : vector<16xf32>
          %mul3A_1251 = arith.mulf %sub3A_1250, %sub3A_1218 : vector<16xf32>
          %add3A_1252 = arith.addf %get3A_1232, %mul3A_1251 : vector<16xf32>
          %sub3A_1253 = arith.subf %add3A_1249, %add3A_1243 : vector<16xf32>
          %mul3A_1254 = arith.mulf %sub3A_1253, %sub3A_1221 : vector<16xf32>
          %add3A_1255 = arith.addf %add3A_1243, %mul3A_1254 : vector<16xf32>
          %sub3A_1256 = arith.subf %add3A_1252, %add3A_1246 : vector<16xf32>
          %mul3A_1257 = arith.mulf %sub3A_1256, %sub3A_1221 : vector<16xf32>
          %add3A_1258 = arith.addf %add3A_1246, %mul3A_1257 : vector<16xf32>
          %sub3A_1259 = arith.subf %add3A_1258, %add3A_1255 : vector<16xf32>
          %mul3A_1260 = arith.mulf %sub3A_1259, %sub3A_1224 : vector<16xf32>
          %add3A_1261 = arith.addf %add3A_1255, %mul3A_1260 : vector<16xf32>
          %add3A_1262 = arith.constant 16 : i32
          %add3A_1263 = arith.addi %mul3A_568, %add3A_1262 : i32
          %swap3A_1264 = arith.index_cast %add3A_1263 : i32 to index
          %swap3A_1265 = tpu.vector_load %arg8[%swap3A_1264] {strides = array<i32>} : memref<512xf32, #tpu.memory_space<vmem>>, vector<16xf32>,
          tpu.vector_store %arg8[%swap3A_1264], %add3A_1261 {strides = array<i32>} : memref<512xf32, #tpu.memory_space<vmem>>, vector<16xf32>,
          %get3A_1266 = arith.constant 384 : index
          %get3A_1267 = tpu.vector_load %arg12[%get3A_1266] {strides = array<i32>} : memref<1024xf32, #tpu.memory_space<vmem>>, vector<16xf32>,
          %get3A_1268 = arith.constant 400 : index
          %get3A_1269 = tpu.vector_load %arg12[%get3A_1268] {strides = array<i32>} : memref<1024xf32, #tpu.memory_space<vmem>>, vector<16xf32>,
          %get3A_1270 = arith.constant 416 : index
          %get3A_1271 = tpu.vector_load %arg12[%get3A_1270] {strides = array<i32>} : memref<1024xf32, #tpu.memory_space<vmem>>, vector<16xf32>,
          %get3A_1272 = arith.constant 432 : index
          %get3A_1273 = tpu.vector_load %arg12[%get3A_1272] {strides = array<i32>} : memref<1024xf32, #tpu.memory_space<vmem>>, vector<16xf32>,
          %get3A_1274 = arith.constant 448 : index
          %get3A_1275 = tpu.vector_load %arg12[%get3A_1274] {strides = array<i32>} : memref<1024xf32, #tpu.memory_space<vmem>>, vector<16xf32>,
          %get3A_1276 = arith.constant 464 : index
          %get3A_1277 = tpu.vector_load %arg12[%get3A_1276] {strides = array<i32>} : memref<1024xf32, #tpu.memory_space<vmem>>, vector<16xf32>,
          %get3A_1278 = arith.constant 480 : index
          %get3A_1279 = tpu.vector_load %arg12[%get3A_1278] {strides = array<i32>} : memref<1024xf32, #tpu.memory_space<vmem>>, vector<16xf32>,
          %get3A_1280 = arith.constant 496 : index
          %get3A_1281 = tpu.vector_load %arg12[%get3A_1280] {strides = array<i32>} : memref<1024xf32, #tpu.memory_space<vmem>>, vector<16xf32>,
          %sub3A_1282 = arith.subf %get3A_1275, %get3A_1267 : vector<16xf32>
          %mul3A_1283 = arith.mulf %sub3A_1282, %sub3A_1218 : vector<16xf32>
          %add3A_1284 = arith.addf %get3A_1267, %mul3A_1283 : vector<16xf32>
          %sub3A_1285 = arith.subf %get3A_1277, %get3A_1269 : vector<16xf32>
          %mul3A_1286 = arith.mulf %sub3A_1285, %sub3A_1218 : vector<16xf32>
          %add3A_1287 = arith.addf %get3A_1269, %mul3A_1286 : vector<16xf32>
          %sub3A_1288 = arith.subf %get3A_1279, %get3A_1271 : vector<16xf32>
          %mul3A_1289 = arith.mulf %sub3A_1288, %sub3A_1218 : vector<16xf32>
          %add3A_1290 = arith.addf %get3A_1271, %mul3A_1289 : vector<16xf32>
          %sub3A_1291 = arith.subf %get3A_1281, %get3A_1273 : vector<16xf32>
          %mul3A_1292 = arith.mulf %sub3A_1291, %sub3A_1218 : vector<16xf32>
          %add3A_1293 = arith.addf %get3A_1273, %mul3A_1292 : vector<16xf32>
          %sub3A_1294 = arith.subf %add3A_1290, %add3A_1284 : vector<16xf32>
          %mul3A_1295 = arith.mulf %sub3A_1294, %sub3A_1221 : vector<16xf32>
          %add3A_1296 = arith.addf %add3A_1284, %mul3A_1295 : vector<16xf32>
          %sub3A_1297 = arith.subf %add3A_1293, %add3A_1287 : vector<16xf32>
          %mul3A_1298 = arith.mulf %sub3A_1297, %sub3A_1221 : vector<16xf32>
          %add3A_1299 = arith.addf %add3A_1287, %mul3A_1298 : vector<16xf32>
          %sub3A_1300 = arith.subf %add3A_1299, %add3A_1296 : vector<16xf32>
          %mul3A_1301 = arith.mulf %sub3A_1300, %sub3A_1224 : vector<16xf32>
          %add3A_1302 = arith.addf %add3A_1296, %mul3A_1301 : vector<16xf32>
          %add3A_1303 = arith.constant 16 : i32
          %add3A_1304 = arith.addi %mul3A_568, %add3A_1303 : i32
          %swap3A_1305 = arith.index_cast %add3A_1304 : i32 to index
          %swap3A_1306 = tpu.vector_load %arg9[%swap3A_1305] {strides = array<i32>} : memref<512xf32, #tpu.memory_space<vmem>>, vector<16xf32>,
          tpu.vector_store %arg9[%swap3A_1305], %add3A_1302 {strides = array<i32>} : memref<512xf32, #tpu.memory_space<vmem>>, vector<16xf32>,
          %add3A_1307 = arith.constant 32 : i32
          %add3A_1308 = arith.addi %add3A_1095, %add3A_1307 : i32
          %get3A_1309 = arith.index_cast %add3A_1308 : i32 to index
          %get3A_1310 = tpu.vector_load %arg6[%get3A_1309] {strides = array<i32>} : memref<24576xf32, #tpu.memory_space<vmem>>, vector<16xf32>,
          %add3A_1311 = arith.constant 8192 : i32
          %add3A_1312 = arith.addi %add3A_1311, %add3A_1308 : i32
          %get3A_1313 = arith.index_cast %add3A_1312 : i32 to index
          %get3A_1314 = tpu.vector_load %arg6[%get3A_1313] {strides = array<i32>} : memref<24576xf32, #tpu.memory_space<vmem>>, vector<16xf32>,
          %add3A_1315 = arith.constant 16384 : i32
          %add3A_1316 = arith.addi %add3A_1315, %add3A_1308 : i32
          %get3A_1317 = arith.index_cast %add3A_1316 : i32 to index
          %get3A_1318 = tpu.vector_load %arg6[%get3A_1317] {strides = array<i32>} : memref<24576xf32, #tpu.memory_space<vmem>>, vector<16xf32>,
          %mul3A_1319 = arith.mulf %get3A_1310, %get3A_16 : vector<16xf32>
          %mul3A_1320 = arith.mulf %get3A_1314, %get3A_16 : vector<16xf32>
          %mul3A_1321 = arith.mulf %get3A_1318, %get3A_16 : vector<16xf32>
          %convert_element_type3A_1322 = arith.fptosi %mul3A_1319 : vector<16xf32> to vector<16xi32>
          %convert_element_type3A_1323 = arith.sitofp %convert_element_type3A_1322 : vector<16xi32> to vector<16xf32>
          %sub3A_1324 = arith.subf %mul3A_1319, %convert_element_type3A_1323 : vector<16xf32>
          %convert_element_type3A_1325 = arith.fptosi %mul3A_1320 : vector<16xf32> to vector<16xi32>
          %convert_element_type3A_1326 = arith.sitofp %convert_element_type3A_1325 : vector<16xi32> to vector<16xf32>
          %sub3A_1327 = arith.subf %mul3A_1320, %convert_element_type3A_1326 : vector<16xf32>
          %convert_element_type3A_1328 = arith.fptosi %mul3A_1321 : vector<16xf32> to vector<16xi32>
          %convert_element_type3A_1329 = arith.sitofp %convert_element_type3A_1328 : vector<16xi32> to vector<16xf32>
          %sub3A_1330 = arith.subf %mul3A_1321, %convert_element_type3A_1329 : vector<16xf32>
          %get3A_1331 = arith.constant 512 : index
          %get3A_1332 = tpu.vector_load %arg12[%get3A_1331] {strides = array<i32>} : memref<1024xf32, #tpu.memory_space<vmem>>, vector<16xf32>,
          %get3A_1333 = arith.constant 528 : index
          %get3A_1334 = tpu.vector_load %arg12[%get3A_1333] {strides = array<i32>} : memref<1024xf32, #tpu.memory_space<vmem>>, vector<16xf32>,
          %get3A_1335 = arith.constant 544 : index
          %get3A_1336 = tpu.vector_load %arg12[%get3A_1335] {strides = array<i32>} : memref<1024xf32, #tpu.memory_space<vmem>>, vector<16xf32>,
          %get3A_1337 = arith.constant 560 : index
          %get3A_1338 = tpu.vector_load %arg12[%get3A_1337] {strides = array<i32>} : memref<1024xf32, #tpu.memory_space<vmem>>, vector<16xf32>,
          %get3A_1339 = arith.constant 576 : index
          %get3A_1340 = tpu.vector_load %arg12[%get3A_1339] {strides = array<i32>} : memref<1024xf32, #tpu.memory_space<vmem>>, vector<16xf32>,
          %get3A_1341 = arith.constant 592 : index
          %get3A_1342 = tpu.vector_load %arg12[%get3A_1341] {strides = array<i32>} : memref<1024xf32, #tpu.memory_space<vmem>>, vector<16xf32>,
          %get3A_1343 = arith.constant 608 : index
          %get3A_1344 = tpu.vector_load %arg12[%get3A_1343] {strides = array<i32>} : memref<1024xf32, #tpu.memory_space<vmem>>, vector<16xf32>,
          %get3A_1345 = arith.constant 624 : index
          %get3A_1346 = tpu.vector_load %arg12[%get3A_1345] {strides = array<i32>} : memref<1024xf32, #tpu.memory_space<vmem>>, vector<16xf32>,
          %sub3A_1347 = arith.subf %get3A_1340, %get3A_1332 : vector<16xf32>
          %mul3A_1348 = arith.mulf %sub3A_1347, %sub3A_1324 : vector<16xf32>
          %add3A_1349 = arith.addf %get3A_1332, %mul3A_1348 : vector<16xf32>
          %sub3A_1350 = arith.subf %get3A_1342, %get3A_1334 : vector<16xf32>
          %mul3A_1351 = arith.mulf %sub3A_1350, %sub3A_1324 : vector<16xf32>
          %add3A_1352 = arith.addf %get3A_1334, %mul3A_1351 : vector<16xf32>
          %sub3A_1353 = arith.subf %get3A_1344, %get3A_1336 : vector<16xf32>
          %mul3A_1354 = arith.mulf %sub3A_1353, %sub3A_1324 : vector<16xf32>
          %add3A_1355 = arith.addf %get3A_1336, %mul3A_1354 : vector<16xf32>
          %sub3A_1356 = arith.subf %get3A_1346, %get3A_1338 : vector<16xf32>
          %mul3A_1357 = arith.mulf %sub3A_1356, %sub3A_1324 : vector<16xf32>
          %add3A_1358 = arith.addf %get3A_1338, %mul3A_1357 : vector<16xf32>
          %sub3A_1359 = arith.subf %add3A_1355, %add3A_1349 : vector<16xf32>
          %mul3A_1360 = arith.mulf %sub3A_1359, %sub3A_1327 : vector<16xf32>
          %add3A_1361 = arith.addf %add3A_1349, %mul3A_1360 : vector<16xf32>
          %sub3A_1362 = arith.subf %add3A_1358, %add3A_1352 : vector<16xf32>
          %mul3A_1363 = arith.mulf %sub3A_1362, %sub3A_1327 : vector<16xf32>
          %add3A_1364 = arith.addf %add3A_1352, %mul3A_1363 : vector<16xf32>
          %sub3A_1365 = arith.subf %add3A_1364, %add3A_1361 : vector<16xf32>
          %mul3A_1366 = arith.mulf %sub3A_1365, %sub3A_1330 : vector<16xf32>
          %add3A_1367 = arith.addf %add3A_1361, %mul3A_1366 : vector<16xf32>
          %add3A_1368 = arith.constant 32 : i32
          %add3A_1369 = arith.addi %mul3A_568, %add3A_1368 : i32
          %swap3A_1370 = arith.index_cast %add3A_1369 : i32 to index
          %swap3A_1371 = tpu.vector_load %arg8[%swap3A_1370] {strides = array<i32>} : memref<512xf32, #tpu.memory_space<vmem>>, vector<16xf32>,
          tpu.vector_store %arg8[%swap3A_1370], %add3A_1367 {strides = array<i32>} : memref<512xf32, #tpu.memory_space<vmem>>, vector<16xf32>,
          %get3A_1372 = arith.constant 640 : index
          %get3A_1373 = tpu.vector_load %arg12[%get3A_1372] {strides = array<i32>} : memref<1024xf32, #tpu.memory_space<vmem>>, vector<16xf32>,
          %get3A_1374 = arith.constant 656 : index
          %get3A_1375 = tpu.vector_load %arg12[%get3A_1374] {strides = array<i32>} : memref<1024xf32, #tpu.memory_space<vmem>>, vector<16xf32>,
          %get3A_1376 = arith.constant 672 : index
          %get3A_1377 = tpu.vector_load %arg12[%get3A_1376] {strides = array<i32>} : memref<1024xf32, #tpu.memory_space<vmem>>, vector<16xf32>,
          %get3A_1378 = arith.constant 688 : index
          %get3A_1379 = tpu.vector_load %arg12[%get3A_1378] {strides = array<i32>} : memref<1024xf32, #tpu.memory_space<vmem>>, vector<16xf32>,
          %get3A_1380 = arith.constant 704 : index
          %get3A_1381 = tpu.vector_load %arg12[%get3A_1380] {strides = array<i32>} : memref<1024xf32, #tpu.memory_space<vmem>>, vector<16xf32>,
          %get3A_1382 = arith.constant 720 : index
          %get3A_1383 = tpu.vector_load %arg12[%get3A_1382] {strides = array<i32>} : memref<1024xf32, #tpu.memory_space<vmem>>, vector<16xf32>,
          %get3A_1384 = arith.constant 736 : index
          %get3A_1385 = tpu.vector_load %arg12[%get3A_1384] {strides = array<i32>} : memref<1024xf32, #tpu.memory_space<vmem>>, vector<16xf32>,
          %get3A_1386 = arith.constant 752 : index
          %get3A_1387 = tpu.vector_load %arg12[%get3A_1386] {strides = array<i32>} : memref<1024xf32, #tpu.memory_space<vmem>>, vector<16xf32>,
          %sub3A_1388 = arith.subf %get3A_1381, %get3A_1373 : vector<16xf32>
          %mul3A_1389 = arith.mulf %sub3A_1388, %sub3A_1324 : vector<16xf32>
          %add3A_1390 = arith.addf %get3A_1373, %mul3A_1389 : vector<16xf32>
          %sub3A_1391 = arith.subf %get3A_1383, %get3A_1375 : vector<16xf32>
          %mul3A_1392 = arith.mulf %sub3A_1391, %sub3A_1324 : vector<16xf32>
          %add3A_1393 = arith.addf %get3A_1375, %mul3A_1392 : vector<16xf32>
          %sub3A_1394 = arith.subf %get3A_1385, %get3A_1377 : vector<16xf32>
          %mul3A_1395 = arith.mulf %sub3A_1394, %sub3A_1324 : vector<16xf32>
          %add3A_1396 = arith.addf %get3A_1377, %mul3A_1395 : vector<16xf32>
          %sub3A_1397 = arith.subf %get3A_1387, %get3A_1379 : vector<16xf32>
          %mul3A_1398 = arith.mulf %sub3A_1397, %sub3A_1324 : vector<16xf32>
          %add3A_1399 = arith.addf %get3A_1379, %mul3A_1398 : vector<16xf32>
          %sub3A_1400 = arith.subf %add3A_1396, %add3A_1390 : vector<16xf32>
          %mul3A_1401 = arith.mulf %sub3A_1400, %sub3A_1327 : vector<16xf32>
          %add3A_1402 = arith.addf %add3A_1390, %mul3A_1401 : vector<16xf32>
          %sub3A_1403 = arith.subf %add3A_1399, %add3A_1393 : vector<16xf32>
          %mul3A_1404 = arith.mulf %sub3A_1403, %sub3A_1327 : vector<16xf32>
          %add3A_1405 = arith.addf %add3A_1393, %mul3A_1404 : vector<16xf32>
          %sub3A_1406 = arith.subf %add3A_1405, %add3A_1402 : vector<16xf32>
          %mul3A_1407 = arith.mulf %sub3A_1406, %sub3A_1330 : vector<16xf32>
          %add3A_1408 = arith.addf %add3A_1402, %mul3A_1407 : vector<16xf32>
          %add3A_1409 = arith.constant 32 : i32
          %add3A_1410 = arith.addi %mul3A_568, %add3A_1409 : i32
          %swap3A_1411 = arith.index_cast %add3A_1410 : i32 to index
          %swap3A_1412 = tpu.vector_load %arg9[%swap3A_1411] {strides = array<i32>} : memref<512xf32, #tpu.memory_space<vmem>>, vector<16xf32>,
          tpu.vector_store %arg9[%swap3A_1411], %add3A_1408 {strides = array<i32>} : memref<512xf32, #tpu.memory_space<vmem>>, vector<16xf32>,
          %add3A_1413 = arith.constant 48 : i32
          %add3A_1414 = arith.addi %add3A_1095, %add3A_1413 : i32
          %get3A_1415 = arith.index_cast %add3A_1414 : i32 to index
          %get3A_1416 = tpu.vector_load %arg6[%get3A_1415] {strides = array<i32>} : memref<24576xf32, #tpu.memory_space<vmem>>, vector<16xf32>,
          %add3A_1417 = arith.constant 8192 : i32
          %add3A_1418 = arith.addi %add3A_1417, %add3A_1414 : i32
          %get3A_1419 = arith.index_cast %add3A_1418 : i32 to index
          %get3A_1420 = tpu.vector_load %arg6[%get3A_1419] {strides = array<i32>} : memref<24576xf32, #tpu.memory_space<vmem>>, vector<16xf32>,
          %add3A_1421 = arith.constant 16384 : i32
          %add3A_1422 = arith.addi %add3A_1421, %add3A_1414 : i32
          %get3A_1423 = arith.index_cast %add3A_1422 : i32 to index
          %get3A_1424 = tpu.vector_load %arg6[%get3A_1423] {strides = array<i32>} : memref<24576xf32, #tpu.memory_space<vmem>>, vector<16xf32>,
          %mul3A_1425 = arith.mulf %get3A_1416, %get3A_16 : vector<16xf32>
          %mul3A_1426 = arith.mulf %get3A_1420, %get3A_16 : vector<16xf32>
          %mul3A_1427 = arith.mulf %get3A_1424, %get3A_16 : vector<16xf32>
          %convert_element_type3A_1428 = arith.fptosi %mul3A_1425 : vector<16xf32> to vector<16xi32>
          %convert_element_type3A_1429 = arith.sitofp %convert_element_type3A_1428 : vector<16xi32> to vector<16xf32>
          %sub3A_1430 = arith.subf %mul3A_1425, %convert_element_type3A_1429 : vector<16xf32>
          %convert_element_type3A_1431 = arith.fptosi %mul3A_1426 : vector<16xf32> to vector<16xi32>
          %convert_element_type3A_1432 = arith.sitofp %convert_element_type3A_1431 : vector<16xi32> to vector<16xf32>
          %sub3A_1433 = arith.subf %mul3A_1426, %convert_element_type3A_1432 : vector<16xf32>
          %convert_element_type3A_1434 = arith.fptosi %mul3A_1427 : vector<16xf32> to vector<16xi32>
          %convert_element_type3A_1435 = arith.sitofp %convert_element_type3A_1434 : vector<16xi32> to vector<16xf32>
          %sub3A_1436 = arith.subf %mul3A_1427, %convert_element_type3A_1435 : vector<16xf32>
          %get3A_1437 = arith.constant 768 : index
          %get3A_1438 = tpu.vector_load %arg12[%get3A_1437] {strides = array<i32>} : memref<1024xf32, #tpu.memory_space<vmem>>, vector<16xf32>,
          %get3A_1439 = arith.constant 784 : index
          %get3A_1440 = tpu.vector_load %arg12[%get3A_1439] {strides = array<i32>} : memref<1024xf32, #tpu.memory_space<vmem>>, vector<16xf32>,
          %get3A_1441 = arith.constant 800 : index
          %get3A_1442 = tpu.vector_load %arg12[%get3A_1441] {strides = array<i32>} : memref<1024xf32, #tpu.memory_space<vmem>>, vector<16xf32>,
          %get3A_1443 = arith.constant 816 : index
          %get3A_1444 = tpu.vector_load %arg12[%get3A_1443] {strides = array<i32>} : memref<1024xf32, #tpu.memory_space<vmem>>, vector<16xf32>,
          %get3A_1445 = arith.constant 832 : index
          %get3A_1446 = tpu.vector_load %arg12[%get3A_1445] {strides = array<i32>} : memref<1024xf32, #tpu.memory_space<vmem>>, vector<16xf32>,
          %get3A_1447 = arith.constant 848 : index
          %get3A_1448 = tpu.vector_load %arg12[%get3A_1447] {strides = array<i32>} : memref<1024xf32, #tpu.memory_space<vmem>>, vector<16xf32>,
          %get3A_1449 = arith.constant 864 : index
          %get3A_1450 = tpu.vector_load %arg12[%get3A_1449] {strides = array<i32>} : memref<1024xf32, #tpu.memory_space<vmem>>, vector<16xf32>,
          %get3A_1451 = arith.constant 880 : index
          %get3A_1452 = tpu.vector_load %arg12[%get3A_1451] {strides = array<i32>} : memref<1024xf32, #tpu.memory_space<vmem>>, vector<16xf32>,
          %sub3A_1453 = arith.subf %get3A_1446, %get3A_1438 : vector<16xf32>
          %mul3A_1454 = arith.mulf %sub3A_1453, %sub3A_1430 : vector<16xf32>
          %add3A_1455 = arith.addf %get3A_1438, %mul3A_1454 : vector<16xf32>
          %sub3A_1456 = arith.subf %get3A_1448, %get3A_1440 : vector<16xf32>
          %mul3A_1457 = arith.mulf %sub3A_1456, %sub3A_1430 : vector<16xf32>
          %add3A_1458 = arith.addf %get3A_1440, %mul3A_1457 : vector<16xf32>
          %sub3A_1459 = arith.subf %get3A_1450, %get3A_1442 : vector<16xf32>
          %mul3A_1460 = arith.mulf %sub3A_1459, %sub3A_1430 : vector<16xf32>
          %add3A_1461 = arith.addf %get3A_1442, %mul3A_1460 : vector<16xf32>
          %sub3A_1462 = arith.subf %get3A_1452, %get3A_1444 : vector<16xf32>
          %mul3A_1463 = arith.mulf %sub3A_1462, %sub3A_1430 : vector<16xf32>
          %add3A_1464 = arith.addf %get3A_1444, %mul3A_1463 : vector<16xf32>
          %sub3A_1465 = arith.subf %add3A_1461, %add3A_1455 : vector<16xf32>
          %mul3A_1466 = arith.mulf %sub3A_1465, %sub3A_1433 : vector<16xf32>
          %add3A_1467 = arith.addf %add3A_1455, %mul3A_1466 : vector<16xf32>
          %sub3A_1468 = arith.subf %add3A_1464, %add3A_1458 : vector<16xf32>
          %mul3A_1469 = arith.mulf %sub3A_1468, %sub3A_1433 : vector<16xf32>
          %add3A_1470 = arith.addf %add3A_1458, %mul3A_1469 : vector<16xf32>
          %sub3A_1471 = arith.subf %add3A_1470, %add3A_1467 : vector<16xf32>
          %mul3A_1472 = arith.mulf %sub3A_1471, %sub3A_1436 : vector<16xf32>
          %add3A_1473 = arith.addf %add3A_1467, %mul3A_1472 : vector<16xf32>
          %add3A_1474 = arith.constant 48 : i32
          %add3A_1475 = arith.addi %mul3A_568, %add3A_1474 : i32
          %swap3A_1476 = arith.index_cast %add3A_1475 : i32 to index
          %swap3A_1477 = tpu.vector_load %arg8[%swap3A_1476] {strides = array<i32>} : memref<512xf32, #tpu.memory_space<vmem>>, vector<16xf32>,
          tpu.vector_store %arg8[%swap3A_1476], %add3A_1473 {strides = array<i32>} : memref<512xf32, #tpu.memory_space<vmem>>, vector<16xf32>,
          %get3A_1478 = arith.constant 896 : index
          %get3A_1479 = tpu.vector_load %arg12[%get3A_1478] {strides = array<i32>} : memref<1024xf32, #tpu.memory_space<vmem>>, vector<16xf32>,
          %get3A_1480 = arith.constant 912 : index
          %get3A_1481 = tpu.vector_load %arg12[%get3A_1480] {strides = array<i32>} : memref<1024xf32, #tpu.memory_space<vmem>>, vector<16xf32>,
          %get3A_1482 = arith.constant 928 : index
          %get3A_1483 = tpu.vector_load %arg12[%get3A_1482] {strides = array<i32>} : memref<1024xf32, #tpu.memory_space<vmem>>, vector<16xf32>,
          %get3A_1484 = arith.constant 944 : index
          %get3A_1485 = tpu.vector_load %arg12[%get3A_1484] {strides = array<i32>} : memref<1024xf32, #tpu.memory_space<vmem>>, vector<16xf32>,
          %get3A_1486 = arith.constant 960 : index
          %get3A_1487 = tpu.vector_load %arg12[%get3A_1486] {strides = array<i32>} : memref<1024xf32, #tpu.memory_space<vmem>>, vector<16xf32>,
          %get3A_1488 = arith.constant 976 : index
          %get3A_1489 = tpu.vector_load %arg12[%get3A_1488] {strides = array<i32>} : memref<1024xf32, #tpu.memory_space<vmem>>, vector<16xf32>,
          %get3A_1490 = arith.constant 992 : index
          %get3A_1491 = tpu.vector_load %arg12[%get3A_1490] {strides = array<i32>} : memref<1024xf32, #tpu.memory_space<vmem>>, vector<16xf32>,
          %get3A_1492 = arith.constant 1008 : index
          %get3A_1493 = tpu.vector_load %arg12[%get3A_1492] {strides = array<i32>} : memref<1024xf32, #tpu.memory_space<vmem>>, vector<16xf32>,
          %sub3A_1494 = arith.subf %get3A_1487, %get3A_1479 : vector<16xf32>
          %mul3A_1495 = arith.mulf %sub3A_1494, %sub3A_1430 : vector<16xf32>
          %add3A_1496 = arith.addf %get3A_1479, %mul3A_1495 : vector<16xf32>
          %sub3A_1497 = arith.subf %get3A_1489, %get3A_1481 : vector<16xf32>
          %mul3A_1498 = arith.mulf %sub3A_1497, %sub3A_1430 : vector<16xf32>
          %add3A_1499 = arith.addf %get3A_1481, %mul3A_1498 : vector<16xf32>
          %sub3A_1500 = arith.subf %get3A_1491, %get3A_1483 : vector<16xf32>
          %mul3A_1501 = arith.mulf %sub3A_1500, %sub3A_1430 : vector<16xf32>
          %add3A_1502 = arith.addf %get3A_1483, %mul3A_1501 : vector<16xf32>
          %sub3A_1503 = arith.subf %get3A_1493, %get3A_1485 : vector<16xf32>
          %mul3A_1504 = arith.mulf %sub3A_1503, %sub3A_1430 : vector<16xf32>
          %add3A_1505 = arith.addf %get3A_1485, %mul3A_1504 : vector<16xf32>
          %sub3A_1506 = arith.subf %add3A_1502, %add3A_1496 : vector<16xf32>
          %mul3A_1507 = arith.mulf %sub3A_1506, %sub3A_1433 : vector<16xf32>
          %add3A_1508 = arith.addf %add3A_1496, %mul3A_1507 : vector<16xf32>
          %sub3A_1509 = arith.subf %add3A_1505, %add3A_1499 : vector<16xf32>
          %mul3A_1510 = arith.mulf %sub3A_1509, %sub3A_1433 : vector<16xf32>
          %add3A_1511 = arith.addf %add3A_1499, %mul3A_1510 : vector<16xf32>
          %sub3A_1512 = arith.subf %add3A_1511, %add3A_1508 : vector<16xf32>
          %mul3A_1513 = arith.mulf %sub3A_1512, %sub3A_1436 : vector<16xf32>
          %add3A_1514 = arith.addf %add3A_1508, %mul3A_1513 : vector<16xf32>
          %add3A_1515 = arith.constant 48 : i32
          %add3A_1516 = arith.addi %mul3A_568, %add3A_1515 : i32
          %swap3A_1517 = arith.index_cast %add3A_1516 : i32 to index
          %swap3A_1518 = tpu.vector_load %arg9[%swap3A_1517] {strides = array<i32>} : memref<512xf32, #tpu.memory_space<vmem>>, vector<16xf32>,
          tpu.vector_store %arg9[%swap3A_1517], %add3A_1514 {strides = array<i32>} : memref<512xf32, #tpu.memory_space<vmem>>, vector<16xf32>,
          %lt3A = arith.constant 3 : i32
          %lt3A_1519 = arith.cmpi slt, %scan3A_566, %lt3A : i32
          %convert_element_type3A_1520 = arith.extui %lt3A_1519 : i1 to i32
          %cond3A = arith.constant 0 : i32
          %cond3A_1521 = arith.cmpi ne, %convert_element_type3A_1520, %cond3A : i32
          scf.if %cond3A_1521 {
            %add3A_1949 = arith.addi %mul3A_32, %add3A_570 : i32
            %add3A_1950 = arith.constant 64 : i32
            %add3A_1951 = arith.addi %add3A_1949, %add3A_1950 : i32
            %add3A_1952 = arith.constant 0 : i32
            %add3A_1953 = arith.addi %add3A_1951, %add3A_1952 : i32
            %get3A_1954 = arith.index_cast %add3A_1953 : i32 to index
            %get3A_1955 = tpu.vector_load %arg6[%get3A_1954] {strides = array<i32>} : memref<24576xf32, #tpu.memory_space<vmem>>, vector<16xf32>,
            %add3A_1956 = arith.constant 8192 : i32
            %add3A_1957 = arith.addi %add3A_1956, %add3A_1953 : i32
            %get3A_1958 = arith.index_cast %add3A_1957 : i32 to index
            %get3A_1959 = tpu.vector_load %arg6[%get3A_1958] {strides = array<i32>} : memref<24576xf32, #tpu.memory_space<vmem>>, vector<16xf32>,
            %add3A_1960 = arith.constant 16384 : i32
            %add3A_1961 = arith.addi %add3A_1960, %add3A_1953 : i32
            %get3A_1962 = arith.index_cast %add3A_1961 : i32 to index
            %get3A_1963 = tpu.vector_load %arg6[%get3A_1962] {strides = array<i32>} : memref<24576xf32, #tpu.memory_space<vmem>>, vector<16xf32>,
            %mul3A_1964 = arith.mulf %get3A_1955, %get3A_16 : vector<16xf32>
            %convert_element_type3A_1965 = arith.fptosi %mul3A_1964 : vector<16xf32> to vector<16xi32>
            %add3A_1966 = arith.addi %convert_element_type3A_1965, %convert_element_type3A_1965 : vector<16xi32>
            %add3A_1967 = arith.constant 2 : i32
            %add3A_1968 = vector.broadcast %add3A_1967 : i32 to vector<16xi32>
            %add3A_1969 = arith.addi %add3A_1966, %add3A_1968 : vector<16xi32>
            %mul3A_1970 = arith.mulf %get3A_1959, %get3A_16 : vector<16xf32>
            %convert_element_type3A_1971 = arith.fptosi %mul3A_1970 : vector<16xf32> to vector<16xi32>
            %mul3A_1972 = arith.mulf %get3A_1963, %get3A_16 : vector<16xf32>
            %convert_element_type3A_1973 = arith.fptosi %mul3A_1972 : vector<16xf32> to vector<16xi32>
            %mul3A_1974 = arith.constant 1013904226 : i32
            %mul3A_1975 = vector.broadcast %mul3A_1974 : i32 to vector<16xi32>
            %mul3A_1976 = arith.muli %convert_element_type3A_1971, %mul3A_1975 : vector<16xi32>
            %add3A_1977 = arith.constant 1013904226 : i32
            %add3A_1978 = vector.broadcast %add3A_1977 : i32 to vector<16xi32>
            %add3A_1979 = arith.addi %mul3A_1976, %add3A_1978 : vector<16xi32>
            %mul3A_1980 = arith.constant 1610919722 : i32
            %mul3A_1981 = vector.broadcast %mul3A_1980 : i32 to vector<16xi32>
            %mul3A_1982 = arith.muli %convert_element_type3A_1973, %mul3A_1981 : vector<16xi32>
            %add3A_1983 = arith.constant 1610919722 : i32
            %add3A_1984 = vector.broadcast %add3A_1983 : i32 to vector<16xi32>
            %add3A_1985 = arith.addi %mul3A_1982, %add3A_1984 : vector<16xi32>
            %xor3A_1986 = arith.xori %add3A_1966, %mul3A_1976 : vector<16xi32>
            %xor3A_1987 = arith.xori %xor3A_1986, %mul3A_1982 : vector<16xi32>
            %and3A_1988 = arith.constant 1048574 : i32
            %and3A_1989 = vector.broadcast %and3A_1988 : i32 to vector<16xi32>
            %and3A_1990 = arith.andi %xor3A_1987, %and3A_1989 : vector<16xi32>
            %swap3A_1991 = arith.constant 0 : index
            %swap3A_1992 = tpu.vector_load %arg10[%swap3A_1991] {strides = array<i32>} : memref<1024xi32, #tpu.memory_space<vmem>>, vector<16xi32>,
            tpu.vector_store %arg10[%swap3A_1991], %and3A_1990 {strides = array<i32>} : memref<1024xi32, #tpu.memory_space<vmem>>, vector<16xi32>,
            %add3A_1993 = arith.constant 1 : i32
            %add3A_1994 = vector.broadcast %add3A_1993 : i32 to vector<16xi32>
            %add3A_1995 = arith.addi %and3A_1990, %add3A_1994 : vector<16xi32>
            %swap3A_1996 = arith.constant 128 : index
            %swap3A_1997 = tpu.vector_load %arg10[%swap3A_1996] {strides = array<i32>} : memref<1024xi32, #tpu.memory_space<vmem>>, vector<16xi32>,
            tpu.vector_store %arg10[%swap3A_1996], %add3A_1995 {strides = array<i32>} : memref<1024xi32, #tpu.memory_space<vmem>>, vector<16xi32>,
            %xor3A_1998 = arith.xori %add3A_1966, %mul3A_1976 : vector<16xi32>
            %xor3A_1999 = arith.xori %xor3A_1998, %add3A_1985 : vector<16xi32>
            %and3A_2000 = arith.constant 1048574 : i32
            %and3A_2001 = vector.broadcast %and3A_2000 : i32 to vector<16xi32>
            %and3A_2002 = arith.andi %xor3A_1999, %and3A_2001 : vector<16xi32>
            %swap3A_2003 = arith.constant 16 : index
            %swap3A_2004 = tpu.vector_load %arg10[%swap3A_2003] {strides = array<i32>} : memref<1024xi32, #tpu.memory_space<vmem>>, vector<16xi32>,
            tpu.vector_store %arg10[%swap3A_2003], %and3A_2002 {strides = array<i32>} : memref<1024xi32, #tpu.memory_space<vmem>>, vector<16xi32>,
            %add3A_2005 = arith.constant 1 : i32
            %add3A_2006 = vector.broadcast %add3A_2005 : i32 to vector<16xi32>
            %add3A_2007 = arith.addi %and3A_2002, %add3A_2006 : vector<16xi32>
            %swap3A_2008 = arith.constant 144 : index
            %swap3A_2009 = tpu.vector_load %arg10[%swap3A_2008] {strides = array<i32>} : memref<1024xi32, #tpu.memory_space<vmem>>, vector<16xi32>,
            tpu.vector_store %arg10[%swap3A_2008], %add3A_2007 {strides = array<i32>} : memref<1024xi32, #tpu.memory_space<vmem>>, vector<16xi32>,
            %xor3A_2010 = arith.xori %add3A_1966, %add3A_1979 : vector<16xi32>
            %xor3A_2011 = arith.xori %xor3A_2010, %mul3A_1982 : vector<16xi32>
            %and3A_2012 = arith.constant 1048574 : i32
            %and3A_2013 = vector.broadcast %and3A_2012 : i32 to vector<16xi32>
            %and3A_2014 = arith.andi %xor3A_2011, %and3A_2013 : vector<16xi32>
            %swap3A_2015 = arith.constant 32 : index
            %swap3A_2016 = tpu.vector_load %arg10[%swap3A_2015] {strides = array<i32>} : memref<1024xi32, #tpu.memory_space<vmem>>, vector<16xi32>,
            tpu.vector_store %arg10[%swap3A_2015], %and3A_2014 {strides = array<i32>} : memref<1024xi32, #tpu.memory_space<vmem>>, vector<16xi32>,
            %add3A_2017 = arith.constant 1 : i32
            %add3A_2018 = vector.broadcast %add3A_2017 : i32 to vector<16xi32>
            %add3A_2019 = arith.addi %and3A_2014, %add3A_2018 : vector<16xi32>
            %swap3A_2020 = arith.constant 160 : index
            %swap3A_2021 = tpu.vector_load %arg10[%swap3A_2020] {strides = array<i32>} : memref<1024xi32, #tpu.memory_space<vmem>>, vector<16xi32>,
            tpu.vector_store %arg10[%swap3A_2020], %add3A_2019 {strides = array<i32>} : memref<1024xi32, #tpu.memory_space<vmem>>, vector<16xi32>,
            %xor3A_2022 = arith.xori %add3A_1966, %add3A_1979 : vector<16xi32>
            %xor3A_2023 = arith.xori %xor3A_2022, %add3A_1985 : vector<16xi32>
            %and3A_2024 = arith.constant 1048574 : i32
            %and3A_2025 = vector.broadcast %and3A_2024 : i32 to vector<16xi32>
            %and3A_2026 = arith.andi %xor3A_2023, %and3A_2025 : vector<16xi32>
            %swap3A_2027 = arith.constant 48 : index
            %swap3A_2028 = tpu.vector_load %arg10[%swap3A_2027] {strides = array<i32>} : memref<1024xi32, #tpu.memory_space<vmem>>, vector<16xi32>,
            tpu.vector_store %arg10[%swap3A_2027], %and3A_2026 {strides = array<i32>} : memref<1024xi32, #tpu.memory_space<vmem>>, vector<16xi32>,
            %add3A_2029 = arith.constant 1 : i32
            %add3A_2030 = vector.broadcast %add3A_2029 : i32 to vector<16xi32>
            %add3A_2031 = arith.addi %and3A_2026, %add3A_2030 : vector<16xi32>
            %swap3A_2032 = arith.constant 176 : index
            %swap3A_2033 = tpu.vector_load %arg10[%swap3A_2032] {strides = array<i32>} : memref<1024xi32, #tpu.memory_space<vmem>>, vector<16xi32>,
            tpu.vector_store %arg10[%swap3A_2032], %add3A_2031 {strides = array<i32>} : memref<1024xi32, #tpu.memory_space<vmem>>, vector<16xi32>,
            %xor3A_2034 = arith.xori %add3A_1969, %mul3A_1976 : vector<16xi32>
            %xor3A_2035 = arith.xori %xor3A_2034, %mul3A_1982 : vector<16xi32>
            %and3A_2036 = arith.constant 1048574 : i32
            %and3A_2037 = vector.broadcast %and3A_2036 : i32 to vector<16xi32>
            %and3A_2038 = arith.andi %xor3A_2035, %and3A_2037 : vector<16xi32>
            %swap3A_2039 = arith.constant 64 : index
            %swap3A_2040 = tpu.vector_load %arg10[%swap3A_2039] {strides = array<i32>} : memref<1024xi32, #tpu.memory_space<vmem>>, vector<16xi32>,
            tpu.vector_store %arg10[%swap3A_2039], %and3A_2038 {strides = array<i32>} : memref<1024xi32, #tpu.memory_space<vmem>>, vector<16xi32>,
            %add3A_2041 = arith.constant 1 : i32
            %add3A_2042 = vector.broadcast %add3A_2041 : i32 to vector<16xi32>
            %add3A_2043 = arith.addi %and3A_2038, %add3A_2042 : vector<16xi32>
            %swap3A_2044 = arith.constant 192 : index
            %swap3A_2045 = tpu.vector_load %arg10[%swap3A_2044] {strides = array<i32>} : memref<1024xi32, #tpu.memory_space<vmem>>, vector<16xi32>,
            tpu.vector_store %arg10[%swap3A_2044], %add3A_2043 {strides = array<i32>} : memref<1024xi32, #tpu.memory_space<vmem>>, vector<16xi32>,
            %xor3A_2046 = arith.xori %add3A_1969, %mul3A_1976 : vector<16xi32>
            %xor3A_2047 = arith.xori %xor3A_2046, %add3A_1985 : vector<16xi32>
            %and3A_2048 = arith.constant 1048574 : i32
            %and3A_2049 = vector.broadcast %and3A_2048 : i32 to vector<16xi32>
            %and3A_2050 = arith.andi %xor3A_2047, %and3A_2049 : vector<16xi32>
            %swap3A_2051 = arith.constant 80 : index
            %swap3A_2052 = tpu.vector_load %arg10[%swap3A_2051] {strides = array<i32>} : memref<1024xi32, #tpu.memory_space<vmem>>, vector<16xi32>,
            tpu.vector_store %arg10[%swap3A_2051], %and3A_2050 {strides = array<i32>} : memref<1024xi32, #tpu.memory_space<vmem>>, vector<16xi32>,
            %add3A_2053 = arith.constant 1 : i32
            %add3A_2054 = vector.broadcast %add3A_2053 : i32 to vector<16xi32>
            %add3A_2055 = arith.addi %and3A_2050, %add3A_2054 : vector<16xi32>
            %swap3A_2056 = arith.constant 208 : index
            %swap3A_2057 = tpu.vector_load %arg10[%swap3A_2056] {strides = array<i32>} : memref<1024xi32, #tpu.memory_space<vmem>>, vector<16xi32>,
            tpu.vector_store %arg10[%swap3A_2056], %add3A_2055 {strides = array<i32>} : memref<1024xi32, #tpu.memory_space<vmem>>, vector<16xi32>,
            %xor3A_2058 = arith.xori %add3A_1969, %add3A_1979 : vector<16xi32>
            %xor3A_2059 = arith.xori %xor3A_2058, %mul3A_1982 : vector<16xi32>
            %and3A_2060 = arith.constant 1048574 : i32
            %and3A_2061 = vector.broadcast %and3A_2060 : i32 to vector<16xi32>
            %and3A_2062 = arith.andi %xor3A_2059, %and3A_2061 : vector<16xi32>
            %swap3A_2063 = arith.constant 96 : index
            %swap3A_2064 = tpu.vector_load %arg10[%swap3A_2063] {strides = array<i32>} : memref<1024xi32, #tpu.memory_space<vmem>>, vector<16xi32>,
            tpu.vector_store %arg10[%swap3A_2063], %and3A_2062 {strides = array<i32>} : memref<1024xi32, #tpu.memory_space<vmem>>, vector<16xi32>,
            %add3A_2065 = arith.constant 1 : i32
            %add3A_2066 = vector.broadcast %add3A_2065 : i32 to vector<16xi32>
            %add3A_2067 = arith.addi %and3A_2062, %add3A_2066 : vector<16xi32>
            %swap3A_2068 = arith.constant 224 : index
            %swap3A_2069 = tpu.vector_load %arg10[%swap3A_2068] {strides = array<i32>} : memref<1024xi32, #tpu.memory_space<vmem>>, vector<16xi32>,
            tpu.vector_store %arg10[%swap3A_2068], %add3A_2067 {strides = array<i32>} : memref<1024xi32, #tpu.memory_space<vmem>>, vector<16xi32>,
            %xor3A_2070 = arith.xori %add3A_1969, %add3A_1979 : vector<16xi32>
            %xor3A_2071 = arith.xori %xor3A_2070, %add3A_1985 : vector<16xi32>
            %and3A_2072 = arith.constant 1048574 : i32
            %and3A_2073 = vector.broadcast %and3A_2072 : i32 to vector<16xi32>
            %and3A_2074 = arith.andi %xor3A_2071, %and3A_2073 : vector<16xi32>
            %swap3A_2075 = arith.constant 112 : index
            %swap3A_2076 = tpu.vector_load %arg10[%swap3A_2075] {strides = array<i32>} : memref<1024xi32, #tpu.memory_space<vmem>>, vector<16xi32>,
            tpu.vector_store %arg10[%swap3A_2075], %and3A_2074 {strides = array<i32>} : memref<1024xi32, #tpu.memory_space<vmem>>, vector<16xi32>,
            %add3A_2077 = arith.constant 1 : i32
            %add3A_2078 = vector.broadcast %add3A_2077 : i32 to vector<16xi32>
            %add3A_2079 = arith.addi %and3A_2074, %add3A_2078 : vector<16xi32>
            %swap3A_2080 = arith.constant 240 : index
            %swap3A_2081 = tpu.vector_load %arg10[%swap3A_2080] {strides = array<i32>} : memref<1024xi32, #tpu.memory_space<vmem>>, vector<16xi32>,
            tpu.vector_store %arg10[%swap3A_2080], %add3A_2079 {strides = array<i32>} : memref<1024xi32, #tpu.memory_space<vmem>>, vector<16xi32>,
            %add3A_2082 = arith.constant 16 : i32
            %add3A_2083 = arith.addi %add3A_1951, %add3A_2082 : i32
            %get3A_2084 = arith.index_cast %add3A_2083 : i32 to index
            %get3A_2085 = tpu.vector_load %arg6[%get3A_2084] {strides = array<i32>} : memref<24576xf32, #tpu.memory_space<vmem>>, vector<16xf32>,
            %add3A_2086 = arith.constant 8192 : i32
            %add3A_2087 = arith.addi %add3A_2086, %add3A_2083 : i32
            %get3A_2088 = arith.index_cast %add3A_2087 : i32 to index
            %get3A_2089 = tpu.vector_load %arg6[%get3A_2088] {strides = array<i32>} : memref<24576xf32, #tpu.memory_space<vmem>>, vector<16xf32>,
            %add3A_2090 = arith.constant 16384 : i32
            %add3A_2091 = arith.addi %add3A_2090, %add3A_2083 : i32
            %get3A_2092 = arith.index_cast %add3A_2091 : i32 to index
            %get3A_2093 = tpu.vector_load %arg6[%get3A_2092] {strides = array<i32>} : memref<24576xf32, #tpu.memory_space<vmem>>, vector<16xf32>,
            %mul3A_2094 = arith.mulf %get3A_2085, %get3A_16 : vector<16xf32>
            %convert_element_type3A_2095 = arith.fptosi %mul3A_2094 : vector<16xf32> to vector<16xi32>
            %add3A_2096 = arith.addi %convert_element_type3A_2095, %convert_element_type3A_2095 : vector<16xi32>
            %add3A_2097 = arith.constant 2 : i32
            %add3A_2098 = vector.broadcast %add3A_2097 : i32 to vector<16xi32>
            %add3A_2099 = arith.addi %add3A_2096, %add3A_2098 : vector<16xi32>
            %mul3A_2100 = arith.mulf %get3A_2089, %get3A_16 : vector<16xf32>
            %convert_element_type3A_2101 = arith.fptosi %mul3A_2100 : vector<16xf32> to vector<16xi32>
            %mul3A_2102 = arith.mulf %get3A_2093, %get3A_16 : vector<16xf32>
            %convert_element_type3A_2103 = arith.fptosi %mul3A_2102 : vector<16xf32> to vector<16xi32>
            %mul3A_2104 = arith.constant 1013904226 : i32
            %mul3A_2105 = vector.broadcast %mul3A_2104 : i32 to vector<16xi32>
            %mul3A_2106 = arith.muli %convert_element_type3A_2101, %mul3A_2105 : vector<16xi32>
            %add3A_2107 = arith.constant 1013904226 : i32
            %add3A_2108 = vector.broadcast %add3A_2107 : i32 to vector<16xi32>
            %add3A_2109 = arith.addi %mul3A_2106, %add3A_2108 : vector<16xi32>
            %mul3A_2110 = arith.constant 1610919722 : i32
            %mul3A_2111 = vector.broadcast %mul3A_2110 : i32 to vector<16xi32>
            %mul3A_2112 = arith.muli %convert_element_type3A_2103, %mul3A_2111 : vector<16xi32>
            %add3A_2113 = arith.constant 1610919722 : i32
            %add3A_2114 = vector.broadcast %add3A_2113 : i32 to vector<16xi32>
            %add3A_2115 = arith.addi %mul3A_2112, %add3A_2114 : vector<16xi32>
            %xor3A_2116 = arith.xori %add3A_2096, %mul3A_2106 : vector<16xi32>
            %xor3A_2117 = arith.xori %xor3A_2116, %mul3A_2112 : vector<16xi32>
            %and3A_2118 = arith.constant 1048574 : i32
            %and3A_2119 = vector.broadcast %and3A_2118 : i32 to vector<16xi32>
            %and3A_2120 = arith.andi %xor3A_2117, %and3A_2119 : vector<16xi32>
            %swap3A_2121 = arith.constant 256 : index
            %swap3A_2122 = tpu.vector_load %arg10[%swap3A_2121] {strides = array<i32>} : memref<1024xi32, #tpu.memory_space<vmem>>, vector<16xi32>,
            tpu.vector_store %arg10[%swap3A_2121], %and3A_2120 {strides = array<i32>} : memref<1024xi32, #tpu.memory_space<vmem>>, vector<16xi32>,
            %add3A_2123 = arith.constant 1 : i32
            %add3A_2124 = vector.broadcast %add3A_2123 : i32 to vector<16xi32>
            %add3A_2125 = arith.addi %and3A_2120, %add3A_2124 : vector<16xi32>
            %swap3A_2126 = arith.constant 384 : index
            %swap3A_2127 = tpu.vector_load %arg10[%swap3A_2126] {strides = array<i32>} : memref<1024xi32, #tpu.memory_space<vmem>>, vector<16xi32>,
            tpu.vector_store %arg10[%swap3A_2126], %add3A_2125 {strides = array<i32>} : memref<1024xi32, #tpu.memory_space<vmem>>, vector<16xi32>,
            %xor3A_2128 = arith.xori %add3A_2096, %mul3A_2106 : vector<16xi32>
            %xor3A_2129 = arith.xori %xor3A_2128, %add3A_2115 : vector<16xi32>
            %and3A_2130 = arith.constant 1048574 : i32
            %and3A_2131 = vector.broadcast %and3A_2130 : i32 to vector<16xi32>
            %and3A_2132 = arith.andi %xor3A_2129, %and3A_2131 : vector<16xi32>
            %swap3A_2133 = arith.constant 272 : index
            %swap3A_2134 = tpu.vector_load %arg10[%swap3A_2133] {strides = array<i32>} : memref<1024xi32, #tpu.memory_space<vmem>>, vector<16xi32>,
            tpu.vector_store %arg10[%swap3A_2133], %and3A_2132 {strides = array<i32>} : memref<1024xi32, #tpu.memory_space<vmem>>, vector<16xi32>,
            %add3A_2135 = arith.constant 1 : i32
            %add3A_2136 = vector.broadcast %add3A_2135 : i32 to vector<16xi32>
            %add3A_2137 = arith.addi %and3A_2132, %add3A_2136 : vector<16xi32>
            %swap3A_2138 = arith.constant 400 : index
            %swap3A_2139 = tpu.vector_load %arg10[%swap3A_2138] {strides = array<i32>} : memref<1024xi32, #tpu.memory_space<vmem>>, vector<16xi32>,
            tpu.vector_store %arg10[%swap3A_2138], %add3A_2137 {strides = array<i32>} : memref<1024xi32, #tpu.memory_space<vmem>>, vector<16xi32>,
            %xor3A_2140 = arith.xori %add3A_2096, %add3A_2109 : vector<16xi32>
            %xor3A_2141 = arith.xori %xor3A_2140, %mul3A_2112 : vector<16xi32>
            %and3A_2142 = arith.constant 1048574 : i32
            %and3A_2143 = vector.broadcast %and3A_2142 : i32 to vector<16xi32>
            %and3A_2144 = arith.andi %xor3A_2141, %and3A_2143 : vector<16xi32>
            %swap3A_2145 = arith.constant 288 : index
            %swap3A_2146 = tpu.vector_load %arg10[%swap3A_2145] {strides = array<i32>} : memref<1024xi32, #tpu.memory_space<vmem>>, vector<16xi32>,
            tpu.vector_store %arg10[%swap3A_2145], %and3A_2144 {strides = array<i32>} : memref<1024xi32, #tpu.memory_space<vmem>>, vector<16xi32>,
            %add3A_2147 = arith.constant 1 : i32
            %add3A_2148 = vector.broadcast %add3A_2147 : i32 to vector<16xi32>
            %add3A_2149 = arith.addi %and3A_2144, %add3A_2148 : vector<16xi32>
            %swap3A_2150 = arith.constant 416 : index
            %swap3A_2151 = tpu.vector_load %arg10[%swap3A_2150] {strides = array<i32>} : memref<1024xi32, #tpu.memory_space<vmem>>, vector<16xi32>,
            tpu.vector_store %arg10[%swap3A_2150], %add3A_2149 {strides = array<i32>} : memref<1024xi32, #tpu.memory_space<vmem>>, vector<16xi32>,
            %xor3A_2152 = arith.xori %add3A_2096, %add3A_2109 : vector<16xi32>
            %xor3A_2153 = arith.xori %xor3A_2152, %add3A_2115 : vector<16xi32>
            %and3A_2154 = arith.constant 1048574 : i32
            %and3A_2155 = vector.broadcast %and3A_2154 : i32 to vector<16xi32>
            %and3A_2156 = arith.andi %xor3A_2153, %and3A_2155 : vector<16xi32>
            %swap3A_2157 = arith.constant 304 : index
            %swap3A_2158 = tpu.vector_load %arg10[%swap3A_2157] {strides = array<i32>} : memref<1024xi32, #tpu.memory_space<vmem>>, vector<16xi32>,
            tpu.vector_store %arg10[%swap3A_2157], %and3A_2156 {strides = array<i32>} : memref<1024xi32, #tpu.memory_space<vmem>>, vector<16xi32>,
            %add3A_2159 = arith.constant 1 : i32
            %add3A_2160 = vector.broadcast %add3A_2159 : i32 to vector<16xi32>
            %add3A_2161 = arith.addi %and3A_2156, %add3A_2160 : vector<16xi32>
            %swap3A_2162 = arith.constant 432 : index
            %swap3A_2163 = tpu.vector_load %arg10[%swap3A_2162] {strides = array<i32>} : memref<1024xi32, #tpu.memory_space<vmem>>, vector<16xi32>,
            tpu.vector_store %arg10[%swap3A_2162], %add3A_2161 {strides = array<i32>} : memref<1024xi32, #tpu.memory_space<vmem>>, vector<16xi32>,
            %xor3A_2164 = arith.xori %add3A_2099, %mul3A_2106 : vector<16xi32>
            %xor3A_2165 = arith.xori %xor3A_2164, %mul3A_2112 : vector<16xi32>
            %and3A_2166 = arith.constant 1048574 : i32
            %and3A_2167 = vector.broadcast %and3A_2166 : i32 to vector<16xi32>
            %and3A_2168 = arith.andi %xor3A_2165, %and3A_2167 : vector<16xi32>
            %swap3A_2169 = arith.constant 320 : index
            %swap3A_2170 = tpu.vector_load %arg10[%swap3A_2169] {strides = array<i32>} : memref<1024xi32, #tpu.memory_space<vmem>>, vector<16xi32>,
            tpu.vector_store %arg10[%swap3A_2169], %and3A_2168 {strides = array<i32>} : memref<1024xi32, #tpu.memory_space<vmem>>, vector<16xi32>,
            %add3A_2171 = arith.constant 1 : i32
            %add3A_2172 = vector.broadcast %add3A_2171 : i32 to vector<16xi32>
            %add3A_2173 = arith.addi %and3A_2168, %add3A_2172 : vector<16xi32>
            %swap3A_2174 = arith.constant 448 : index
            %swap3A_2175 = tpu.vector_load %arg10[%swap3A_2174] {strides = array<i32>} : memref<1024xi32, #tpu.memory_space<vmem>>, vector<16xi32>,
            tpu.vector_store %arg10[%swap3A_2174], %add3A_2173 {strides = array<i32>} : memref<1024xi32, #tpu.memory_space<vmem>>, vector<16xi32>,
            %xor3A_2176 = arith.xori %add3A_2099, %mul3A_2106 : vector<16xi32>
            %xor3A_2177 = arith.xori %xor3A_2176, %add3A_2115 : vector<16xi32>
            %and3A_2178 = arith.constant 1048574 : i32
            %and3A_2179 = vector.broadcast %and3A_2178 : i32 to vector<16xi32>
            %and3A_2180 = arith.andi %xor3A_2177, %and3A_2179 : vector<16xi32>
            %swap3A_2181 = arith.constant 336 : index
            %swap3A_2182 = tpu.vector_load %arg10[%swap3A_2181] {strides = array<i32>} : memref<1024xi32, #tpu.memory_space<vmem>>, vector<16xi32>,
            tpu.vector_store %arg10[%swap3A_2181], %and3A_2180 {strides = array<i32>} : memref<1024xi32, #tpu.memory_space<vmem>>, vector<16xi32>,
            %add3A_2183 = arith.constant 1 : i32
            %add3A_2184 = vector.broadcast %add3A_2183 : i32 to vector<16xi32>
            %add3A_2185 = arith.addi %and3A_2180, %add3A_2184 : vector<16xi32>
            %swap3A_2186 = arith.constant 464 : index
            %swap3A_2187 = tpu.vector_load %arg10[%swap3A_2186] {strides = array<i32>} : memref<1024xi32, #tpu.memory_space<vmem>>, vector<16xi32>,
            tpu.vector_store %arg10[%swap3A_2186], %add3A_2185 {strides = array<i32>} : memref<1024xi32, #tpu.memory_space<vmem>>, vector<16xi32>,
            %xor3A_2188 = arith.xori %add3A_2099, %add3A_2109 : vector<16xi32>
            %xor3A_2189 = arith.xori %xor3A_2188, %mul3A_2112 : vector<16xi32>
            %and3A_2190 = arith.constant 1048574 : i32
            %and3A_2191 = vector.broadcast %and3A_2190 : i32 to vector<16xi32>
            %and3A_2192 = arith.andi %xor3A_2189, %and3A_2191 : vector<16xi32>
            %swap3A_2193 = arith.constant 352 : index
            %swap3A_2194 = tpu.vector_load %arg10[%swap3A_2193] {strides = array<i32>} : memref<1024xi32, #tpu.memory_space<vmem>>, vector<16xi32>,
            tpu.vector_store %arg10[%swap3A_2193], %and3A_2192 {strides = array<i32>} : memref<1024xi32, #tpu.memory_space<vmem>>, vector<16xi32>,
            %add3A_2195 = arith.constant 1 : i32
            %add3A_2196 = vector.broadcast %add3A_2195 : i32 to vector<16xi32>
            %add3A_2197 = arith.addi %and3A_2192, %add3A_2196 : vector<16xi32>
            %swap3A_2198 = arith.constant 480 : index
            %swap3A_2199 = tpu.vector_load %arg10[%swap3A_2198] {strides = array<i32>} : memref<1024xi32, #tpu.memory_space<vmem>>, vector<16xi32>,
            tpu.vector_store %arg10[%swap3A_2198], %add3A_2197 {strides = array<i32>} : memref<1024xi32, #tpu.memory_space<vmem>>, vector<16xi32>,
            %xor3A_2200 = arith.xori %add3A_2099, %add3A_2109 : vector<16xi32>
            %xor3A_2201 = arith.xori %xor3A_2200, %add3A_2115 : vector<16xi32>
            %and3A_2202 = arith.constant 1048574 : i32
            %and3A_2203 = vector.broadcast %and3A_2202 : i32 to vector<16xi32>
            %and3A_2204 = arith.andi %xor3A_2201, %and3A_2203 : vector<16xi32>
            %swap3A_2205 = arith.constant 368 : index
            %swap3A_2206 = tpu.vector_load %arg10[%swap3A_2205] {strides = array<i32>} : memref<1024xi32, #tpu.memory_space<vmem>>, vector<16xi32>,
            tpu.vector_store %arg10[%swap3A_2205], %and3A_2204 {strides = array<i32>} : memref<1024xi32, #tpu.memory_space<vmem>>, vector<16xi32>,
            %add3A_2207 = arith.constant 1 : i32
            %add3A_2208 = vector.broadcast %add3A_2207 : i32 to vector<16xi32>
            %add3A_2209 = arith.addi %and3A_2204, %add3A_2208 : vector<16xi32>
            %swap3A_2210 = arith.constant 496 : index
            %swap3A_2211 = tpu.vector_load %arg10[%swap3A_2210] {strides = array<i32>} : memref<1024xi32, #tpu.memory_space<vmem>>, vector<16xi32>,
            tpu.vector_store %arg10[%swap3A_2210], %add3A_2209 {strides = array<i32>} : memref<1024xi32, #tpu.memory_space<vmem>>, vector<16xi32>,
            %add3A_2212 = arith.constant 32 : i32
            %add3A_2213 = arith.addi %add3A_1951, %add3A_2212 : i32
            %get3A_2214 = arith.index_cast %add3A_2213 : i32 to index
            %get3A_2215 = tpu.vector_load %arg6[%get3A_2214] {strides = array<i32>} : memref<24576xf32, #tpu.memory_space<vmem>>, vector<16xf32>,
            %add3A_2216 = arith.constant 8192 : i32
            %add3A_2217 = arith.addi %add3A_2216, %add3A_2213 : i32
            %get3A_2218 = arith.index_cast %add3A_2217 : i32 to index
            %get3A_2219 = tpu.vector_load %arg6[%get3A_2218] {strides = array<i32>} : memref<24576xf32, #tpu.memory_space<vmem>>, vector<16xf32>,
            %add3A_2220 = arith.constant 16384 : i32
            %add3A_2221 = arith.addi %add3A_2220, %add3A_2213 : i32
            %get3A_2222 = arith.index_cast %add3A_2221 : i32 to index
            %get3A_2223 = tpu.vector_load %arg6[%get3A_2222] {strides = array<i32>} : memref<24576xf32, #tpu.memory_space<vmem>>, vector<16xf32>,
            %mul3A_2224 = arith.mulf %get3A_2215, %get3A_16 : vector<16xf32>
            %convert_element_type3A_2225 = arith.fptosi %mul3A_2224 : vector<16xf32> to vector<16xi32>
            %add3A_2226 = arith.addi %convert_element_type3A_2225, %convert_element_type3A_2225 : vector<16xi32>
            %add3A_2227 = arith.constant 2 : i32
            %add3A_2228 = vector.broadcast %add3A_2227 : i32 to vector<16xi32>
            %add3A_2229 = arith.addi %add3A_2226, %add3A_2228 : vector<16xi32>
            %mul3A_2230 = arith.mulf %get3A_2219, %get3A_16 : vector<16xf32>
            %convert_element_type3A_2231 = arith.fptosi %mul3A_2230 : vector<16xf32> to vector<16xi32>
            %mul3A_2232 = arith.mulf %get3A_2223, %get3A_16 : vector<16xf32>
            %convert_element_type3A_2233 = arith.fptosi %mul3A_2232 : vector<16xf32> to vector<16xi32>
            %mul3A_2234 = arith.constant 1013904226 : i32
            %mul3A_2235 = vector.broadcast %mul3A_2234 : i32 to vector<16xi32>
            %mul3A_2236 = arith.muli %convert_element_type3A_2231, %mul3A_2235 : vector<16xi32>
            %add3A_2237 = arith.constant 1013904226 : i32
            %add3A_2238 = vector.broadcast %add3A_2237 : i32 to vector<16xi32>
            %add3A_2239 = arith.addi %mul3A_2236, %add3A_2238 : vector<16xi32>
            %mul3A_2240 = arith.constant 1610919722 : i32
            %mul3A_2241 = vector.broadcast %mul3A_2240 : i32 to vector<16xi32>
            %mul3A_2242 = arith.muli %convert_element_type3A_2233, %mul3A_2241 : vector<16xi32>
            %add3A_2243 = arith.constant 1610919722 : i32
            %add3A_2244 = vector.broadcast %add3A_2243 : i32 to vector<16xi32>
            %add3A_2245 = arith.addi %mul3A_2242, %add3A_2244 : vector<16xi32>
            %xor3A_2246 = arith.xori %add3A_2226, %mul3A_2236 : vector<16xi32>
            %xor3A_2247 = arith.xori %xor3A_2246, %mul3A_2242 : vector<16xi32>
            %and3A_2248 = arith.constant 1048574 : i32
            %and3A_2249 = vector.broadcast %and3A_2248 : i32 to vector<16xi32>
            %and3A_2250 = arith.andi %xor3A_2247, %and3A_2249 : vector<16xi32>
            %swap3A_2251 = arith.constant 512 : index
            %swap3A_2252 = tpu.vector_load %arg10[%swap3A_2251] {strides = array<i32>} : memref<1024xi32, #tpu.memory_space<vmem>>, vector<16xi32>,
            tpu.vector_store %arg10[%swap3A_2251], %and3A_2250 {strides = array<i32>} : memref<1024xi32, #tpu.memory_space<vmem>>, vector<16xi32>,
            %add3A_2253 = arith.constant 1 : i32
            %add3A_2254 = vector.broadcast %add3A_2253 : i32 to vector<16xi32>
            %add3A_2255 = arith.addi %and3A_2250, %add3A_2254 : vector<16xi32>
            %swap3A_2256 = arith.constant 640 : index
            %swap3A_2257 = tpu.vector_load %arg10[%swap3A_2256] {strides = array<i32>} : memref<1024xi32, #tpu.memory_space<vmem>>, vector<16xi32>,
            tpu.vector_store %arg10[%swap3A_2256], %add3A_2255 {strides = array<i32>} : memref<1024xi32, #tpu.memory_space<vmem>>, vector<16xi32>,
            %xor3A_2258 = arith.xori %add3A_2226, %mul3A_2236 : vector<16xi32>
            %xor3A_2259 = arith.xori %xor3A_2258, %add3A_2245 : vector<16xi32>
            %and3A_2260 = arith.constant 1048574 : i32
            %and3A_2261 = vector.broadcast %and3A_2260 : i32 to vector<16xi32>
            %and3A_2262 = arith.andi %xor3A_2259, %and3A_2261 : vector<16xi32>
            %swap3A_2263 = arith.constant 528 : index
            %swap3A_2264 = tpu.vector_load %arg10[%swap3A_2263] {strides = array<i32>} : memref<1024xi32, #tpu.memory_space<vmem>>, vector<16xi32>,
            tpu.vector_store %arg10[%swap3A_2263], %and3A_2262 {strides = array<i32>} : memref<1024xi32, #tpu.memory_space<vmem>>, vector<16xi32>,
            %add3A_2265 = arith.constant 1 : i32
            %add3A_2266 = vector.broadcast %add3A_2265 : i32 to vector<16xi32>
            %add3A_2267 = arith.addi %and3A_2262, %add3A_2266 : vector<16xi32>
            %swap3A_2268 = arith.constant 656 : index
            %swap3A_2269 = tpu.vector_load %arg10[%swap3A_2268] {strides = array<i32>} : memref<1024xi32, #tpu.memory_space<vmem>>, vector<16xi32>,
            tpu.vector_store %arg10[%swap3A_2268], %add3A_2267 {strides = array<i32>} : memref<1024xi32, #tpu.memory_space<vmem>>, vector<16xi32>,
            %xor3A_2270 = arith.xori %add3A_2226, %add3A_2239 : vector<16xi32>
            %xor3A_2271 = arith.xori %xor3A_2270, %mul3A_2242 : vector<16xi32>
            %and3A_2272 = arith.constant 1048574 : i32
            %and3A_2273 = vector.broadcast %and3A_2272 : i32 to vector<16xi32>
            %and3A_2274 = arith.andi %xor3A_2271, %and3A_2273 : vector<16xi32>
            %swap3A_2275 = arith.constant 544 : index
            %swap3A_2276 = tpu.vector_load %arg10[%swap3A_2275] {strides = array<i32>} : memref<1024xi32, #tpu.memory_space<vmem>>, vector<16xi32>,
            tpu.vector_store %arg10[%swap3A_2275], %and3A_2274 {strides = array<i32>} : memref<1024xi32, #tpu.memory_space<vmem>>, vector<16xi32>,
            %add3A_2277 = arith.constant 1 : i32
            %add3A_2278 = vector.broadcast %add3A_2277 : i32 to vector<16xi32>
            %add3A_2279 = arith.addi %and3A_2274, %add3A_2278 : vector<16xi32>
            %swap3A_2280 = arith.constant 672 : index
            %swap3A_2281 = tpu.vector_load %arg10[%swap3A_2280] {strides = array<i32>} : memref<1024xi32, #tpu.memory_space<vmem>>, vector<16xi32>,
            tpu.vector_store %arg10[%swap3A_2280], %add3A_2279 {strides = array<i32>} : memref<1024xi32, #tpu.memory_space<vmem>>, vector<16xi32>,
            %xor3A_2282 = arith.xori %add3A_2226, %add3A_2239 : vector<16xi32>
            %xor3A_2283 = arith.xori %xor3A_2282, %add3A_2245 : vector<16xi32>
            %and3A_2284 = arith.constant 1048574 : i32
            %and3A_2285 = vector.broadcast %and3A_2284 : i32 to vector<16xi32>
            %and3A_2286 = arith.andi %xor3A_2283, %and3A_2285 : vector<16xi32>
            %swap3A_2287 = arith.constant 560 : index
            %swap3A_2288 = tpu.vector_load %arg10[%swap3A_2287] {strides = array<i32>} : memref<1024xi32, #tpu.memory_space<vmem>>, vector<16xi32>,
            tpu.vector_store %arg10[%swap3A_2287], %and3A_2286 {strides = array<i32>} : memref<1024xi32, #tpu.memory_space<vmem>>, vector<16xi32>,
            %add3A_2289 = arith.constant 1 : i32
            %add3A_2290 = vector.broadcast %add3A_2289 : i32 to vector<16xi32>
            %add3A_2291 = arith.addi %and3A_2286, %add3A_2290 : vector<16xi32>
            %swap3A_2292 = arith.constant 688 : index
            %swap3A_2293 = tpu.vector_load %arg10[%swap3A_2292] {strides = array<i32>} : memref<1024xi32, #tpu.memory_space<vmem>>, vector<16xi32>,
            tpu.vector_store %arg10[%swap3A_2292], %add3A_2291 {strides = array<i32>} : memref<1024xi32, #tpu.memory_space<vmem>>, vector<16xi32>,
            %xor3A_2294 = arith.xori %add3A_2229, %mul3A_2236 : vector<16xi32>
            %xor3A_2295 = arith.xori %xor3A_2294, %mul3A_2242 : vector<16xi32>
            %and3A_2296 = arith.constant 1048574 : i32
            %and3A_2297 = vector.broadcast %and3A_2296 : i32 to vector<16xi32>
            %and3A_2298 = arith.andi %xor3A_2295, %and3A_2297 : vector<16xi32>
            %swap3A_2299 = arith.constant 576 : index
            %swap3A_2300 = tpu.vector_load %arg10[%swap3A_2299] {strides = array<i32>} : memref<1024xi32, #tpu.memory_space<vmem>>, vector<16xi32>,
            tpu.vector_store %arg10[%swap3A_2299], %and3A_2298 {strides = array<i32>} : memref<1024xi32, #tpu.memory_space<vmem>>, vector<16xi32>,
            %add3A_2301 = arith.constant 1 : i32
            %add3A_2302 = vector.broadcast %add3A_2301 : i32 to vector<16xi32>
            %add3A_2303 = arith.addi %and3A_2298, %add3A_2302 : vector<16xi32>
            %swap3A_2304 = arith.constant 704 : index
            %swap3A_2305 = tpu.vector_load %arg10[%swap3A_2304] {strides = array<i32>} : memref<1024xi32, #tpu.memory_space<vmem>>, vector<16xi32>,
            tpu.vector_store %arg10[%swap3A_2304], %add3A_2303 {strides = array<i32>} : memref<1024xi32, #tpu.memory_space<vmem>>, vector<16xi32>,
            %xor3A_2306 = arith.xori %add3A_2229, %mul3A_2236 : vector<16xi32>
            %xor3A_2307 = arith.xori %xor3A_2306, %add3A_2245 : vector<16xi32>
            %and3A_2308 = arith.constant 1048574 : i32
            %and3A_2309 = vector.broadcast %and3A_2308 : i32 to vector<16xi32>
            %and3A_2310 = arith.andi %xor3A_2307, %and3A_2309 : vector<16xi32>
            %swap3A_2311 = arith.constant 592 : index
            %swap3A_2312 = tpu.vector_load %arg10[%swap3A_2311] {strides = array<i32>} : memref<1024xi32, #tpu.memory_space<vmem>>, vector<16xi32>,
            tpu.vector_store %arg10[%swap3A_2311], %and3A_2310 {strides = array<i32>} : memref<1024xi32, #tpu.memory_space<vmem>>, vector<16xi32>,
            %add3A_2313 = arith.constant 1 : i32
            %add3A_2314 = vector.broadcast %add3A_2313 : i32 to vector<16xi32>
            %add3A_2315 = arith.addi %and3A_2310, %add3A_2314 : vector<16xi32>
            %swap3A_2316 = arith.constant 720 : index
            %swap3A_2317 = tpu.vector_load %arg10[%swap3A_2316] {strides = array<i32>} : memref<1024xi32, #tpu.memory_space<vmem>>, vector<16xi32>,
            tpu.vector_store %arg10[%swap3A_2316], %add3A_2315 {strides = array<i32>} : memref<1024xi32, #tpu.memory_space<vmem>>, vector<16xi32>,
            %xor3A_2318 = arith.xori %add3A_2229, %add3A_2239 : vector<16xi32>
            %xor3A_2319 = arith.xori %xor3A_2318, %mul3A_2242 : vector<16xi32>
            %and3A_2320 = arith.constant 1048574 : i32
            %and3A_2321 = vector.broadcast %and3A_2320 : i32 to vector<16xi32>
            %and3A_2322 = arith.andi %xor3A_2319, %and3A_2321 : vector<16xi32>
            %swap3A_2323 = arith.constant 608 : index
            %swap3A_2324 = tpu.vector_load %arg10[%swap3A_2323] {strides = array<i32>} : memref<1024xi32, #tpu.memory_space<vmem>>, vector<16xi32>,
            tpu.vector_store %arg10[%swap3A_2323], %and3A_2322 {strides = array<i32>} : memref<1024xi32, #tpu.memory_space<vmem>>, vector<16xi32>,
            %add3A_2325 = arith.constant 1 : i32
            %add3A_2326 = vector.broadcast %add3A_2325 : i32 to vector<16xi32>
            %add3A_2327 = arith.addi %and3A_2322, %add3A_2326 : vector<16xi32>
            %swap3A_2328 = arith.constant 736 : index
            %swap3A_2329 = tpu.vector_load %arg10[%swap3A_2328] {strides = array<i32>} : memref<1024xi32, #tpu.memory_space<vmem>>, vector<16xi32>,
            tpu.vector_store %arg10[%swap3A_2328], %add3A_2327 {strides = array<i32>} : memref<1024xi32, #tpu.memory_space<vmem>>, vector<16xi32>,
            %xor3A_2330 = arith.xori %add3A_2229, %add3A_2239 : vector<16xi32>
            %xor3A_2331 = arith.xori %xor3A_2330, %add3A_2245 : vector<16xi32>
            %and3A_2332 = arith.constant 1048574 : i32
            %and3A_2333 = vector.broadcast %and3A_2332 : i32 to vector<16xi32>
            %and3A_2334 = arith.andi %xor3A_2331, %and3A_2333 : vector<16xi32>
            %swap3A_2335 = arith.constant 624 : index
            %swap3A_2336 = tpu.vector_load %arg10[%swap3A_2335] {strides = array<i32>} : memref<1024xi32, #tpu.memory_space<vmem>>, vector<16xi32>,
            tpu.vector_store %arg10[%swap3A_2335], %and3A_2334 {strides = array<i32>} : memref<1024xi32, #tpu.memory_space<vmem>>, vector<16xi32>,
            %add3A_2337 = arith.constant 1 : i32
            %add3A_2338 = vector.broadcast %add3A_2337 : i32 to vector<16xi32>
            %add3A_2339 = arith.addi %and3A_2334, %add3A_2338 : vector<16xi32>
            %swap3A_2340 = arith.constant 752 : index
            %swap3A_2341 = tpu.vector_load %arg10[%swap3A_2340] {strides = array<i32>} : memref<1024xi32, #tpu.memory_space<vmem>>, vector<16xi32>,
            tpu.vector_store %arg10[%swap3A_2340], %add3A_2339 {strides = array<i32>} : memref<1024xi32, #tpu.memory_space<vmem>>, vector<16xi32>,
            %add3A_2342 = arith.constant 48 : i32
            %add3A_2343 = arith.addi %add3A_1951, %add3A_2342 : i32
            %get3A_2344 = arith.index_cast %add3A_2343 : i32 to index
            %get3A_2345 = tpu.vector_load %arg6[%get3A_2344] {strides = array<i32>} : memref<24576xf32, #tpu.memory_space<vmem>>, vector<16xf32>,
            %add3A_2346 = arith.constant 8192 : i32
            %add3A_2347 = arith.addi %add3A_2346, %add3A_2343 : i32
            %get3A_2348 = arith.index_cast %add3A_2347 : i32 to index
            %get3A_2349 = tpu.vector_load %arg6[%get3A_2348] {strides = array<i32>} : memref<24576xf32, #tpu.memory_space<vmem>>, vector<16xf32>,
            %add3A_2350 = arith.constant 16384 : i32
            %add3A_2351 = arith.addi %add3A_2350, %add3A_2343 : i32
            %get3A_2352 = arith.index_cast %add3A_2351 : i32 to index
            %get3A_2353 = tpu.vector_load %arg6[%get3A_2352] {strides = array<i32>} : memref<24576xf32, #tpu.memory_space<vmem>>, vector<16xf32>,
            %mul3A_2354 = arith.mulf %get3A_2345, %get3A_16 : vector<16xf32>
            %convert_element_type3A_2355 = arith.fptosi %mul3A_2354 : vector<16xf32> to vector<16xi32>
            %add3A_2356 = arith.addi %convert_element_type3A_2355, %convert_element_type3A_2355 : vector<16xi32>
            %add3A_2357 = arith.constant 2 : i32
            %add3A_2358 = vector.broadcast %add3A_2357 : i32 to vector<16xi32>
            %add3A_2359 = arith.addi %add3A_2356, %add3A_2358 : vector<16xi32>
            %mul3A_2360 = arith.mulf %get3A_2349, %get3A_16 : vector<16xf32>
            %convert_element_type3A_2361 = arith.fptosi %mul3A_2360 : vector<16xf32> to vector<16xi32>
            %mul3A_2362 = arith.mulf %get3A_2353, %get3A_16 : vector<16xf32>
            %convert_element_type3A_2363 = arith.fptosi %mul3A_2362 : vector<16xf32> to vector<16xi32>
            %mul3A_2364 = arith.constant 1013904226 : i32
            %mul3A_2365 = vector.broadcast %mul3A_2364 : i32 to vector<16xi32>
            %mul3A_2366 = arith.muli %convert_element_type3A_2361, %mul3A_2365 : vector<16xi32>
            %add3A_2367 = arith.constant 1013904226 : i32
            %add3A_2368 = vector.broadcast %add3A_2367 : i32 to vector<16xi32>
            %add3A_2369 = arith.addi %mul3A_2366, %add3A_2368 : vector<16xi32>
            %mul3A_2370 = arith.constant 1610919722 : i32
            %mul3A_2371 = vector.broadcast %mul3A_2370 : i32 to vector<16xi32>
            %mul3A_2372 = arith.muli %convert_element_type3A_2363, %mul3A_2371 : vector<16xi32>
            %add3A_2373 = arith.constant 1610919722 : i32
            %add3A_2374 = vector.broadcast %add3A_2373 : i32 to vector<16xi32>
            %add3A_2375 = arith.addi %mul3A_2372, %add3A_2374 : vector<16xi32>
            %xor3A_2376 = arith.xori %add3A_2356, %mul3A_2366 : vector<16xi32>
            %xor3A_2377 = arith.xori %xor3A_2376, %mul3A_2372 : vector<16xi32>
            %and3A_2378 = arith.constant 1048574 : i32
            %and3A_2379 = vector.broadcast %and3A_2378 : i32 to vector<16xi32>
            %and3A_2380 = arith.andi %xor3A_2377, %and3A_2379 : vector<16xi32>
            %swap3A_2381 = arith.constant 768 : index
            %swap3A_2382 = tpu.vector_load %arg10[%swap3A_2381] {strides = array<i32>} : memref<1024xi32, #tpu.memory_space<vmem>>, vector<16xi32>,
            tpu.vector_store %arg10[%swap3A_2381], %and3A_2380 {strides = array<i32>} : memref<1024xi32, #tpu.memory_space<vmem>>, vector<16xi32>,
            %add3A_2383 = arith.constant 1 : i32
            %add3A_2384 = vector.broadcast %add3A_2383 : i32 to vector<16xi32>
            %add3A_2385 = arith.addi %and3A_2380, %add3A_2384 : vector<16xi32>
            %swap3A_2386 = arith.constant 896 : index
            %swap3A_2387 = tpu.vector_load %arg10[%swap3A_2386] {strides = array<i32>} : memref<1024xi32, #tpu.memory_space<vmem>>, vector<16xi32>,
            tpu.vector_store %arg10[%swap3A_2386], %add3A_2385 {strides = array<i32>} : memref<1024xi32, #tpu.memory_space<vmem>>, vector<16xi32>,
            %xor3A_2388 = arith.xori %add3A_2356, %mul3A_2366 : vector<16xi32>
            %xor3A_2389 = arith.xori %xor3A_2388, %add3A_2375 : vector<16xi32>
            %and3A_2390 = arith.constant 1048574 : i32
            %and3A_2391 = vector.broadcast %and3A_2390 : i32 to vector<16xi32>
            %and3A_2392 = arith.andi %xor3A_2389, %and3A_2391 : vector<16xi32>
            %swap3A_2393 = arith.constant 784 : index
            %swap3A_2394 = tpu.vector_load %arg10[%swap3A_2393] {strides = array<i32>} : memref<1024xi32, #tpu.memory_space<vmem>>, vector<16xi32>,
            tpu.vector_store %arg10[%swap3A_2393], %and3A_2392 {strides = array<i32>} : memref<1024xi32, #tpu.memory_space<vmem>>, vector<16xi32>,
            %add3A_2395 = arith.constant 1 : i32
            %add3A_2396 = vector.broadcast %add3A_2395 : i32 to vector<16xi32>
            %add3A_2397 = arith.addi %and3A_2392, %add3A_2396 : vector<16xi32>
            %swap3A_2398 = arith.constant 912 : index
            %swap3A_2399 = tpu.vector_load %arg10[%swap3A_2398] {strides = array<i32>} : memref<1024xi32, #tpu.memory_space<vmem>>, vector<16xi32>,
            tpu.vector_store %arg10[%swap3A_2398], %add3A_2397 {strides = array<i32>} : memref<1024xi32, #tpu.memory_space<vmem>>, vector<16xi32>,
            %xor3A_2400 = arith.xori %add3A_2356, %add3A_2369 : vector<16xi32>
            %xor3A_2401 = arith.xori %xor3A_2400, %mul3A_2372 : vector<16xi32>
            %and3A_2402 = arith.constant 1048574 : i32
            %and3A_2403 = vector.broadcast %and3A_2402 : i32 to vector<16xi32>
            %and3A_2404 = arith.andi %xor3A_2401, %and3A_2403 : vector<16xi32>
            %swap3A_2405 = arith.constant 800 : index
            %swap3A_2406 = tpu.vector_load %arg10[%swap3A_2405] {strides = array<i32>} : memref<1024xi32, #tpu.memory_space<vmem>>, vector<16xi32>,
            tpu.vector_store %arg10[%swap3A_2405], %and3A_2404 {strides = array<i32>} : memref<1024xi32, #tpu.memory_space<vmem>>, vector<16xi32>,
            %add3A_2407 = arith.constant 1 : i32
            %add3A_2408 = vector.broadcast %add3A_2407 : i32 to vector<16xi32>
            %add3A_2409 = arith.addi %and3A_2404, %add3A_2408 : vector<16xi32>
            %swap3A_2410 = arith.constant 928 : index
            %swap3A_2411 = tpu.vector_load %arg10[%swap3A_2410] {strides = array<i32>} : memref<1024xi32, #tpu.memory_space<vmem>>, vector<16xi32>,
            tpu.vector_store %arg10[%swap3A_2410], %add3A_2409 {strides = array<i32>} : memref<1024xi32, #tpu.memory_space<vmem>>, vector<16xi32>,
            %xor3A_2412 = arith.xori %add3A_2356, %add3A_2369 : vector<16xi32>
            %xor3A_2413 = arith.xori %xor3A_2412, %add3A_2375 : vector<16xi32>
            %and3A_2414 = arith.constant 1048574 : i32
            %and3A_2415 = vector.broadcast %and3A_2414 : i32 to vector<16xi32>
            %and3A_2416 = arith.andi %xor3A_2413, %and3A_2415 : vector<16xi32>
            %swap3A_2417 = arith.constant 816 : index
            %swap3A_2418 = tpu.vector_load %arg10[%swap3A_2417] {strides = array<i32>} : memref<1024xi32, #tpu.memory_space<vmem>>, vector<16xi32>,
            tpu.vector_store %arg10[%swap3A_2417], %and3A_2416 {strides = array<i32>} : memref<1024xi32, #tpu.memory_space<vmem>>, vector<16xi32>,
            %add3A_2419 = arith.constant 1 : i32
            %add3A_2420 = vector.broadcast %add3A_2419 : i32 to vector<16xi32>
            %add3A_2421 = arith.addi %and3A_2416, %add3A_2420 : vector<16xi32>
            %swap3A_2422 = arith.constant 944 : index
            %swap3A_2423 = tpu.vector_load %arg10[%swap3A_2422] {strides = array<i32>} : memref<1024xi32, #tpu.memory_space<vmem>>, vector<16xi32>,
            tpu.vector_store %arg10[%swap3A_2422], %add3A_2421 {strides = array<i32>} : memref<1024xi32, #tpu.memory_space<vmem>>, vector<16xi32>,
            %xor3A_2424 = arith.xori %add3A_2359, %mul3A_2366 : vector<16xi32>
            %xor3A_2425 = arith.xori %xor3A_2424, %mul3A_2372 : vector<16xi32>
            %and3A_2426 = arith.constant 1048574 : i32
            %and3A_2427 = vector.broadcast %and3A_2426 : i32 to vector<16xi32>
            %and3A_2428 = arith.andi %xor3A_2425, %and3A_2427 : vector<16xi32>
            %swap3A_2429 = arith.constant 832 : index
            %swap3A_2430 = tpu.vector_load %arg10[%swap3A_2429] {strides = array<i32>} : memref<1024xi32, #tpu.memory_space<vmem>>, vector<16xi32>,
            tpu.vector_store %arg10[%swap3A_2429], %and3A_2428 {strides = array<i32>} : memref<1024xi32, #tpu.memory_space<vmem>>, vector<16xi32>,
            %add3A_2431 = arith.constant 1 : i32
            %add3A_2432 = vector.broadcast %add3A_2431 : i32 to vector<16xi32>
            %add3A_2433 = arith.addi %and3A_2428, %add3A_2432 : vector<16xi32>
            %swap3A_2434 = arith.constant 960 : index
            %swap3A_2435 = tpu.vector_load %arg10[%swap3A_2434] {strides = array<i32>} : memref<1024xi32, #tpu.memory_space<vmem>>, vector<16xi32>,
            tpu.vector_store %arg10[%swap3A_2434], %add3A_2433 {strides = array<i32>} : memref<1024xi32, #tpu.memory_space<vmem>>, vector<16xi32>,
            %xor3A_2436 = arith.xori %add3A_2359, %mul3A_2366 : vector<16xi32>
            %xor3A_2437 = arith.xori %xor3A_2436, %add3A_2375 : vector<16xi32>
            %and3A_2438 = arith.constant 1048574 : i32
            %and3A_2439 = vector.broadcast %and3A_2438 : i32 to vector<16xi32>
            %and3A_2440 = arith.andi %xor3A_2437, %and3A_2439 : vector<16xi32>
            %swap3A_2441 = arith.constant 848 : index
            %swap3A_2442 = tpu.vector_load %arg10[%swap3A_2441] {strides = array<i32>} : memref<1024xi32, #tpu.memory_space<vmem>>, vector<16xi32>,
            tpu.vector_store %arg10[%swap3A_2441], %and3A_2440 {strides = array<i32>} : memref<1024xi32, #tpu.memory_space<vmem>>, vector<16xi32>,
            %add3A_2443 = arith.constant 1 : i32
            %add3A_2444 = vector.broadcast %add3A_2443 : i32 to vector<16xi32>
            %add3A_2445 = arith.addi %and3A_2440, %add3A_2444 : vector<16xi32>
            %swap3A_2446 = arith.constant 976 : index
            %swap3A_2447 = tpu.vector_load %arg10[%swap3A_2446] {strides = array<i32>} : memref<1024xi32, #tpu.memory_space<vmem>>, vector<16xi32>,
            tpu.vector_store %arg10[%swap3A_2446], %add3A_2445 {strides = array<i32>} : memref<1024xi32, #tpu.memory_space<vmem>>, vector<16xi32>,
            %xor3A_2448 = arith.xori %add3A_2359, %add3A_2369 : vector<16xi32>
            %xor3A_2449 = arith.xori %xor3A_2448, %mul3A_2372 : vector<16xi32>
            %and3A_2450 = arith.constant 1048574 : i32
            %and3A_2451 = vector.broadcast %and3A_2450 : i32 to vector<16xi32>
            %and3A_2452 = arith.andi %xor3A_2449, %and3A_2451 : vector<16xi32>
            %swap3A_2453 = arith.constant 864 : index
            %swap3A_2454 = tpu.vector_load %arg10[%swap3A_2453] {strides = array<i32>} : memref<1024xi32, #tpu.memory_space<vmem>>, vector<16xi32>,
            tpu.vector_store %arg10[%swap3A_2453], %and3A_2452 {strides = array<i32>} : memref<1024xi32, #tpu.memory_space<vmem>>, vector<16xi32>,
            %add3A_2455 = arith.constant 1 : i32
            %add3A_2456 = vector.broadcast %add3A_2455 : i32 to vector<16xi32>
            %add3A_2457 = arith.addi %and3A_2452, %add3A_2456 : vector<16xi32>
            %swap3A_2458 = arith.constant 992 : index
            %swap3A_2459 = tpu.vector_load %arg10[%swap3A_2458] {strides = array<i32>} : memref<1024xi32, #tpu.memory_space<vmem>>, vector<16xi32>,
            tpu.vector_store %arg10[%swap3A_2458], %add3A_2457 {strides = array<i32>} : memref<1024xi32, #tpu.memory_space<vmem>>, vector<16xi32>,
            %xor3A_2460 = arith.xori %add3A_2359, %add3A_2369 : vector<16xi32>
            %xor3A_2461 = arith.xori %xor3A_2460, %add3A_2375 : vector<16xi32>
            %and3A_2462 = arith.constant 1048574 : i32
            %and3A_2463 = vector.broadcast %and3A_2462 : i32 to vector<16xi32>
            %and3A_2464 = arith.andi %xor3A_2461, %and3A_2463 : vector<16xi32>
            %swap3A_2465 = arith.constant 880 : index
            %swap3A_2466 = tpu.vector_load %arg10[%swap3A_2465] {strides = array<i32>} : memref<1024xi32, #tpu.memory_space<vmem>>, vector<16xi32>,
            tpu.vector_store %arg10[%swap3A_2465], %and3A_2464 {strides = array<i32>} : memref<1024xi32, #tpu.memory_space<vmem>>, vector<16xi32>,
            %add3A_2467 = arith.constant 1 : i32
            %add3A_2468 = vector.broadcast %add3A_2467 : i32 to vector<16xi32>
            %add3A_2469 = arith.addi %and3A_2464, %add3A_2468 : vector<16xi32>
            %swap3A_2470 = arith.constant 1008 : index
            %swap3A_2471 = tpu.vector_load %arg10[%swap3A_2470] {strides = array<i32>} : memref<1024xi32, #tpu.memory_space<vmem>>, vector<16xi32>,
            tpu.vector_store %arg10[%swap3A_2470], %add3A_2469 {strides = array<i32>} : memref<1024xi32, #tpu.memory_space<vmem>>, vector<16xi32>,
            %dma_start3A_2472 = arith.constant 0 : i32
            %dma_start3A_2473 = tpu.memref_slice %arg14[%dma_start3A_2472] : memref<1048576xf32, #tpu.memory_space<vmem_shared>> -> memref<1048576xf32, #tpu.memory_space<vmem_shared>>
            tpu.enqueue_indirect_dma source(%dma_start3A_2473 : memref<1048576xf32, #tpu.memory_space<vmem_shared>>) target(%arg12 : memref<1024xf32, #tpu.memory_space<vmem>>) offsets(%arg10 : memref<1024xi32, #tpu.memory_space<vmem>>) semaphore(%arg15 : memref<!tpu.dma_semaphore, #tpu.memory_space<semaphore_mem>>)
          } else {
          }
          %dma_wait3A_1522 = arith.constant 0 : i32
          %dma_wait3A_1523 = tpu.memref_slice %arg14[%dma_wait3A_1522] : memref<1048576xf32, #tpu.memory_space<vmem_shared>> -> memref<1048576xf32, #tpu.memory_space<vmem_shared>>
          tpu.wait_indirect_dma semaphore(%arg16 : memref<!tpu.dma_semaphore, #tpu.memory_space<semaphore_mem>>) src(%dma_wait3A_1523 : memref<1048576xf32, #tpu.memory_space<vmem_shared>>) dst(%arg13 : memref<1024xf32, #tpu.memory_space<vmem>>)
          %add3A_1524 = arith.addi %mul3A_32, %add3A_570 : i32
          %add3A_1525 = arith.constant 0 : i32
          %add3A_1526 = arith.addi %add3A_1524, %add3A_1525 : i32
          %get3A_1527 = arith.index_cast %add3A_1526 : i32 to index
          %get3A_1528 = tpu.vector_load %arg6[%get3A_1527] {strides = array<i32>} : memref<24576xf32, #tpu.memory_space<vmem>>, vector<16xf32>,
          %add3A_1529 = arith.constant 8192 : i32
          %add3A_1530 = arith.addi %add3A_1529, %add3A_1526 : i32
          %get3A_1531 = arith.index_cast %add3A_1530 : i32 to index
          %get3A_1532 = tpu.vector_load %arg6[%get3A_1531] {strides = array<i32>} : memref<24576xf32, #tpu.memory_space<vmem>>, vector<16xf32>,
          %add3A_1533 = arith.constant 16384 : i32
          %add3A_1534 = arith.addi %add3A_1533, %add3A_1526 : i32
          %get3A_1535 = arith.index_cast %add3A_1534 : i32 to index
          %get3A_1536 = tpu.vector_load %arg6[%get3A_1535] {strides = array<i32>} : memref<24576xf32, #tpu.memory_space<vmem>>, vector<16xf32>,
          %mul3A_1537 = arith.mulf %get3A_1528, %get3A_16 : vector<16xf32>
          %mul3A_1538 = arith.mulf %get3A_1532, %get3A_16 : vector<16xf32>
          %mul3A_1539 = arith.mulf %get3A_1536, %get3A_16 : vector<16xf32>
          %convert_element_type3A_1540 = arith.fptosi %mul3A_1537 : vector<16xf32> to vector<16xi32>
          %convert_element_type3A_1541 = arith.sitofp %convert_element_type3A_1540 : vector<16xi32> to vector<16xf32>
          %sub3A_1542 = arith.subf %mul3A_1537, %convert_element_type3A_1541 : vector<16xf32>
          %convert_element_type3A_1543 = arith.fptosi %mul3A_1538 : vector<16xf32> to vector<16xi32>
          %convert_element_type3A_1544 = arith.sitofp %convert_element_type3A_1543 : vector<16xi32> to vector<16xf32>
          %sub3A_1545 = arith.subf %mul3A_1538, %convert_element_type3A_1544 : vector<16xf32>
          %convert_element_type3A_1546 = arith.fptosi %mul3A_1539 : vector<16xf32> to vector<16xi32>
          %convert_element_type3A_1547 = arith.sitofp %convert_element_type3A_1546 : vector<16xi32> to vector<16xf32>
          %sub3A_1548 = arith.subf %mul3A_1539, %convert_element_type3A_1547 : vector<16xf32>
          %get3A_1549 = arith.constant 0 : index
          %get3A_1550 = tpu.vector_load %arg13[%get3A_1549] {strides = array<i32>} : memref<1024xf32, #tpu.memory_space<vmem>>, vector<16xf32>,
          %get3A_1551 = arith.constant 16 : index
          %get3A_1552 = tpu.vector_load %arg13[%get3A_1551] {strides = array<i32>} : memref<1024xf32, #tpu.memory_space<vmem>>, vector<16xf32>,
          %get3A_1553 = arith.constant 32 : index
          %get3A_1554 = tpu.vector_load %arg13[%get3A_1553] {strides = array<i32>} : memref<1024xf32, #tpu.memory_space<vmem>>, vector<16xf32>,
          %get3A_1555 = arith.constant 48 : index
          %get3A_1556 = tpu.vector_load %arg13[%get3A_1555] {strides = array<i32>} : memref<1024xf32, #tpu.memory_space<vmem>>, vector<16xf32>,
          %get3A_1557 = arith.constant 64 : index
          %get3A_1558 = tpu.vector_load %arg13[%get3A_1557] {strides = array<i32>} : memref<1024xf32, #tpu.memory_space<vmem>>, vector<16xf32>,
          %get3A_1559 = arith.constant 80 : index
          %get3A_1560 = tpu.vector_load %arg13[%get3A_1559] {strides = array<i32>} : memref<1024xf32, #tpu.memory_space<vmem>>, vector<16xf32>,
          %get3A_1561 = arith.constant 96 : index
          %get3A_1562 = tpu.vector_load %arg13[%get3A_1561] {strides = array<i32>} : memref<1024xf32, #tpu.memory_space<vmem>>, vector<16xf32>,
          %get3A_1563 = arith.constant 112 : index
          %get3A_1564 = tpu.vector_load %arg13[%get3A_1563] {strides = array<i32>} : memref<1024xf32, #tpu.memory_space<vmem>>, vector<16xf32>,
          %sub3A_1565 = arith.subf %get3A_1558, %get3A_1550 : vector<16xf32>
          %mul3A_1566 = arith.mulf %sub3A_1565, %sub3A_1542 : vector<16xf32>
          %add3A_1567 = arith.addf %get3A_1550, %mul3A_1566 : vector<16xf32>
          %sub3A_1568 = arith.subf %get3A_1560, %get3A_1552 : vector<16xf32>
          %mul3A_1569 = arith.mulf %sub3A_1568, %sub3A_1542 : vector<16xf32>
          %add3A_1570 = arith.addf %get3A_1552, %mul3A_1569 : vector<16xf32>
          %sub3A_1571 = arith.subf %get3A_1562, %get3A_1554 : vector<16xf32>
          %mul3A_1572 = arith.mulf %sub3A_1571, %sub3A_1542 : vector<16xf32>
          %add3A_1573 = arith.addf %get3A_1554, %mul3A_1572 : vector<16xf32>
          %sub3A_1574 = arith.subf %get3A_1564, %get3A_1556 : vector<16xf32>
          %mul3A_1575 = arith.mulf %sub3A_1574, %sub3A_1542 : vector<16xf32>
          %add3A_1576 = arith.addf %get3A_1556, %mul3A_1575 : vector<16xf32>
          %sub3A_1577 = arith.subf %add3A_1573, %add3A_1567 : vector<16xf32>
          %mul3A_1578 = arith.mulf %sub3A_1577, %sub3A_1545 : vector<16xf32>
          %add3A_1579 = arith.addf %add3A_1567, %mul3A_1578 : vector<16xf32>
          %sub3A_1580 = arith.subf %add3A_1576, %add3A_1570 : vector<16xf32>
          %mul3A_1581 = arith.mulf %sub3A_1580, %sub3A_1545 : vector<16xf32>
          %add3A_1582 = arith.addf %add3A_1570, %mul3A_1581 : vector<16xf32>
          %sub3A_1583 = arith.subf %add3A_1582, %add3A_1579 : vector<16xf32>
          %mul3A_1584 = arith.mulf %sub3A_1583, %sub3A_1548 : vector<16xf32>
          %add3A_1585 = arith.addf %add3A_1579, %mul3A_1584 : vector<16xf32>
          %add3A_1586 = arith.constant 0 : i32
          %add3A_1587 = arith.addi %add3A_570, %add3A_1586 : i32
          %swap3A_1588 = arith.index_cast %add3A_1587 : i32 to index
          %swap3A_1589 = tpu.vector_load %arg8[%swap3A_1588] {strides = array<i32>} : memref<512xf32, #tpu.memory_space<vmem>>, vector<16xf32>,
          tpu.vector_store %arg8[%swap3A_1588], %add3A_1585 {strides = array<i32>} : memref<512xf32, #tpu.memory_space<vmem>>, vector<16xf32>,
          %get3A_1590 = arith.constant 128 : index
          %get3A_1591 = tpu.vector_load %arg13[%get3A_1590] {strides = array<i32>} : memref<1024xf32, #tpu.memory_space<vmem>>, vector<16xf32>,
          %get3A_1592 = arith.constant 144 : index
          %get3A_1593 = tpu.vector_load %arg13[%get3A_1592] {strides = array<i32>} : memref<1024xf32, #tpu.memory_space<vmem>>, vector<16xf32>,
          %get3A_1594 = arith.constant 160 : index
          %get3A_1595 = tpu.vector_load %arg13[%get3A_1594] {strides = array<i32>} : memref<1024xf32, #tpu.memory_space<vmem>>, vector<16xf32>,
          %get3A_1596 = arith.constant 176 : index
          %get3A_1597 = tpu.vector_load %arg13[%get3A_1596] {strides = array<i32>} : memref<1024xf32, #tpu.memory_space<vmem>>, vector<16xf32>,
          %get3A_1598 = arith.constant 192 : index
          %get3A_1599 = tpu.vector_load %arg13[%get3A_1598] {strides = array<i32>} : memref<1024xf32, #tpu.memory_space<vmem>>, vector<16xf32>,
          %get3A_1600 = arith.constant 208 : index
          %get3A_1601 = tpu.vector_load %arg13[%get3A_1600] {strides = array<i32>} : memref<1024xf32, #tpu.memory_space<vmem>>, vector<16xf32>,
          %get3A_1602 = arith.constant 224 : index
          %get3A_1603 = tpu.vector_load %arg13[%get3A_1602] {strides = array<i32>} : memref<1024xf32, #tpu.memory_space<vmem>>, vector<16xf32>,
          %get3A_1604 = arith.constant 240 : index
          %get3A_1605 = tpu.vector_load %arg13[%get3A_1604] {strides = array<i32>} : memref<1024xf32, #tpu.memory_space<vmem>>, vector<16xf32>,
          %sub3A_1606 = arith.subf %get3A_1599, %get3A_1591 : vector<16xf32>
          %mul3A_1607 = arith.mulf %sub3A_1606, %sub3A_1542 : vector<16xf32>
          %add3A_1608 = arith.addf %get3A_1591, %mul3A_1607 : vector<16xf32>
          %sub3A_1609 = arith.subf %get3A_1601, %get3A_1593 : vector<16xf32>
          %mul3A_1610 = arith.mulf %sub3A_1609, %sub3A_1542 : vector<16xf32>
          %add3A_1611 = arith.addf %get3A_1593, %mul3A_1610 : vector<16xf32>
          %sub3A_1612 = arith.subf %get3A_1603, %get3A_1595 : vector<16xf32>
          %mul3A_1613 = arith.mulf %sub3A_1612, %sub3A_1542 : vector<16xf32>
          %add3A_1614 = arith.addf %get3A_1595, %mul3A_1613 : vector<16xf32>
          %sub3A_1615 = arith.subf %get3A_1605, %get3A_1597 : vector<16xf32>
          %mul3A_1616 = arith.mulf %sub3A_1615, %sub3A_1542 : vector<16xf32>
          %add3A_1617 = arith.addf %get3A_1597, %mul3A_1616 : vector<16xf32>
          %sub3A_1618 = arith.subf %add3A_1614, %add3A_1608 : vector<16xf32>
          %mul3A_1619 = arith.mulf %sub3A_1618, %sub3A_1545 : vector<16xf32>
          %add3A_1620 = arith.addf %add3A_1608, %mul3A_1619 : vector<16xf32>
          %sub3A_1621 = arith.subf %add3A_1617, %add3A_1611 : vector<16xf32>
          %mul3A_1622 = arith.mulf %sub3A_1621, %sub3A_1545 : vector<16xf32>
          %add3A_1623 = arith.addf %add3A_1611, %mul3A_1622 : vector<16xf32>
          %sub3A_1624 = arith.subf %add3A_1623, %add3A_1620 : vector<16xf32>
          %mul3A_1625 = arith.mulf %sub3A_1624, %sub3A_1548 : vector<16xf32>
          %add3A_1626 = arith.addf %add3A_1620, %mul3A_1625 : vector<16xf32>
          %add3A_1627 = arith.constant 0 : i32
          %add3A_1628 = arith.addi %add3A_570, %add3A_1627 : i32
          %swap3A_1629 = arith.index_cast %add3A_1628 : i32 to index
          %swap3A_1630 = tpu.vector_load %arg9[%swap3A_1629] {strides = array<i32>} : memref<512xf32, #tpu.memory_space<vmem>>, vector<16xf32>,
          tpu.vector_store %arg9[%swap3A_1629], %add3A_1626 {strides = array<i32>} : memref<512xf32, #tpu.memory_space<vmem>>, vector<16xf32>,
          %add3A_1631 = arith.constant 16 : i32
          %add3A_1632 = arith.addi %add3A_1524, %add3A_1631 : i32
          %get3A_1633 = arith.index_cast %add3A_1632 : i32 to index
          %get3A_1634 = tpu.vector_load %arg6[%get3A_1633] {strides = array<i32>} : memref<24576xf32, #tpu.memory_space<vmem>>, vector<16xf32>,
          %add3A_1635 = arith.constant 8192 : i32
          %add3A_1636 = arith.addi %add3A_1635, %add3A_1632 : i32
          %get3A_1637 = arith.index_cast %add3A_1636 : i32 to index
          %get3A_1638 = tpu.vector_load %arg6[%get3A_1637] {strides = array<i32>} : memref<24576xf32, #tpu.memory_space<vmem>>, vector<16xf32>,
          %add3A_1639 = arith.constant 16384 : i32
          %add3A_1640 = arith.addi %add3A_1639, %add3A_1632 : i32
          %get3A_1641 = arith.index_cast %add3A_1640 : i32 to index
          %get3A_1642 = tpu.vector_load %arg6[%get3A_1641] {strides = array<i32>} : memref<24576xf32, #tpu.memory_space<vmem>>, vector<16xf32>,
          %mul3A_1643 = arith.mulf %get3A_1634, %get3A_16 : vector<16xf32>
          %mul3A_1644 = arith.mulf %get3A_1638, %get3A_16 : vector<16xf32>
          %mul3A_1645 = arith.mulf %get3A_1642, %get3A_16 : vector<16xf32>
          %convert_element_type3A_1646 = arith.fptosi %mul3A_1643 : vector<16xf32> to vector<16xi32>
          %convert_element_type3A_1647 = arith.sitofp %convert_element_type3A_1646 : vector<16xi32> to vector<16xf32>
          %sub3A_1648 = arith.subf %mul3A_1643, %convert_element_type3A_1647 : vector<16xf32>
          %convert_element_type3A_1649 = arith.fptosi %mul3A_1644 : vector<16xf32> to vector<16xi32>
          %convert_element_type3A_1650 = arith.sitofp %convert_element_type3A_1649 : vector<16xi32> to vector<16xf32>
          %sub3A_1651 = arith.subf %mul3A_1644, %convert_element_type3A_1650 : vector<16xf32>
          %convert_element_type3A_1652 = arith.fptosi %mul3A_1645 : vector<16xf32> to vector<16xi32>
          %convert_element_type3A_1653 = arith.sitofp %convert_element_type3A_1652 : vector<16xi32> to vector<16xf32>
          %sub3A_1654 = arith.subf %mul3A_1645, %convert_element_type3A_1653 : vector<16xf32>
          %get3A_1655 = arith.constant 256 : index
          %get3A_1656 = tpu.vector_load %arg13[%get3A_1655] {strides = array<i32>} : memref<1024xf32, #tpu.memory_space<vmem>>, vector<16xf32>,
          %get3A_1657 = arith.constant 272 : index
          %get3A_1658 = tpu.vector_load %arg13[%get3A_1657] {strides = array<i32>} : memref<1024xf32, #tpu.memory_space<vmem>>, vector<16xf32>,
          %get3A_1659 = arith.constant 288 : index
          %get3A_1660 = tpu.vector_load %arg13[%get3A_1659] {strides = array<i32>} : memref<1024xf32, #tpu.memory_space<vmem>>, vector<16xf32>,
          %get3A_1661 = arith.constant 304 : index
          %get3A_1662 = tpu.vector_load %arg13[%get3A_1661] {strides = array<i32>} : memref<1024xf32, #tpu.memory_space<vmem>>, vector<16xf32>,
          %get3A_1663 = arith.constant 320 : index
          %get3A_1664 = tpu.vector_load %arg13[%get3A_1663] {strides = array<i32>} : memref<1024xf32, #tpu.memory_space<vmem>>, vector<16xf32>,
          %get3A_1665 = arith.constant 336 : index
          %get3A_1666 = tpu.vector_load %arg13[%get3A_1665] {strides = array<i32>} : memref<1024xf32, #tpu.memory_space<vmem>>, vector<16xf32>,
          %get3A_1667 = arith.constant 352 : index
          %get3A_1668 = tpu.vector_load %arg13[%get3A_1667] {strides = array<i32>} : memref<1024xf32, #tpu.memory_space<vmem>>, vector<16xf32>,
          %get3A_1669 = arith.constant 368 : index
          %get3A_1670 = tpu.vector_load %arg13[%get3A_1669] {strides = array<i32>} : memref<1024xf32, #tpu.memory_space<vmem>>, vector<16xf32>,
          %sub3A_1671 = arith.subf %get3A_1664, %get3A_1656 : vector<16xf32>
          %mul3A_1672 = arith.mulf %sub3A_1671, %sub3A_1648 : vector<16xf32>
          %add3A_1673 = arith.addf %get3A_1656, %mul3A_1672 : vector<16xf32>
          %sub3A_1674 = arith.subf %get3A_1666, %get3A_1658 : vector<16xf32>
          %mul3A_1675 = arith.mulf %sub3A_1674, %sub3A_1648 : vector<16xf32>
          %add3A_1676 = arith.addf %get3A_1658, %mul3A_1675 : vector<16xf32>
          %sub3A_1677 = arith.subf %get3A_1668, %get3A_1660 : vector<16xf32>
          %mul3A_1678 = arith.mulf %sub3A_1677, %sub3A_1648 : vector<16xf32>
          %add3A_1679 = arith.addf %get3A_1660, %mul3A_1678 : vector<16xf32>
          %sub3A_1680 = arith.subf %get3A_1670, %get3A_1662 : vector<16xf32>
          %mul3A_1681 = arith.mulf %sub3A_1680, %sub3A_1648 : vector<16xf32>
          %add3A_1682 = arith.addf %get3A_1662, %mul3A_1681 : vector<16xf32>
          %sub3A_1683 = arith.subf %add3A_1679, %add3A_1673 : vector<16xf32>
          %mul3A_1684 = arith.mulf %sub3A_1683, %sub3A_1651 : vector<16xf32>
          %add3A_1685 = arith.addf %add3A_1673, %mul3A_1684 : vector<16xf32>
          %sub3A_1686 = arith.subf %add3A_1682, %add3A_1676 : vector<16xf32>
          %mul3A_1687 = arith.mulf %sub3A_1686, %sub3A_1651 : vector<16xf32>
          %add3A_1688 = arith.addf %add3A_1676, %mul3A_1687 : vector<16xf32>
          %sub3A_1689 = arith.subf %add3A_1688, %add3A_1685 : vector<16xf32>
          %mul3A_1690 = arith.mulf %sub3A_1689, %sub3A_1654 : vector<16xf32>
          %add3A_1691 = arith.addf %add3A_1685, %mul3A_1690 : vector<16xf32>
          %add3A_1692 = arith.constant 16 : i32
          %add3A_1693 = arith.addi %add3A_570, %add3A_1692 : i32
          %swap3A_1694 = arith.index_cast %add3A_1693 : i32 to index
          %swap3A_1695 = tpu.vector_load %arg8[%swap3A_1694] {strides = array<i32>} : memref<512xf32, #tpu.memory_space<vmem>>, vector<16xf32>,
          tpu.vector_store %arg8[%swap3A_1694], %add3A_1691 {strides = array<i32>} : memref<512xf32, #tpu.memory_space<vmem>>, vector<16xf32>,
          %get3A_1696 = arith.constant 384 : index
          %get3A_1697 = tpu.vector_load %arg13[%get3A_1696] {strides = array<i32>} : memref<1024xf32, #tpu.memory_space<vmem>>, vector<16xf32>,
          %get3A_1698 = arith.constant 400 : index
          %get3A_1699 = tpu.vector_load %arg13[%get3A_1698] {strides = array<i32>} : memref<1024xf32, #tpu.memory_space<vmem>>, vector<16xf32>,
          %get3A_1700 = arith.constant 416 : index
          %get3A_1701 = tpu.vector_load %arg13[%get3A_1700] {strides = array<i32>} : memref<1024xf32, #tpu.memory_space<vmem>>, vector<16xf32>,
          %get3A_1702 = arith.constant 432 : index
          %get3A_1703 = tpu.vector_load %arg13[%get3A_1702] {strides = array<i32>} : memref<1024xf32, #tpu.memory_space<vmem>>, vector<16xf32>,
          %get3A_1704 = arith.constant 448 : index
          %get3A_1705 = tpu.vector_load %arg13[%get3A_1704] {strides = array<i32>} : memref<1024xf32, #tpu.memory_space<vmem>>, vector<16xf32>,
          %get3A_1706 = arith.constant 464 : index
          %get3A_1707 = tpu.vector_load %arg13[%get3A_1706] {strides = array<i32>} : memref<1024xf32, #tpu.memory_space<vmem>>, vector<16xf32>,
          %get3A_1708 = arith.constant 480 : index
          %get3A_1709 = tpu.vector_load %arg13[%get3A_1708] {strides = array<i32>} : memref<1024xf32, #tpu.memory_space<vmem>>, vector<16xf32>,
          %get3A_1710 = arith.constant 496 : index
          %get3A_1711 = tpu.vector_load %arg13[%get3A_1710] {strides = array<i32>} : memref<1024xf32, #tpu.memory_space<vmem>>, vector<16xf32>,
          %sub3A_1712 = arith.subf %get3A_1705, %get3A_1697 : vector<16xf32>
          %mul3A_1713 = arith.mulf %sub3A_1712, %sub3A_1648 : vector<16xf32>
          %add3A_1714 = arith.addf %get3A_1697, %mul3A_1713 : vector<16xf32>
          %sub3A_1715 = arith.subf %get3A_1707, %get3A_1699 : vector<16xf32>
          %mul3A_1716 = arith.mulf %sub3A_1715, %sub3A_1648 : vector<16xf32>
          %add3A_1717 = arith.addf %get3A_1699, %mul3A_1716 : vector<16xf32>
          %sub3A_1718 = arith.subf %get3A_1709, %get3A_1701 : vector<16xf32>
          %mul3A_1719 = arith.mulf %sub3A_1718, %sub3A_1648 : vector<16xf32>
          %add3A_1720 = arith.addf %get3A_1701, %mul3A_1719 : vector<16xf32>
          %sub3A_1721 = arith.subf %get3A_1711, %get3A_1703 : vector<16xf32>
          %mul3A_1722 = arith.mulf %sub3A_1721, %sub3A_1648 : vector<16xf32>
          %add3A_1723 = arith.addf %get3A_1703, %mul3A_1722 : vector<16xf32>
          %sub3A_1724 = arith.subf %add3A_1720, %add3A_1714 : vector<16xf32>
          %mul3A_1725 = arith.mulf %sub3A_1724, %sub3A_1651 : vector<16xf32>
          %add3A_1726 = arith.addf %add3A_1714, %mul3A_1725 : vector<16xf32>
          %sub3A_1727 = arith.subf %add3A_1723, %add3A_1717 : vector<16xf32>
          %mul3A_1728 = arith.mulf %sub3A_1727, %sub3A_1651 : vector<16xf32>
          %add3A_1729 = arith.addf %add3A_1717, %mul3A_1728 : vector<16xf32>
          %sub3A_1730 = arith.subf %add3A_1729, %add3A_1726 : vector<16xf32>
          %mul3A_1731 = arith.mulf %sub3A_1730, %sub3A_1654 : vector<16xf32>
          %add3A_1732 = arith.addf %add3A_1726, %mul3A_1731 : vector<16xf32>
          %add3A_1733 = arith.constant 16 : i32
          %add3A_1734 = arith.addi %add3A_570, %add3A_1733 : i32
          %swap3A_1735 = arith.index_cast %add3A_1734 : i32 to index
          %swap3A_1736 = tpu.vector_load %arg9[%swap3A_1735] {strides = array<i32>} : memref<512xf32, #tpu.memory_space<vmem>>, vector<16xf32>,
          tpu.vector_store %arg9[%swap3A_1735], %add3A_1732 {strides = array<i32>} : memref<512xf32, #tpu.memory_space<vmem>>, vector<16xf32>,
          %add3A_1737 = arith.constant 32 : i32
          %add3A_1738 = arith.addi %add3A_1524, %add3A_1737 : i32
          %get3A_1739 = arith.index_cast %add3A_1738 : i32 to index
          %get3A_1740 = tpu.vector_load %arg6[%get3A_1739] {strides = array<i32>} : memref<24576xf32, #tpu.memory_space<vmem>>, vector<16xf32>,
          %add3A_1741 = arith.constant 8192 : i32
          %add3A_1742 = arith.addi %add3A_1741, %add3A_1738 : i32
          %get3A_1743 = arith.index_cast %add3A_1742 : i32 to index
          %get3A_1744 = tpu.vector_load %arg6[%get3A_1743] {strides = array<i32>} : memref<24576xf32, #tpu.memory_space<vmem>>, vector<16xf32>,
          %add3A_1745 = arith.constant 16384 : i32
          %add3A_1746 = arith.addi %add3A_1745, %add3A_1738 : i32
          %get3A_1747 = arith.index_cast %add3A_1746 : i32 to index
          %get3A_1748 = tpu.vector_load %arg6[%get3A_1747] {strides = array<i32>} : memref<24576xf32, #tpu.memory_space<vmem>>, vector<16xf32>,
          %mul3A_1749 = arith.mulf %get3A_1740, %get3A_16 : vector<16xf32>
          %mul3A_1750 = arith.mulf %get3A_1744, %get3A_16 : vector<16xf32>
          %mul3A_1751 = arith.mulf %get3A_1748, %get3A_16 : vector<16xf32>
          %convert_element_type3A_1752 = arith.fptosi %mul3A_1749 : vector<16xf32> to vector<16xi32>
          %convert_element_type3A_1753 = arith.sitofp %convert_element_type3A_1752 : vector<16xi32> to vector<16xf32>
          %sub3A_1754 = arith.subf %mul3A_1749, %convert_element_type3A_1753 : vector<16xf32>
          %convert_element_type3A_1755 = arith.fptosi %mul3A_1750 : vector<16xf32> to vector<16xi32>
          %convert_element_type3A_1756 = arith.sitofp %convert_element_type3A_1755 : vector<16xi32> to vector<16xf32>
          %sub3A_1757 = arith.subf %mul3A_1750, %convert_element_type3A_1756 : vector<16xf32>
          %convert_element_type3A_1758 = arith.fptosi %mul3A_1751 : vector<16xf32> to vector<16xi32>
          %convert_element_type3A_1759 = arith.sitofp %convert_element_type3A_1758 : vector<16xi32> to vector<16xf32>
          %sub3A_1760 = arith.subf %mul3A_1751, %convert_element_type3A_1759 : vector<16xf32>
          %get3A_1761 = arith.constant 512 : index
          %get3A_1762 = tpu.vector_load %arg13[%get3A_1761] {strides = array<i32>} : memref<1024xf32, #tpu.memory_space<vmem>>, vector<16xf32>,
          %get3A_1763 = arith.constant 528 : index
          %get3A_1764 = tpu.vector_load %arg13[%get3A_1763] {strides = array<i32>} : memref<1024xf32, #tpu.memory_space<vmem>>, vector<16xf32>,
          %get3A_1765 = arith.constant 544 : index
          %get3A_1766 = tpu.vector_load %arg13[%get3A_1765] {strides = array<i32>} : memref<1024xf32, #tpu.memory_space<vmem>>, vector<16xf32>,
          %get3A_1767 = arith.constant 560 : index
          %get3A_1768 = tpu.vector_load %arg13[%get3A_1767] {strides = array<i32>} : memref<1024xf32, #tpu.memory_space<vmem>>, vector<16xf32>,
          %get3A_1769 = arith.constant 576 : index
          %get3A_1770 = tpu.vector_load %arg13[%get3A_1769] {strides = array<i32>} : memref<1024xf32, #tpu.memory_space<vmem>>, vector<16xf32>,
          %get3A_1771 = arith.constant 592 : index
          %get3A_1772 = tpu.vector_load %arg13[%get3A_1771] {strides = array<i32>} : memref<1024xf32, #tpu.memory_space<vmem>>, vector<16xf32>,
          %get3A_1773 = arith.constant 608 : index
          %get3A_1774 = tpu.vector_load %arg13[%get3A_1773] {strides = array<i32>} : memref<1024xf32, #tpu.memory_space<vmem>>, vector<16xf32>,
          %get3A_1775 = arith.constant 624 : index
          %get3A_1776 = tpu.vector_load %arg13[%get3A_1775] {strides = array<i32>} : memref<1024xf32, #tpu.memory_space<vmem>>, vector<16xf32>,
          %sub3A_1777 = arith.subf %get3A_1770, %get3A_1762 : vector<16xf32>
          %mul3A_1778 = arith.mulf %sub3A_1777, %sub3A_1754 : vector<16xf32>
          %add3A_1779 = arith.addf %get3A_1762, %mul3A_1778 : vector<16xf32>
          %sub3A_1780 = arith.subf %get3A_1772, %get3A_1764 : vector<16xf32>
          %mul3A_1781 = arith.mulf %sub3A_1780, %sub3A_1754 : vector<16xf32>
          %add3A_1782 = arith.addf %get3A_1764, %mul3A_1781 : vector<16xf32>
          %sub3A_1783 = arith.subf %get3A_1774, %get3A_1766 : vector<16xf32>
          %mul3A_1784 = arith.mulf %sub3A_1783, %sub3A_1754 : vector<16xf32>
          %add3A_1785 = arith.addf %get3A_1766, %mul3A_1784 : vector<16xf32>
          %sub3A_1786 = arith.subf %get3A_1776, %get3A_1768 : vector<16xf32>
          %mul3A_1787 = arith.mulf %sub3A_1786, %sub3A_1754 : vector<16xf32>
          %add3A_1788 = arith.addf %get3A_1768, %mul3A_1787 : vector<16xf32>
          %sub3A_1789 = arith.subf %add3A_1785, %add3A_1779 : vector<16xf32>
          %mul3A_1790 = arith.mulf %sub3A_1789, %sub3A_1757 : vector<16xf32>
          %add3A_1791 = arith.addf %add3A_1779, %mul3A_1790 : vector<16xf32>
          %sub3A_1792 = arith.subf %add3A_1788, %add3A_1782 : vector<16xf32>
          %mul3A_1793 = arith.mulf %sub3A_1792, %sub3A_1757 : vector<16xf32>
          %add3A_1794 = arith.addf %add3A_1782, %mul3A_1793 : vector<16xf32>
          %sub3A_1795 = arith.subf %add3A_1794, %add3A_1791 : vector<16xf32>
          %mul3A_1796 = arith.mulf %sub3A_1795, %sub3A_1760 : vector<16xf32>
          %add3A_1797 = arith.addf %add3A_1791, %mul3A_1796 : vector<16xf32>
          %add3A_1798 = arith.constant 32 : i32
          %add3A_1799 = arith.addi %add3A_570, %add3A_1798 : i32
          %swap3A_1800 = arith.index_cast %add3A_1799 : i32 to index
          %swap3A_1801 = tpu.vector_load %arg8[%swap3A_1800] {strides = array<i32>} : memref<512xf32, #tpu.memory_space<vmem>>, vector<16xf32>,
          tpu.vector_store %arg8[%swap3A_1800], %add3A_1797 {strides = array<i32>} : memref<512xf32, #tpu.memory_space<vmem>>, vector<16xf32>,
          %get3A_1802 = arith.constant 640 : index
          %get3A_1803 = tpu.vector_load %arg13[%get3A_1802] {strides = array<i32>} : memref<1024xf32, #tpu.memory_space<vmem>>, vector<16xf32>,
          %get3A_1804 = arith.constant 656 : index
          %get3A_1805 = tpu.vector_load %arg13[%get3A_1804] {strides = array<i32>} : memref<1024xf32, #tpu.memory_space<vmem>>, vector<16xf32>,
          %get3A_1806 = arith.constant 672 : index
          %get3A_1807 = tpu.vector_load %arg13[%get3A_1806] {strides = array<i32>} : memref<1024xf32, #tpu.memory_space<vmem>>, vector<16xf32>,
          %get3A_1808 = arith.constant 688 : index
          %get3A_1809 = tpu.vector_load %arg13[%get3A_1808] {strides = array<i32>} : memref<1024xf32, #tpu.memory_space<vmem>>, vector<16xf32>,
          %get3A_1810 = arith.constant 704 : index
          %get3A_1811 = tpu.vector_load %arg13[%get3A_1810] {strides = array<i32>} : memref<1024xf32, #tpu.memory_space<vmem>>, vector<16xf32>,
          %get3A_1812 = arith.constant 720 : index
          %get3A_1813 = tpu.vector_load %arg13[%get3A_1812] {strides = array<i32>} : memref<1024xf32, #tpu.memory_space<vmem>>, vector<16xf32>,
          %get3A_1814 = arith.constant 736 : index
          %get3A_1815 = tpu.vector_load %arg13[%get3A_1814] {strides = array<i32>} : memref<1024xf32, #tpu.memory_space<vmem>>, vector<16xf32>,
          %get3A_1816 = arith.constant 752 : index
          %get3A_1817 = tpu.vector_load %arg13[%get3A_1816] {strides = array<i32>} : memref<1024xf32, #tpu.memory_space<vmem>>, vector<16xf32>,
          %sub3A_1818 = arith.subf %get3A_1811, %get3A_1803 : vector<16xf32>
          %mul3A_1819 = arith.mulf %sub3A_1818, %sub3A_1754 : vector<16xf32>
          %add3A_1820 = arith.addf %get3A_1803, %mul3A_1819 : vector<16xf32>
          %sub3A_1821 = arith.subf %get3A_1813, %get3A_1805 : vector<16xf32>
          %mul3A_1822 = arith.mulf %sub3A_1821, %sub3A_1754 : vector<16xf32>
          %add3A_1823 = arith.addf %get3A_1805, %mul3A_1822 : vector<16xf32>
          %sub3A_1824 = arith.subf %get3A_1815, %get3A_1807 : vector<16xf32>
          %mul3A_1825 = arith.mulf %sub3A_1824, %sub3A_1754 : vector<16xf32>
          %add3A_1826 = arith.addf %get3A_1807, %mul3A_1825 : vector<16xf32>
          %sub3A_1827 = arith.subf %get3A_1817, %get3A_1809 : vector<16xf32>
          %mul3A_1828 = arith.mulf %sub3A_1827, %sub3A_1754 : vector<16xf32>
          %add3A_1829 = arith.addf %get3A_1809, %mul3A_1828 : vector<16xf32>
          %sub3A_1830 = arith.subf %add3A_1826, %add3A_1820 : vector<16xf32>
          %mul3A_1831 = arith.mulf %sub3A_1830, %sub3A_1757 : vector<16xf32>
          %add3A_1832 = arith.addf %add3A_1820, %mul3A_1831 : vector<16xf32>
          %sub3A_1833 = arith.subf %add3A_1829, %add3A_1823 : vector<16xf32>
          %mul3A_1834 = arith.mulf %sub3A_1833, %sub3A_1757 : vector<16xf32>
          %add3A_1835 = arith.addf %add3A_1823, %mul3A_1834 : vector<16xf32>
          %sub3A_1836 = arith.subf %add3A_1835, %add3A_1832 : vector<16xf32>
          %mul3A_1837 = arith.mulf %sub3A_1836, %sub3A_1760 : vector<16xf32>
          %add3A_1838 = arith.addf %add3A_1832, %mul3A_1837 : vector<16xf32>
          %add3A_1839 = arith.constant 32 : i32
          %add3A_1840 = arith.addi %add3A_570, %add3A_1839 : i32
          %swap3A_1841 = arith.index_cast %add3A_1840 : i32 to index
          %swap3A_1842 = tpu.vector_load %arg9[%swap3A_1841] {strides = array<i32>} : memref<512xf32, #tpu.memory_space<vmem>>, vector<16xf32>,
          tpu.vector_store %arg9[%swap3A_1841], %add3A_1838 {strides = array<i32>} : memref<512xf32, #tpu.memory_space<vmem>>, vector<16xf32>,
          %add3A_1843 = arith.constant 48 : i32
          %add3A_1844 = arith.addi %add3A_1524, %add3A_1843 : i32
          %get3A_1845 = arith.index_cast %add3A_1844 : i32 to index
          %get3A_1846 = tpu.vector_load %arg6[%get3A_1845] {strides = array<i32>} : memref<24576xf32, #tpu.memory_space<vmem>>, vector<16xf32>,
          %add3A_1847 = arith.constant 8192 : i32
          %add3A_1848 = arith.addi %add3A_1847, %add3A_1844 : i32
          %get3A_1849 = arith.index_cast %add3A_1848 : i32 to index
          %get3A_1850 = tpu.vector_load %arg6[%get3A_1849] {strides = array<i32>} : memref<24576xf32, #tpu.memory_space<vmem>>, vector<16xf32>,
          %add3A_1851 = arith.constant 16384 : i32
          %add3A_1852 = arith.addi %add3A_1851, %add3A_1844 : i32
          %get3A_1853 = arith.index_cast %add3A_1852 : i32 to index
          %get3A_1854 = tpu.vector_load %arg6[%get3A_1853] {strides = array<i32>} : memref<24576xf32, #tpu.memory_space<vmem>>, vector<16xf32>,
          %mul3A_1855 = arith.mulf %get3A_1846, %get3A_16 : vector<16xf32>
          %mul3A_1856 = arith.mulf %get3A_1850, %get3A_16 : vector<16xf32>
          %mul3A_1857 = arith.mulf %get3A_1854, %get3A_16 : vector<16xf32>
          %convert_element_type3A_1858 = arith.fptosi %mul3A_1855 : vector<16xf32> to vector<16xi32>
          %convert_element_type3A_1859 = arith.sitofp %convert_element_type3A_1858 : vector<16xi32> to vector<16xf32>
          %sub3A_1860 = arith.subf %mul3A_1855, %convert_element_type3A_1859 : vector<16xf32>
          %convert_element_type3A_1861 = arith.fptosi %mul3A_1856 : vector<16xf32> to vector<16xi32>
          %convert_element_type3A_1862 = arith.sitofp %convert_element_type3A_1861 : vector<16xi32> to vector<16xf32>
          %sub3A_1863 = arith.subf %mul3A_1856, %convert_element_type3A_1862 : vector<16xf32>
          %convert_element_type3A_1864 = arith.fptosi %mul3A_1857 : vector<16xf32> to vector<16xi32>
          %convert_element_type3A_1865 = arith.sitofp %convert_element_type3A_1864 : vector<16xi32> to vector<16xf32>
          %sub3A_1866 = arith.subf %mul3A_1857, %convert_element_type3A_1865 : vector<16xf32>
          %get3A_1867 = arith.constant 768 : index
          %get3A_1868 = tpu.vector_load %arg13[%get3A_1867] {strides = array<i32>} : memref<1024xf32, #tpu.memory_space<vmem>>, vector<16xf32>,
          %get3A_1869 = arith.constant 784 : index
          %get3A_1870 = tpu.vector_load %arg13[%get3A_1869] {strides = array<i32>} : memref<1024xf32, #tpu.memory_space<vmem>>, vector<16xf32>,
          %get3A_1871 = arith.constant 800 : index
          %get3A_1872 = tpu.vector_load %arg13[%get3A_1871] {strides = array<i32>} : memref<1024xf32, #tpu.memory_space<vmem>>, vector<16xf32>,
          %get3A_1873 = arith.constant 816 : index
          %get3A_1874 = tpu.vector_load %arg13[%get3A_1873] {strides = array<i32>} : memref<1024xf32, #tpu.memory_space<vmem>>, vector<16xf32>,
          %get3A_1875 = arith.constant 832 : index
          %get3A_1876 = tpu.vector_load %arg13[%get3A_1875] {strides = array<i32>} : memref<1024xf32, #tpu.memory_space<vmem>>, vector<16xf32>,
          %get3A_1877 = arith.constant 848 : index
          %get3A_1878 = tpu.vector_load %arg13[%get3A_1877] {strides = array<i32>} : memref<1024xf32, #tpu.memory_space<vmem>>, vector<16xf32>,
          %get3A_1879 = arith.constant 864 : index
          %get3A_1880 = tpu.vector_load %arg13[%get3A_1879] {strides = array<i32>} : memref<1024xf32, #tpu.memory_space<vmem>>, vector<16xf32>,
          %get3A_1881 = arith.constant 880 : index
          %get3A_1882 = tpu.vector_load %arg13[%get3A_1881] {strides = array<i32>} : memref<1024xf32, #tpu.memory_space<vmem>>, vector<16xf32>,
          %sub3A_1883 = arith.subf %get3A_1876, %get3A_1868 : vector<16xf32>
          %mul3A_1884 = arith.mulf %sub3A_1883, %sub3A_1860 : vector<16xf32>
          %add3A_1885 = arith.addf %get3A_1868, %mul3A_1884 : vector<16xf32>
          %sub3A_1886 = arith.subf %get3A_1878, %get3A_1870 : vector<16xf32>
          %mul3A_1887 = arith.mulf %sub3A_1886, %sub3A_1860 : vector<16xf32>
          %add3A_1888 = arith.addf %get3A_1870, %mul3A_1887 : vector<16xf32>
          %sub3A_1889 = arith.subf %get3A_1880, %get3A_1872 : vector<16xf32>
          %mul3A_1890 = arith.mulf %sub3A_1889, %sub3A_1860 : vector<16xf32>
          %add3A_1891 = arith.addf %get3A_1872, %mul3A_1890 : vector<16xf32>
          %sub3A_1892 = arith.subf %get3A_1882, %get3A_1874 : vector<16xf32>
          %mul3A_1893 = arith.mulf %sub3A_1892, %sub3A_1860 : vector<16xf32>
          %add3A_1894 = arith.addf %get3A_1874, %mul3A_1893 : vector<16xf32>
          %sub3A_1895 = arith.subf %add3A_1891, %add3A_1885 : vector<16xf32>
          %mul3A_1896 = arith.mulf %sub3A_1895, %sub3A_1863 : vector<16xf32>
          %add3A_1897 = arith.addf %add3A_1885, %mul3A_1896 : vector<16xf32>
          %sub3A_1898 = arith.subf %add3A_1894, %add3A_1888 : vector<16xf32>
          %mul3A_1899 = arith.mulf %sub3A_1898, %sub3A_1863 : vector<16xf32>
          %add3A_1900 = arith.addf %add3A_1888, %mul3A_1899 : vector<16xf32>
          %sub3A_1901 = arith.subf %add3A_1900, %add3A_1897 : vector<16xf32>
          %mul3A_1902 = arith.mulf %sub3A_1901, %sub3A_1866 : vector<16xf32>
          %add3A_1903 = arith.addf %add3A_1897, %mul3A_1902 : vector<16xf32>
          %add3A_1904 = arith.constant 48 : i32
          %add3A_1905 = arith.addi %add3A_570, %add3A_1904 : i32
          %swap3A_1906 = arith.index_cast %add3A_1905 : i32 to index
          %swap3A_1907 = tpu.vector_load %arg8[%swap3A_1906] {strides = array<i32>} : memref<512xf32, #tpu.memory_space<vmem>>, vector<16xf32>,
          tpu.vector_store %arg8[%swap3A_1906], %add3A_1903 {strides = array<i32>} : memref<512xf32, #tpu.memory_space<vmem>>, vector<16xf32>,
          %get3A_1908 = arith.constant 896 : index
          %get3A_1909 = tpu.vector_load %arg13[%get3A_1908] {strides = array<i32>} : memref<1024xf32, #tpu.memory_space<vmem>>, vector<16xf32>,
          %get3A_1910 = arith.constant 912 : index
          %get3A_1911 = tpu.vector_load %arg13[%get3A_1910] {strides = array<i32>} : memref<1024xf32, #tpu.memory_space<vmem>>, vector<16xf32>,
          %get3A_1912 = arith.constant 928 : index
          %get3A_1913 = tpu.vector_load %arg13[%get3A_1912] {strides = array<i32>} : memref<1024xf32, #tpu.memory_space<vmem>>, vector<16xf32>,
          %get3A_1914 = arith.constant 944 : index
          %get3A_1915 = tpu.vector_load %arg13[%get3A_1914] {strides = array<i32>} : memref<1024xf32, #tpu.memory_space<vmem>>, vector<16xf32>,
          %get3A_1916 = arith.constant 960 : index
          %get3A_1917 = tpu.vector_load %arg13[%get3A_1916] {strides = array<i32>} : memref<1024xf32, #tpu.memory_space<vmem>>, vector<16xf32>,
          %get3A_1918 = arith.constant 976 : index
          %get3A_1919 = tpu.vector_load %arg13[%get3A_1918] {strides = array<i32>} : memref<1024xf32, #tpu.memory_space<vmem>>, vector<16xf32>,
          %get3A_1920 = arith.constant 992 : index
          %get3A_1921 = tpu.vector_load %arg13[%get3A_1920] {strides = array<i32>} : memref<1024xf32, #tpu.memory_space<vmem>>, vector<16xf32>,
          %get3A_1922 = arith.constant 1008 : index
          %get3A_1923 = tpu.vector_load %arg13[%get3A_1922] {strides = array<i32>} : memref<1024xf32, #tpu.memory_space<vmem>>, vector<16xf32>,
          %sub3A_1924 = arith.subf %get3A_1917, %get3A_1909 : vector<16xf32>
          %mul3A_1925 = arith.mulf %sub3A_1924, %sub3A_1860 : vector<16xf32>
          %add3A_1926 = arith.addf %get3A_1909, %mul3A_1925 : vector<16xf32>
          %sub3A_1927 = arith.subf %get3A_1919, %get3A_1911 : vector<16xf32>
          %mul3A_1928 = arith.mulf %sub3A_1927, %sub3A_1860 : vector<16xf32>
          %add3A_1929 = arith.addf %get3A_1911, %mul3A_1928 : vector<16xf32>
          %sub3A_1930 = arith.subf %get3A_1921, %get3A_1913 : vector<16xf32>
          %mul3A_1931 = arith.mulf %sub3A_1930, %sub3A_1860 : vector<16xf32>
          %add3A_1932 = arith.addf %get3A_1913, %mul3A_1931 : vector<16xf32>
          %sub3A_1933 = arith.subf %get3A_1923, %get3A_1915 : vector<16xf32>
          %mul3A_1934 = arith.mulf %sub3A_1933, %sub3A_1860 : vector<16xf32>
          %add3A_1935 = arith.addf %get3A_1915, %mul3A_1934 : vector<16xf32>
          %sub3A_1936 = arith.subf %add3A_1932, %add3A_1926 : vector<16xf32>
          %mul3A_1937 = arith.mulf %sub3A_1936, %sub3A_1863 : vector<16xf32>
          %add3A_1938 = arith.addf %add3A_1926, %mul3A_1937 : vector<16xf32>
          %sub3A_1939 = arith.subf %add3A_1935, %add3A_1929 : vector<16xf32>
          %mul3A_1940 = arith.mulf %sub3A_1939, %sub3A_1863 : vector<16xf32>
          %add3A_1941 = arith.addf %add3A_1929, %mul3A_1940 : vector<16xf32>
          %sub3A_1942 = arith.subf %add3A_1941, %add3A_1938 : vector<16xf32>
          %mul3A_1943 = arith.mulf %sub3A_1942, %sub3A_1866 : vector<16xf32>
          %add3A_1944 = arith.addf %add3A_1938, %mul3A_1943 : vector<16xf32>
          %add3A_1945 = arith.constant 48 : i32
          %add3A_1946 = arith.addi %add3A_570, %add3A_1945 : i32
          %swap3A_1947 = arith.index_cast %add3A_1946 : i32 to index
          %swap3A_1948 = tpu.vector_load %arg9[%swap3A_1947] {strides = array<i32>} : memref<512xf32, #tpu.memory_space<vmem>>, vector<16xf32>,
          tpu.vector_store %arg9[%swap3A_1947], %add3A_1944 {strides = array<i32>} : memref<512xf32, #tpu.memory_space<vmem>>, vector<16xf32>,
        }
        %scan3A_554 = arith.constant 4 : i32
        %add3A_555 = arith.addi %mul3A_2, %mul3A_32 : i32
        %mul3A_556 = arith.constant 2 : i32
        %mul3A_557 = arith.muli %scan3A_13, %mul3A_556 : i32
        %mul3A_558 = arith.constant 262144 : i32
        %mul3A_559 = arith.muli %mul3A_557, %mul3A_558 : i32
        %add3A_560 = arith.addi %mul3A_559, %add3A_555 : i32
        "tpu.region"() ({
          %run_scoped3A = tpu.sem_alloc : memref<!tpu.dma_semaphore, #tpu.memory_space<semaphore_mem>>
          %dma_start3A_566 = tpu.memref_slice %arg5[%add3A_560] : memref<8388608xf32, #tpu.memory_space<hbm>> -> memref<512xf32, #tpu.memory_space<hbm>>
          %dma_start3A_567 = tpu.memref_slice %arg5[%add3A_560] : memref<8388608xf32, #tpu.memory_space<hbm>> -> memref<512xf32, #tpu.memory_space<hbm>>
          tpu.enqueue_dma source(%arg8 : memref<512xf32, #tpu.memory_space<vmem>>) target(%dma_start3A_567 : memref<512xf32, #tpu.memory_space<hbm>>) target_semaphore(%run_scoped3A : memref<!tpu.dma_semaphore, #tpu.memory_space<semaphore_mem>>)
          %dma_wait3A = tpu.memref_slice %arg5[%add3A_560] : memref<8388608xf32, #tpu.memory_space<hbm>> -> memref<512xf32, #tpu.memory_space<hbm>>
          %dma_wait3A_568 = tpu.memref_slice %arg5[%add3A_560] : memref<8388608xf32, #tpu.memory_space<hbm>> -> memref<512xf32, #tpu.memory_space<hbm>>
          tpu.wait_dma2 semaphore(%run_scoped3A : memref<!tpu.dma_semaphore, #tpu.memory_space<semaphore_mem>>) src(%arg8 : memref<512xf32, #tpu.memory_space<vmem>>) dst(%dma_wait3A_568 : memref<512xf32, #tpu.memory_space<hbm>>)
          tpu.yield
        }) : () -> ()
        %add3A_561 = arith.constant 1 : i32
        %add3A_562 = arith.addi %mul3A_557, %add3A_561 : i32
        %mul3A_563 = arith.constant 262144 : i32
        %mul3A_564 = arith.muli %add3A_562, %mul3A_563 : i32
        %add3A_565 = arith.addi %mul3A_564, %add3A_555 : i32
        "tpu.region"() ({
          %run_scoped3A = tpu.sem_alloc : memref<!tpu.dma_semaphore, #tpu.memory_space<semaphore_mem>>
          %dma_start3A_566 = tpu.memref_slice %arg5[%add3A_565] : memref<8388608xf32, #tpu.memory_space<hbm>> -> memref<512xf32, #tpu.memory_space<hbm>>
          %dma_start3A_567 = tpu.memref_slice %arg5[%add3A_565] : memref<8388608xf32, #tpu.memory_space<hbm>> -> memref<512xf32, #tpu.memory_space<hbm>>
          tpu.enqueue_dma source(%arg9 : memref<512xf32, #tpu.memory_space<vmem>>) target(%dma_start3A_567 : memref<512xf32, #tpu.memory_space<hbm>>) target_semaphore(%run_scoped3A : memref<!tpu.dma_semaphore, #tpu.memory_space<semaphore_mem>>)
          %dma_wait3A = tpu.memref_slice %arg5[%add3A_565] : memref<8388608xf32, #tpu.memory_space<hbm>> -> memref<512xf32, #tpu.memory_space<hbm>>
          %dma_wait3A_568 = tpu.memref_slice %arg5[%add3A_565] : memref<8388608xf32, #tpu.memory_space<hbm>> -> memref<512xf32, #tpu.memory_space<hbm>>
          tpu.wait_dma2 semaphore(%run_scoped3A : memref<!tpu.dma_semaphore, #tpu.memory_space<semaphore_mem>>) src(%arg9 : memref<512xf32, #tpu.memory_space<vmem>>) dst(%dma_wait3A_568 : memref<512xf32, #tpu.memory_space<hbm>>)
          tpu.yield
        }) : () -> ()
      }
      %scan3A_28 = arith.constant 16 : i32
      %barrier3A_29 = arith.constant 0 : index
      tpu.barrier barrier_id(%barrier3A_29)
    }
    %scan3A_12 = arith.constant 16 : i32
    return
  }
}

</mosaic_0001>

<sc_bundles>
// kernel: _encode.3.cloned.1.call-start
scs
__scs_entry_jumppad:
0x0: {  	(pc) =	sbr.rel $0x88, $3  }
0x1: {  	(tag) =	ssettag $0x0;
	lr =	simm.s32 $0x1  }
0x2: {  	[smem:$0x3F9E] =	sst lr;
	_ =	strace $0xD0000000  }
0x3: {  	_ = 	snop  }
0x4: {  	_ = 	snop  }
0x5: {  	_ = 	snop  }
0x6: {  	_ = 	snop  }
0x7: {  	_ = 	snop  }
__scs_overlays_trampoline_lowered:
0x8: {  	[smem:$0x3FAD] =	sst s0  }
0x9: {  	[smem:$0x3FAE] =	sst s1  }
0xa: {  	[smem:$0x3FAF] =	sst s2  }
0xb: {  	[smem:$0x3FB0] =	sst s3  }
0xc: {  	[smem:$0x3FB1] =	sst s4  }
0xd: {  	[smem:$0x3FB2] =	sst s5  }
0xe: {  	[smem:$0x3FB3] =	sst s6  }
0xf: {  	[smem:$0x3FB4] =	sst s7  }
0x10: {  	[smem:$0x3FB5] =	sst s8  }
0x11: {  	[smem:$0x3FB6] =	sst s9;
	s0 =	simm.s32 @!p0 $0x0  }
0x12: {  	s1 =	sld [smem:$0x3F9C];
	s0 =	simm.s32 @p0 $0x1  }
0x13: {  	[smem:$0x3FB7] =	sst s0;
	s0 =	simm.s32 @!p1 $0x0  }
0x14: {  	s2 =	sld [smem:$0x3F9B];
	s0 =	simm.s32 @p1 $0x1  }
0x15: {  	[smem:$0x3FB8] =	sst s0;
	s0 =	simm.s32 @!p2 $0x0  }
0x16: {  	s3 =	sld [smem:$0x3FDB];
	s0 =	simm.s32 @p2 $0x1  }
0x17: {  	s4 =	simm.s32 $0x1BF5;
	[smem:$0x3FBA] =	sst s0  }
0x18: {  	s0 =	sld [smem:$0x3F9D];
	_ =	swait.ge [sflag:s4], $0x0  }
0x19: {  	s7 =	sld [smem:$0x3F9E]  }
0x1a: {  	s8 =	sadd.s32 $0xFFFFE003, lr  }
0x1b: {  	s9 =	sadd.s32 $0xFFFFFEF7, lr;
	s5 =	simm.s32 $0xFFFFFFFF;
	p2 =	slt.u32 s8, $0xFFFFF086  }
0x1c: {  	p1 =	slt.u32 s9, $0xF7A;
	s5 =	simm.s32 @!p2 $0x0  }
0x1d: {  	s5 =	simm.s32 @p1 $0x1;
	p0 =	seq.s32 s7, s2  }
0x1e: {  	s7 =	smul.u32 @!p0 $0xF7A, s2;
	p2 =	seq.s32 @!p0 s5, $0x0  }
0x1f: {  	s9 =	smul.u32 $0xF7A, s1;
	s8 =	simm.s32 @!p0 $0x1BF5;
	p2 =	por !p2, p0  }
0x20: {  	[sflag:s8] =	ssyncset.s32 @!p0 $0xFFFFF086;
	s6 =	sadd.s32 @!p0 s3, s7;
	s7 =	simm.s32 @!p0 $0x108  }
0x21: {  	s3 =	sadd.s32 s3, s9;
	s6 =	sadd.s32 @!p0 $0x88, s6;
	s7 =	simm.s32 @p2 $0x1082  }
0x22: {  	[simem:s7], [sflag:s8] =	dma.local @!p0 [hbm:s6], $0xF7A  }
0x23: {  	s9 =	sor.u32 $0xD0000000, s2;
	s6 =	simm.s32 $0x108;
	_ =	swait.ge @!p0 [sflag:s8], $0x0  }
0x24: {  	s3 =	sadd.s32 $0x88, s3;
	s6 =	simm.s32 @!p1 $0x1082;
	[sflag:s4] =	ssyncset.s32 $0xFFFFF086  }
0x25: {  	[simem:s6], [sflag:s4] =	dma.local [hbm:s3], $0xF7A  }
0x26: {  	[smem:$0x3F9E] =	sst s1;
	(tag) =	ssettag s2;
	_ =	strace s9  }
0x27: {  	s1 =	sld [smem:$0x3FAE]  }
0x28: {  	s2 =	sld [smem:$0x3FAF]  }
0x29: {  	s4 =	sld [smem:$0x3FB1]  }
0x2a: {  	p0 =	seq.s32 s5, $0x0;
	s5 =	sld [smem:$0x3FB2]  }
0x2b: {  	s6 =	sld [smem:$0x3FB3]  }
0x2c: {  	s7 =	sld [smem:$0x3FB4]  }
0x2d: {  	s3 =	simm.s32 $0x108;
	s8 =	sld [smem:$0x3FB5]  }
0x2e: {  	s3 =	simm.s32 @!p0 $0x1082;
	s9 =	sld [smem:$0x3FB6]  }
0x2f: {  	lr =	sadd.s32 s0, s3;
	s0 =	sld [smem:$0x3FAD]  }
0x30: {  	s3 =	sld [smem:$0x3FB0]  }
0x31: {  	[smem:$0x3FB9] =	sst s10  }
0x32: {  	s10 =	sld [smem:$0x3FB7];
	_ =	sdelay $0x3  }
0x33: {  	p0 =	seq.s32 s10, $0x1;
	s10 =	sld [smem:$0x3FB9];
	_ =	sdelay $0x3  }
0x34: {  	[smem:$0x3FB9] =	sst s10  }
0x35: {  	s10 =	sld [smem:$0x3FB8];
	_ =	sdelay $0x3  }
0x36: {  	p1 =	seq.s32 s10, $0x1;
	s10 =	sld [smem:$0x3FB9];
	_ =	sdelay $0x3  }
0x37: {  	[smem:$0x3FB9] =	sst s10  }
0x38: {  	s10 =	sld [smem:$0x3FBA]  }
0x39: {  	_ = 	snop;
	(pc) =	sbr.ind lr, $3  }
0x3a: {  	_ = 	snop  }
0x3b: {  	_ = 	snop  }
0x3c: {  	p2 =	seq.s32 s10, $0x1;
	s10 =	sld [smem:$0x3FB9]  }
0x3d: {  	_ =	shalt  }
0x3e: {  	_ =	shalt  }
0x3f: {  	_ =	shalt  }
0x40: {  	_ =	shalt  }
0x41: {  	_ =	shalt  }
0x42: {  	_ =	shalt  }
0x43: {  	_ =	shalt  }
0x44: {  	_ =	shalt  }
0x45: {  	_ =	shalt  }
0x46: {  	_ =	shalt  }
0x47: {  	_ =	shalt  }
0x48: {  	_ =	shalt  }
0x49: {  	_ =	shalt  }
0x4a: {  	_ =	shalt  }
0x4b: {  	_ =	shalt  }
0x4c: {  	_ =	shalt  }
0x4d: {  	_ =	shalt  }
0x4e: {  	_ =	shalt  }
0x4f: {  	_ =	shalt  }
0x50: {  	_ =	shalt  }
0x51: {  	_ =	shalt  }
0x52: {  	_ =	shalt  }
0x53: {  	_ =	shalt  }
0x54: {  	_ =	shalt  }
0x55: {  	_ =	shalt  }
0x56: {  	_ =	shalt  }
0x57: {  	_ =	shalt  }
0x58: {  	_ =	shalt  }
0x59: {  	_ =	shalt  }
0x5a: {  	_ =	shalt  }
0x5b: {  	_ =	shalt  }
0x5c: {  	_ =	shalt  }
0x5d: {  	_ =	shalt  }
0x5e: {  	_ =	shalt  }
0x5f: {  	_ =	shalt  }
0x60: {  	_ =	shalt  }
0x61: {  	_ =	shalt  }
0x62: {  	_ =	shalt  }
0x63: {  	_ =	shalt  }
0x64: {  	_ =	shalt  }
0x65: {  	_ =	shalt  }
0x66: {  	_ =	shalt  }
0x67: {  	_ =	shalt  }
0x68: {  	_ =	shalt  }
0x69: {  	_ =	shalt  }
0x6a: {  	_ =	shalt  }
0x6b: {  	_ =	shalt  }
0x6c: {  	_ =	shalt  }
0x6d: {  	_ =	shalt  }
0x6e: {  	_ =	shalt  }
0x6f: {  	_ =	shalt  }
0x70: {  	_ =	shalt  }
0x71: {  	_ =	shalt  }
0x72: {  	_ =	shalt  }
0x73: {  	_ =	shalt  }
0x74: {  	_ =	shalt  }
0x75: {  	_ =	shalt  }
0x76: {  	_ =	shalt  }
0x77: {  	_ =	shalt  }
0x78: {  	_ =	shalt  }
0x79: {  	_ =	shalt  }
0x7a: {  	_ =	shalt  }
0x7b: {  	_ =	shalt  }
0x7c: {  	_ =	shalt  }
0x7d: {  	_ =	shalt  }
0x7e: {  	_ =	shalt  }
0x7f: {  	_ =	shalt  }
0x80: {  	_ =	shalt  }
0x81: {  	_ =	shalt  }
0x82: {  	_ =	shalt  }
0x83: {  	_ =	shalt  }
0x84: {  	_ =	shalt  }
0x85: {  	_ =	shalt  }
0x86: {  	_ =	shalt  }
0x87: {  	_ =	shalt  }
.Lfunc_end0:
.L_simem_size_0:
called_computation_lowered:
.L_overlay_start_0:
0x88: {  	s2 =	sld [smem:$0x3FD9]  }
0x89: {  	s3 =	sld [smem:$0x3FFE];
	_ =	sdelay $0x1  }
0x8a: {  	s1 =	srdreg.scid  }
0x8b: {  	s0 =	sand.u32 $0x1, s1  }
0x8c: {  	s18 =	sshll.u32 s0, $0xA;
	s2 =	sadd.s32 s3, s2  }
0x8d: {  	s2 =	sadd.s32 s2, s18  }
0x8e: {  	[smem:$0x3FC5] =	sst s2  }
0x8f: {  	_ = 	snop  }
0x90: {  	s2 =	sld [smem:$0x3FC9]  }
0x91: {  	s19 =	sld [smem:$0x3FC8]  }
0x92: {  	s4 =	sld [smem:$0x3FC7]  }
0x93: {  	s5 =	sld [smem:$0x3FD0];
	(tm) =	ssettm $0x1  }
0x94: {  	s6 =	sld [smem:$0x3FFB];
	_ =	sdelay $0x3  }
0x95: {  	_ =	strace s6  }
0x96: {  	s6 =	sld [smem:$0x3FFC];
	_ =	sdelay $0x3  }
0x97: {  	_ =	strace s6  }
0x98: {  	s6 =	sld [smem:$0x3FFD];
	_ =	sdelay $0x3  }
0x99: {  	_ =	strace s6  }
0x9a: {  	_ =	strace $0x8FFFFFFF  }
0x9b: {  	s20 =	sld [smem:$0x3FDB];
	_ =	sdelay $0x1  }
0x9c: {  	s7 =	simm.s32 $_scs_section_size  }
0x9d: {  	s8 =	simm.s32 $_size__tile_overlayer_lowered;
	s9 =	simm.s32 $_tile_overlayer_lowered  }
0x9e: {  	s23 =	simm.s32 $0x1BFF;
	s22 =	sshll.u32 s9, $0x1;
	s6 =	sadd.s32 s7, s20  }
0x9f: {  	s10 =	simm.s32 $0x0;
	s21 =	sshll.u32 s8, $0x1;
	s8 =	sadd.s32 s22, s6  }
0xa0: {  	[timem:s10], [sflag:s23] =	dma.local [hbm:s8], s21  }
0xa1: {  	_ =	swait.ge [sflag:s23], s21  }
0xa2: {  	s7 =	ssub.s32 $0x0, s21;
	[sflag:s23] =	ssyncset.done $0x0  }
0xa3: {  	[sflag:s23] =	ssyncadd.s32 s7;
	_ =	sdelay $0x1  }
0xa4: {  	s24 =	simm.s32 $0x1B8B  }
0xa5: {  	_ =	swait.ge [sflag:s24], $0x1  }
0xa6: {  	[sflag:s24] =	ssyncset.done $0x0  }
0xa7: {  	s25 =	simm.s32 $0x1B8E;
	[sflag:s24] =	ssyncadd.s32 $0xFFFFFFFF  }
0xa8: {  	s26 =	simm.s32 $execute0_lowered;
	[smem:$0x3FD2] =	sst s25  }
0xa9: {  	s7 =	sshll.u32 s26, $0x1;
	_ =	strace $0x80000046;
	[dreg:$0x1] =	wrdreg $0xFFFFFFFF  }
0xaa: {  	s28 =	simm.s32 $_size_execute0_lowered;
	s6 =	sadd.s32 s6, s7;
	[dreg:$0x0] =	wrdreg $0x0  }
0xab: {  	s7 =	sshll.u32 s28, $0x1;
	[dreg:$0x2] =	wrdreg s6  }
0xac: {  	[dreg:$0x3] =	wrdreg s7  }
0xad: {  	[dreg:$0x4] =	wrdreg $0xC0  }
0xae: {  	_ =	task [dreg:s10], $0x5FFFF  }
0xaf: {  	[dreg:$0x1] =	wrdreg $0xFFFFFFFF  }
0xb0: {  	[dreg:$0x0] =	wrdreg $0x60  }
0xb1: {  	[dreg:$0x2] =	wrdreg s2  }
0xb2: {  	[dreg:$0x3] =	wrdreg s19  }
0xb3: {  	[dreg:$0x4] =	wrdreg s4  }
0xb4: {  	[dreg:$0x5] =	wrdreg s5  }
0xb5: {  	[dreg:$0x6] =	wrdreg $0x75000  }
0xb6: {  	[dreg:$0x7] =	wrdreg $0x9  }
0xb7: {  	_ =	task.clear_ibuf [dreg:s10], $0x8FFFF;
	_ =	strace $0x90000046  }
0xb8: {  	s29 =	simm.s32 $0x9;
	_ =	strace $0x80000048  }
0xb9: {  	_ =	swait.ge [sflag:s29], $0x1  }
0xba: {  	[sflag:s29] =	ssyncadd.s32 $0xFFFFFFFF  }
0xbb: {  	_ =	strace $0x90000048  }
0xbc: {  	_ =	sfence  }
0xbd: {  	s30 =	sld [smem:$0x0];
	_ =	sdelay $0x2  }
0xbe: {  	s31 =	sshll.u32 s1, $0xD;
	s1 =	sshrl.u32 s1, $0x2  }
0xbf: {  	s3 =	sand.u32 $0x4000, s31;
	s1 =	sadd.s32 s1, s30  }
0xc0: {  	s0 =	sor.u32 s3, s0;
	s1 =	sshll.u32 s1, $0x11  }
0xc1: {  	s0 =	sor.u32 s1, s0  }
0xc2: {  	s0 =	sadd.s32 $0x8F2B, s0  }
0xc3: {  	[sflag:s0] =	ssyncadd.remote.s32 $0x1  }
0xc4: {  	_ =	sfence.sel $0xFFFF  }
0xc5: {  	[dreg:$0x0] =	wrdreg $0xFFFFFFFF;
	(pc) =	sbr.abs _section_cstart, $3  }
0xc6: {  	[dreg:$0x1] =	wrdreg $0xFFFFFFFF  }
0xc7: {  	_ =	task.clear_ibuf [dreg:s10], $0x2FFFF;
	_ =	strace $0x9FFFFFFF  }
0xc8: {  	(tm) =	ssettm $0x7FFFFFFF  }
0xc9: {  	_ =	shalt  }
tec
execute0_lowered:
.L_overlay_start_1:
0x0: {  	(tag) =	ssettag $0x1  }
0x1: {  	s0 =	rddreg [dreg:$0x0]  }
0x2: {  	s1 =	srdreg.scid;
	s4 =	rddreg [dreg:$0x3]  }
0x3: {  	s8 =	stileid.u32;
	s5 =	rddreg [dreg:$0x4];
	s6 =	simm.s32 $0x0  }
0x4: {  	s14 =	simm.s32 $0x3;
	s20 =	simm.s32 $0x400;
	s21 =	simm.s32 $0x6500  }
0x5: {  	s22 =	simm.s32 $0x6D00;
	s28 =	simm.s32 $0x6100;
	s29 =	simm.s32 $0x6300  }
0x6: {  	s1 =	sand.u32 $0x1, s1;
	s2 =	sshll.u32 s8, $0xE;
	[smem:$0x7FF] =	sst s6  }
0x7: {  	s10 =	sshll.u32 s8, $0x10;
	s12 =	sadd.s32 $0x8000, s4;
	s31 =	sshll.u32 s8, $0x6  }
0x8: {  	s3 =	sshll.u32 s1, $0xD;
	s1 =	ssub.s32 $0x2, s1;
	_ =	strace $0x80000047  }
0x9: {  	s30 =	sadd.s32 s10, s5;
	s18 =	sor.u32 $0x1C03, s31;
	s7 =	sor.u32 s3, s2  }
0xa: {  	s23 =	sshrl.u32 s1, $0x1;
	s19 =	sshrl.u32 s30, $0x3;
	s2 =	sshrl.u32 s7, $0x3  }
.Ltmp0:
0xb: {  	s24 =	ssub.s32 s1, s23;
	s2 =	sadd.s32 s0, s2;
	(pc) =	sbr.rel .LBB2_1-.Ltmp0, $4  }
0xc: {  	s23 =	simm.s32 $0x6900;
	s0 =	smax.u32 s24, $0x1;
	[dreg:$0x6] =	wrdreg s2  }
0xd: {  	s1 =	simm.s32 $0x0;
	s25 =	sadd.s32 $0x8000, s2;
	[dreg:$0x9] =	wrdreg s0  }
0xe: {  	s24 =	simm.s32 $0x7100;
	s26 =	sadd.s32 $0x10000, s2;
	[dreg:$0x7] =	wrdreg s25  }
0xf: {  	[dreg:$0x8] =	wrdreg s26;
	s25 =	simm.s32 $0x1;
	s26 =	simm.s32 $0x2  }
.LBB2_9:
0x10: {  	s1 =	rddreg [dreg:$0xa]  }
0x11: {  	s0 =	rddreg [dreg:$0x9];
	s1 =	sadd.s32 $0x1, s1  }
0x12: {  	p0 =	sne.s32 s1, s0  }
.Ltmp1:
0x13: {  	_ = 	snop;
	(pc) =	sbr.rel @!p0 .LBB2_10-.Ltmp1, $1  }
0x14: {  	_ =	sdelay $0x3  }
.LBB2_1:
0x15: {  	[dreg:$0xa] =	wrdreg s1  }
0x16: {  	s0 =	rddreg [dreg:$0x6]  }
0x17: {  	[tilespmem:s6], [sflag:$0x3] =	stream.linear.gather [hbm4b:s0+s6], $0x2000, $0x38;
	[tilespmem:$0x17500] =	vst v63  }
0x18: {  	_ =	swait.ge [sflag:s14], $0x2000  }
0x19: {  	[sflag:s14] =	ssyncset.done $0x0  }
0x1a: {  	s13 =	simm.s32 $0x2000;
	s11 =	rddreg [dreg:$0x7];
	[sflag:s14] =	ssyncadd.s32 $0xFFFFE000  }
0x1b: {  	[tilespmem:s13], [sflag:$0x3] =	stream.linear.gather [hbm4b:s11+s6], $0x2000, $0x38;
	[tilespmem:$0x17500] =	vst v63  }
0x1c: {  	_ =	swait.ge [sflag:s14], $0x2000  }
0x1d: {  	[sflag:s14] =	ssyncset.done $0x0  }
0x1e: {  	s16 =	simm.s32 $0x4000;
	s15 =	rddreg [dreg:$0x8];
	[sflag:s14] =	ssyncadd.s32 $0xFFFFE000  }
0x1f: {  	[tilespmem:s16], [sflag:$0x3] =	stream.linear.gather [hbm4b:s15+s6], $0x2000, $0x38;
	[tilespmem:$0x17500] =	vst v63  }
0x20: {  	_ =	swait.ge [sflag:s14], $0x2000  }
0x21: {  	[sflag:s14] =	ssyncset.done $0x0  }
0x22: {  	[sflag:s14] =	ssyncadd.s32 $0xFFFFE000  }
.Ltmp2:
0x23: {  	s30 =	simm.s32 $0x6000;
	s17 =	rddreg [dreg:$0x2];
	(pc) =	sbr.rel .LBB2_2-.Ltmp2, $4  }
0x24: {  	[tilespmem:s30], [sflag:$0x3] =	stream.linear.gather [hbm4b:s17+s6], $0x100, $0x38;
	[tilespmem:$0x17500] =	vst v63  }
0x25: {  	_ =	swait.ge [sflag:s14], $0x100  }
0x26: {  	[sflag:s14] =	ssyncset.done $0x0  }
0x27: {  	s31 =	simm.s32 $0x0;
	[sflag:s14] =	ssyncadd.s32 $0xFFFFFF00  }
.LBB2_8:
0x28: {  	s31 =	sadd.s32 $0x1, s31  }
0x29: {  	p0 =	sne.s32 s31, $0x10  }
.Ltmp3:
0x2a: {  	_ = 	snop;
	(pc) =	sbr.rel @!p0 .LBB2_9-.Ltmp3, $2  }
0x2b: {  	_ =	sdelay $0x1  }
0x2c: {  	[bflag:$0x0] =	sbarrier.arrive $0xFFFF;
	_ =	sdelay $0x1  }
.LBB2_2:
0x2d: {  	s0 =	sshll.u32 s31, $0x14  }
0x2e: {  	s0 =	sor.u32 s10, s0  }
0x2f: {  	s1 =	sshll.u32 s31, $0x4;
	s17 =	rddreg [dreg:$0x1];
	s0 =	sshrl.u32 s0, $0x3  }
0x30: {  	s1 =	sand.u32 $0x3FFFFFF0, s1;
	s0 =	sadd.s32 s17, s0  }
0x31: {  	v0 =	vld [tilespmem:s1+$0x6000];
	[spmem:s19], [sflag:s18] =	dma.local [hbm:s0], $0x2000  }
.Ltmp4:
0x32: {  	_ =	swait.ge [sflag:s14], $0x2000;
	(pc) =	sbr.rel .LBB2_3-.Ltmp4, $4  }
0x33: {  	[sflag:s14] =	ssyncset.done $0x0  }
0x34: {  	[sflag:s14] =	ssyncadd.s32 $0xFFFFE000  }
0x35: {  	s30 =	sshll.u32 s31, $0x13;
	s15 =	simm.s32 $0x0;
	[bflag:$0x0] =	sbarrier.arrive $0xFFFF  }
0x36: {  	s3 =	sor.u32 s7, s30;
	s17 =	simm.s32 $0x40;
	s0 =	simm.s32 $0x0  }
.LBB2_7:
0x37: {  	s1 =	sadd.s32 s3, s16  }
0x38: {  	s1 =	sshrl.u32 s1, $0x3  }
0x39: {  	s2 =	sadd.s32 s4, s1  }
0x3a: {  	[hbm4b:s2+s6] =	stream.linear.scatter [tilespmem:s28], [sflag:$0x3], $0x200, $0x38;
	[tilespmem:$0x17500] =	vst v63  }
0x3b: {  	s15 =	sadd.s32 $0x1, s15;
	_ =	swait.ge [sflag:s14], $0x200  }
0x3c: {  	p0 =	sne.s32 s15, $0x10;
	[sflag:s14] =	ssyncset.done $0x0  }
.Ltmp5:
0x3d: {  	s1 =	sadd.s32 s1, s12;
	[sflag:s14] =	ssyncadd.s32 $0xFFFFFE00;
	(pc) =	sbr.rel @!p0 .LBB2_8-.Ltmp5, $4  }
0x3e: {  	[hbm4b:s1+s6] =	stream.linear.scatter [tilespmem:s29], [sflag:$0x3], $0x200, $0x38;
	[tilespmem:$0x17500] =	vst v63  }
0x3f: {  	_ =	swait.ge [sflag:s14], $0x200  }
0x40: {  	[sflag:s14] =	ssyncset.done $0x0  }
0x41: {  	s17 =	sadd.s32 $0x200, s17;
	s0 =	sadd.s32 $0x200, s0;
	[sflag:s14] =	ssyncadd.s32 $0xFFFFFE00  }
.LBB2_3:
0x42: {  	s16 =	sshll.u32 s15, $0x9  }
0x43: {  	v1 =	vld [tilespmem:s16+$0x0]  }
0x44: {  	v2 =	vld [tilespmem:s16+$0x2000]  }
0x45: {  	v3 =	vld [tilespmem:s16+$0x4000];
	_ =	sdelay $0x3  }
0x46: {  	v1 =	vmul.f32 v1, v0;
	v2 =	vmul.f32 v2, v0  }
0x47: {  	v3 =	vmul.f32 v3, v0  }
0x48: {  	v1 =	vtrunc.f32 v1;
	v2 =	vtrunc.f32 v2  }
0x49: {  	v3 =	vtrunc.f32 v3;
	v2 =	vcvt.f32.s32 v2  }
0x4a: {  	v1 =	vcvt.f32.s32 v1;
	v3 =	vcvt.f32.s32 v3  }
0x4b: {  	v2 =	vmul.u32 $0x3C6EF362, v2  }
0x4c: {  	v1 =	vshll.u32 v1, $0x1;
	v3 =	vmul.u32 $0x6004AF2A, v3  }
0x4d: {  	v4 =	vxor.u32 v1, v2  }
0x4e: {  	v6 =	vadd.s32 $0x6004AF2A, v3;
	v5 =	vxor.u32 v3, v4  }
0x4f: {  	v4 =	vxor.u32 v4, v6;
	v5 =	vand.u32 $0xFFFFE, v5  }
0x50: {  	v7 =	vadd.s32 $0x3C6EF362, v2;
	v4 =	vand.u32 $0xFFFFE, v4;
	[tilespmem:$0x6500] =	vst v5  }
0x51: {  	v29 =	vxor.u32 v1, v7;
	v5 =	vor.u32 $0x1, v5;
	[tilespmem:$0x6510] =	vst v4  }
0x52: {  	v1 =	vadd.s32 $0x2, v1;
	v8 =	vxor.u32 v3, v29;
	v4 =	vor.u32 $0x1, v4;
	[tilespmem:$0x6580] =	vst v5  }
0x53: {  	v2 =	vxor.u32 v2, v1;
	v30 =	vand.u32 $0xFFFFE, v8;
	[tilespmem:$0x6590] =	vst v4  }
0x54: {  	v32 =	vxor.u32 v3, v2;
	[tilespmem:$0x6520] =	vst v30;
	v4 =	vor.u32 $0x1, v30  }
0x55: {  	v1 =	vxor.u32 v1, v7;
	v2 =	vxor.u32 v2, v6;
	v33 =	vand.u32 $0xFFFFE, v32;
	[tilespmem:$0x65A0] =	vst v4  }
0x56: {  	v3 =	vxor.u32 v3, v1;
	v1 =	vxor.u32 v6, v1;
	v2 =	vand.u32 $0xFFFFE, v2;
	[tilespmem:$0x6540] =	vst v33  }
0x57: {  	v5 =	vxor.u32 v6, v29;
	v1 =	vand.u32 $0xFFFFE, v1;
	[tilespmem:$0x6550] =	vst v2  }
0x58: {  	v31 =	vand.u32 $0xFFFFE, v5;
	[tilespmem:$0x6570] =	vst v1  }
0x59: {  	v2 =	vor.u32 $0x1, v2;
	[tilespmem:$0x6530] =	vst v31  }
0x5a: {  	v1 =	vor.u32 $0x1, v1;
	[tilespmem:$0x65D0] =	vst v2  }
0x5b: {  	v4 =	vor.u32 $0x1, v31;
	[tilespmem:$0x65F0] =	vst v1  }
0x5c: {  	v2 =	vand.u32 $0xFFFFE, v3;
	[tilespmem:$0x65B0] =	vst v4  }
0x5d: {  	v4 =	vor.u32 $0x1, v33;
	[tilespmem:$0x6560] =	vst v2  }
0x5e: {  	v2 =	vor.u32 $0x1, v2;
	[tilespmem:$0x65C0] =	vst v4  }
0x5f: {  	[tilespmem:$0x65E0] =	vst v2  }
0x60: {  	v1 =	vld [tilespmem:s16+$0x10]  }
0x61: {  	v2 =	vld [tilespmem:s16+$0x2010]  }
0x62: {  	v3 =	vld [tilespmem:s16+$0x4010];
	_ =	sdelay $0x3  }
0x63: {  	v1 =	vmul.f32 v1, v0;
	v2 =	vmul.f32 v2, v0  }
0x64: {  	v3 =	vmul.f32 v3, v0  }
0x65: {  	v1 =	vtrunc.f32 v1;
	v2 =	vtrunc.f32 v2  }
0x66: {  	v3 =	vtrunc.f32 v3;
	v2 =	vcvt.f32.s32 v2  }
0x67: {  	v1 =	vcvt.f32.s32 v1;
	v3 =	vcvt.f32.s32 v3  }
0x68: {  	v2 =	vmul.u32 $0x3C6EF362, v2  }
0x69: {  	v1 =	vshll.u32 v1, $0x1;
	v3 =	vmul.u32 $0x6004AF2A, v3  }
0x6a: {  	v34 =	vxor.u32 v1, v2  }
0x6b: {  	v36 =	vadd.s32 $0x6004AF2A, v3;
	v35 =	vxor.u32 v3, v34  }
0x6c: {  	v4 =	vxor.u32 v34, v36;
	v5 =	vand.u32 $0xFFFFE, v35  }
0x6d: {  	v37 =	vadd.s32 $0x3C6EF362, v2;
	v4 =	vand.u32 $0xFFFFE, v4;
	[tilespmem:$0x6600] =	vst v5  }
0x6e: {  	v38 =	vxor.u32 v1, v37;
	v5 =	vor.u32 $0x1, v5;
	[tilespmem:$0x6610] =	vst v4  }
0x6f: {  	v1 =	vadd.s32 $0x2, v1;
	v39 =	vxor.u32 v3, v38;
	v4 =	vor.u32 $0x1, v4;
	[tilespmem:$0x6680] =	vst v5  }
0x70: {  	v2 =	vxor.u32 v2, v1;
	v40 =	vand.u32 $0xFFFFE, v39;
	[tilespmem:$0x6690] =	vst v4  }
0x71: {  	v42 =	vxor.u32 v3, v2;
	[tilespmem:$0x6620] =	vst v40;
	v4 =	vor.u32 $0x1, v40  }
0x72: {  	v1 =	vxor.u32 v1, v37;
	v2 =	vxor.u32 v2, v36;
	v43 =	vand.u32 $0xFFFFE, v42;
	[tilespmem:$0x66A0] =	vst v4  }
0x73: {  	v3 =	vxor.u32 v3, v1;
	v1 =	vxor.u32 v36, v1;
	v2 =	vand.u32 $0xFFFFE, v2;
	[tilespmem:$0x6640] =	vst v43  }
0x74: {  	v5 =	vxor.u32 v36, v38;
	v1 =	vand.u32 $0xFFFFE, v1;
	[tilespmem:$0x6650] =	vst v2  }
0x75: {  	v41 =	vand.u32 $0xFFFFE, v5;
	[tilespmem:$0x6670] =	vst v1  }
0x76: {  	v2 =	vor.u32 $0x1, v2;
	[tilespmem:$0x6630] =	vst v41  }
0x77: {  	v1 =	vor.u32 $0x1, v1;
	[tilespmem:$0x66D0] =	vst v2  }
0x78: {  	v4 =	vor.u32 $0x1, v41;
	[tilespmem:$0x66F0] =	vst v1  }
0x79: {  	v2 =	vand.u32 $0xFFFFE, v3;
	[tilespmem:$0x66B0] =	vst v4  }
0x7a: {  	v4 =	vor.u32 $0x1, v43;
	[tilespmem:$0x6660] =	vst v2  }
0x7b: {  	v2 =	vor.u32 $0x1, v2;
	[tilespmem:$0x66C0] =	vst v4  }
0x7c: {  	[tilespmem:$0x66E0] =	vst v2  }
0x7d: {  	v1 =	vld [tilespmem:s16+$0x20]  }
0x7e: {  	v2 =	vld [tilespmem:s16+$0x2020]  }
0x7f: {  	v3 =	vld [tilespmem:s16+$0x4020];
	_ =	sdelay $0x3  }
0x80: {  	v1 =	vmul.f32 v1, v0;
	v2 =	vmul.f32 v2, v0  }
0x81: {  	v3 =	vmul.f32 v3, v0  }
0x82: {  	v1 =	vtrunc.f32 v1;
	v2 =	vtrunc.f32 v2  }
0x83: {  	v3 =	vtrunc.f32 v3;
	v2 =	vcvt.f32.s32 v2  }
0x84: {  	v1 =	vcvt.f32.s32 v1;
	v3 =	vcvt.f32.s32 v3  }
0x85: {  	v2 =	vmul.u32 $0x3C6EF362, v2  }
0x86: {  	v1 =	vshll.u32 v1, $0x1;
	v3 =	vmul.u32 $0x6004AF2A, v3  }
0x87: {  	v44 =	vxor.u32 v1, v2  }
0x88: {  	v46 =	vadd.s32 $0x6004AF2A, v3;
	v45 =	vxor.u32 v3, v44  }
0x89: {  	v4 =	vxor.u32 v44, v46;
	v5 =	vand.u32 $0xFFFFE, v45  }
0x8a: {  	v47 =	vadd.s32 $0x3C6EF362, v2;
	v4 =	vand.u32 $0xFFFFE, v4;
	[tilespmem:$0x6700] =	vst v5  }
0x8b: {  	v48 =	vxor.u32 v1, v47;
	v5 =	vor.u32 $0x1, v5;
	[tilespmem:$0x6710] =	vst v4  }
0x8c: {  	v1 =	vadd.s32 $0x2, v1;
	v49 =	vxor.u32 v3, v48;
	v4 =	vor.u32 $0x1, v4;
	[tilespmem:$0x6780] =	vst v5  }
0x8d: {  	v2 =	vxor.u32 v2, v1;
	v50 =	vand.u32 $0xFFFFE, v49;
	[tilespmem:$0x6790] =	vst v4  }
0x8e: {  	v52 =	vxor.u32 v3, v2;
	[tilespmem:$0x6720] =	vst v50;
	v4 =	vor.u32 $0x1, v50  }
0x8f: {  	v1 =	vxor.u32 v1, v47;
	v2 =	vxor.u32 v2, v46;
	v53 =	vand.u32 $0xFFFFE, v52;
	[tilespmem:$0x67A0] =	vst v4  }
0x90: {  	v3 =	vxor.u32 v3, v1;
	v1 =	vxor.u32 v46, v1;
	v2 =	vand.u32 $0xFFFFE, v2;
	[tilespmem:$0x6740] =	vst v53  }
0x91: {  	v5 =	vxor.u32 v46, v48;
	v1 =	vand.u32 $0xFFFFE, v1;
	[tilespmem:$0x6750] =	vst v2  }
0x92: {  	v51 =	vand.u32 $0xFFFFE, v5;
	[tilespmem:$0x6770] =	vst v1  }
0x93: {  	v2 =	vor.u32 $0x1, v2;
	[tilespmem:$0x6730] =	vst v51  }
0x94: {  	v1 =	vor.u32 $0x1, v1;
	[tilespmem:$0x67D0] =	vst v2  }
0x95: {  	v4 =	vor.u32 $0x1, v51;
	[tilespmem:$0x67F0] =	vst v1  }
0x96: {  	v2 =	vand.u32 $0xFFFFE, v3;
	[tilespmem:$0x67B0] =	vst v4  }
0x97: {  	v4 =	vor.u32 $0x1, v53;
	[tilespmem:$0x6760] =	vst v2  }
0x98: {  	v2 =	vor.u32 $0x1, v2;
	[tilespmem:$0x67C0] =	vst v4  }
0x99: {  	[tilespmem:$0x67E0] =	vst v2  }
0x9a: {  	v1 =	vld [tilespmem:s16+$0x30]  }
0x9b: {  	v2 =	vld [tilespmem:s16+$0x2030]  }
0x9c: {  	v3 =	vld [tilespmem:s16+$0x4030];
	_ =	sdelay $0x3  }
0x9d: {  	v1 =	vmul.f32 v1, v0;
	v2 =	vmul.f32 v2, v0  }
0x9e: {  	v3 =	vmul.f32 v3, v0  }
0x9f: {  	v1 =	vtrunc.f32 v1;
	v2 =	vtrunc.f32 v2  }
0xa0: {  	v3 =	vtrunc.f32 v3;
	v2 =	vcvt.f32.s32 v2  }
0xa1: {  	v1 =	vcvt.f32.s32 v1;
	v3 =	vcvt.f32.s32 v3  }
0xa2: {  	v2 =	vmul.u32 $0x3C6EF362, v2  }
0xa3: {  	v1 =	vshll.u32 v1, $0x1;
	v3 =	vmul.u32 $0x6004AF2A, v3  }
0xa4: {  	v54 =	vxor.u32 v1, v2  }
0xa5: {  	v56 =	vadd.s32 $0x6004AF2A, v3;
	v55 =	vxor.u32 v3, v54  }
0xa6: {  	v4 =	vxor.u32 v54, v56;
	v5 =	vand.u32 $0xFFFFE, v55  }
0xa7: {  	v57 =	vadd.s32 $0x3C6EF362, v2;
	v4 =	vand.u32 $0xFFFFE, v4;
	[tilespmem:$0x6800] =	vst v5  }
0xa8: {  	v58 =	vxor.u32 v1, v57;
	v5 =	vor.u32 $0x1, v5;
	[tilespmem:$0x6810] =	vst v4  }
0xa9: {  	v1 =	vadd.s32 $0x2, v1;
	v59 =	vxor.u32 v3, v58;
	v4 =	vor.u32 $0x1, v4;
	[tilespmem:$0x6880] =	vst v5  }
0xaa: {  	v2 =	vxor.u32 v2, v1;
	v60 =	vand.u32 $0xFFFFE, v59;
	[tilespmem:$0x6890] =	vst v4  }
0xab: {  	v62 =	vxor.u32 v3, v2;
	[tilespmem:$0x6820] =	vst v60;
	v4 =	vor.u32 $0x1, v60  }
0xac: {  	v1 =	vxor.u32 v1, v57;
	v2 =	vxor.u32 v2, v56;
	v63 =	vand.u32 $0xFFFFE, v62;
	[tilespmem:$0x68A0] =	vst v4  }
0xad: {  	v3 =	vxor.u32 v3, v1;
	v1 =	vxor.u32 v56, v1;
	v2 =	vand.u32 $0xFFFFE, v2;
	[tilespmem:$0x6840] =	vst v63  }
0xae: {  	v5 =	vxor.u32 v56, v58;
	v1 =	vand.u32 $0xFFFFE, v1;
	[tilespmem:$0x6850] =	vst v2  }
0xaf: {  	v61 =	vand.u32 $0xFFFFE, v5;
	[tilespmem:$0x6870] =	vst v1  }
0xb0: {  	v2 =	vor.u32 $0x1, v2;
	[tilespmem:$0x6830] =	vst v61  }
0xb1: {  	v1 =	vor.u32 $0x1, v1;
	[tilespmem:$0x68D0] =	vst v2  }
0xb2: {  	v4 =	vor.u32 $0x1, v61;
	[tilespmem:$0x68F0] =	vst v1  }
.Ltmp6:
0xb3: {  	v2 =	vand.u32 $0xFFFFE, v3;
	[tilespmem:$0x68B0] =	vst v4;
	(pc) =	sbr.rel .LBB2_4-.Ltmp6, $4  }
0xb4: {  	v4 =	vor.u32 $0x1, v63;
	[tilespmem:$0x6860] =	vst v2  }
0xb5: {  	v2 =	vor.u32 $0x1, v2;
	[tilespmem:$0x68C0] =	vst v4  }
0xb6: {  	s2 =	smov.u32 s17;
	s9 =	simm.s32 $0x0;
	[tilespmem:$0x68E0] =	vst v2  }
0xb7: {  	v1 =	vmov s0;
	[tilespmem:s22], [sflag:$0x1] =	stream.indirect.gather [spmem:s5], $0x1, s21, s20, $0xb8;
	[tilespmem:$0x17500] =	vst v63  }
.LBB2_6:
0xb8: {  	_ =	swait.ge [sflag:s26], $0x400  }
0xb9: {  	[sflag:s26] =	ssyncset.done $0x0  }
0xba: {  	[sflag:s26] =	ssyncadd.s32 $0xFFFFFC00  }
0xbb: {  	v2 =	vld [tilespmem:s1+$0x40]  }
0xbc: {  	v3 =	vld [tilespmem:s1+$0x2040]  }
0xbd: {  	v4 =	vld [tilespmem:$0x7100]  }
0xbe: {  	v5 =	vld [tilespmem:$0x7110]  }
0xbf: {  	v6 =	vld [tilespmem:$0x7120]  }
0xc0: {  	v7 =	vld [tilespmem:$0x7130]  }
0xc1: {  	v8 =	vld [tilespmem:$0x7140];
	v2 =	vmul.f32 v2, v0  }
0xc2: {  	v10 =	vld [tilespmem:$0x7150]  }
0xc3: {  	v11 =	vld [tilespmem:$0x7160];
	v9 =	vtrunc.f32 v2  }
0xc4: {  	v12 =	vld [tilespmem:$0x7170];
	v9 =	vcvt.f32.s32 v9;
	_ =	sdelay $0x1  }
0xc5: {  	v3 =	vmul.f32 v3, v0;
	v9 =	vcvt.s32.f32 v9  }
0xc6: {  	v8 =	vsub.f32 v8, v4  }
0xc7: {  	v41 =	vld [tilespmem:s1+$0x4040];
	v10 =	vsub.f32 v10, v5;
	v13 =	vtrunc.f32 v3;
	v2 =	vsub.f32 v2, v9  }
0xc8: {  	v11 =	vsub.f32 v11, v6;
	v12 =	vsub.f32 v12, v7;
	v13 =	vcvt.f32.s32 v13  }
0xc9: {  	v8 =	vmul.f32 v8, v2;
	v10 =	vmul.f32 v10, v2  }
0xca: {  	v11 =	vmul.f32 v11, v2;
	v12 =	vmul.f32 v12, v2  }
0xcb: {  	v13 =	vcvt.s32.f32 v13;
	v4 =	vadd.f32 v8, v4;
	v5 =	vadd.f32 v10, v5  }
0xcc: {  	v42 =	vmul.f32 v41, v0;
	v6 =	vadd.f32 v11, v6;
	v7 =	vadd.f32 v12, v7  }
0xcd: {  	v3 =	vsub.f32 v3, v13  }
0xce: {  	v9 =	vtrunc.f32 v42;
	v6 =	vsub.f32 v6, v4;
	v7 =	vsub.f32 v7, v5  }
0xcf: {  	v9 =	vcvt.f32.s32 v9  }
0xd0: {  	v6 =	vmul.f32 v6, v3;
	v7 =	vmul.f32 v7, v3;
	_ =	sdelay $0x1  }
0xd1: {  	v9 =	vcvt.s32.f32 v9;
	v4 =	vadd.f32 v6, v4;
	v5 =	vadd.f32 v7, v5;
	_ =	sdelay $0x1  }
0xd2: {  	v43 =	vsub.f32 v42, v9;
	v5 =	vsub.f32 v5, v4;
	_ =	sdelay $0x1  }
0xd3: {  	v5 =	vmul.f32 v5, v43;
	_ =	sdelay $0x1  }
0xd4: {  	v4 =	vadd.f32 v5, v4;
	_ =	sdelay $0x1  }
0xd5: {  	[tilespmem:s11+$0x6140] =	vst v4  }
0xd6: {  	v4 =	vld [tilespmem:$0x7180]  }
0xd7: {  	v44 =	vld [tilespmem:$0x7190]  }
0xd8: {  	v45 =	vld [tilespmem:$0x71A0]  }
0xd9: {  	v46 =	vld [tilespmem:$0x71B0]  }
0xda: {  	v47 =	vld [tilespmem:$0x71C0]  }
0xdb: {  	v48 =	vld [tilespmem:$0x71D0]  }
0xdc: {  	v49 =	vld [tilespmem:$0x71E0]  }
0xdd: {  	v50 =	vld [tilespmem:$0x71F0];
	_ =	sdelay $0x3  }
0xde: {  	v9 =	vsub.f32 v47, v4;
	v10 =	vsub.f32 v48, v44  }
0xdf: {  	v11 =	vsub.f32 v49, v45;
	v12 =	vsub.f32 v50, v46  }
0xe0: {  	v9 =	vmul.f32 v9, v2;
	v10 =	vmul.f32 v10, v2  }
0xe1: {  	v11 =	vmul.f32 v11, v2;
	v2 =	vmul.f32 v12, v2  }
0xe2: {  	v4 =	vadd.f32 v9, v4;
	v5 =	vadd.f32 v10, v44  }
0xe3: {  	v7 =	vadd.f32 v11, v45;
	v2 =	vadd.f32 v2, v46;
	_ =	sdelay $0x1  }
0xe4: {  	v7 =	vsub.f32 v7, v4;
	v2 =	vsub.f32 v2, v5;
	_ =	sdelay $0x1  }
0xe5: {  	v7 =	vmul.f32 v7, v3;
	v2 =	vmul.f32 v2, v3;
	_ =	sdelay $0x1  }
0xe6: {  	v3 =	vadd.f32 v7, v4;
	v2 =	vadd.f32 v2, v5;
	_ =	sdelay $0x1  }
0xe7: {  	v2 =	vsub.f32 v2, v3;
	_ =	sdelay $0x1  }
0xe8: {  	v2 =	vmul.f32 v2, v43;
	_ =	sdelay $0x1  }
0xe9: {  	v2 =	vadd.f32 v2, v3;
	_ =	sdelay $0x1  }
0xea: {  	[tilespmem:s11+$0x6340] =	vst v2  }
0xeb: {  	v2 =	vld [tilespmem:s30+$0x0]  }
0xec: {  	v3 =	vld [tilespmem:s1+$0x2050]  }
0xed: {  	v51 =	vld [tilespmem:$0x7200]  }
0xee: {  	v52 =	vld [tilespmem:$0x7210]  }
0xef: {  	v53 =	vld [tilespmem:$0x7220]  }
0xf0: {  	v54 =	vld [tilespmem:$0x7230]  }
0xf1: {  	v55 =	vld [tilespmem:$0x7240];
	v2 =	vmul.f32 v2, v0  }
0xf2: {  	v57 =	vld [tilespmem:$0x7250]  }
0xf3: {  	v58 =	vld [tilespmem:$0x7260];
	v56 =	vtrunc.f32 v2  }
0xf4: {  	v59 =	vld [tilespmem:$0x7270];
	v9 =	vcvt.f32.s32 v56;
	_ =	sdelay $0x1  }
0xf5: {  	v3 =	vmul.f32 v3, v0;
	v9 =	vcvt.s32.f32 v9  }
0xf6: {  	v8 =	vsub.f32 v55, v51  }
0xf7: {  	v60 =	vld [tilespmem:s1+$0x4050];
	v10 =	vsub.f32 v57, v52;
	v61 =	vtrunc.f32 v3;
	v2 =	vsub.f32 v2, v9  }
0xf8: {  	v11 =	vsub.f32 v58, v53;
	v12 =	vsub.f32 v59, v54;
	v13 =	vcvt.f32.s32 v61  }
0xf9: {  	v8 =	vmul.f32 v8, v2;
	v10 =	vmul.f32 v10, v2  }
0xfa: {  	v11 =	vmul.f32 v11, v2;
	v12 =	vmul.f32 v12, v2  }
0xfb: {  	v13 =	vcvt.s32.f32 v13;
	v4 =	vadd.f32 v8, v51;
	v5 =	vadd.f32 v10, v52  }
0xfc: {  	v62 =	vmul.f32 v60, v0;
	v6 =	vadd.f32 v11, v53;
	v7 =	vadd.f32 v12, v54  }
0xfd: {  	v3 =	vsub.f32 v3, v13  }
0xfe: {  	v9 =	vtrunc.f32 v62;
	v6 =	vsub.f32 v6, v4;
	v7 =	vsub.f32 v7, v5  }
0xff: {  	v9 =	vcvt.f32.s32 v9  }
0x100: {  	v6 =	vmul.f32 v6, v3;
	v7 =	vmul.f32 v7, v3;
	_ =	sdelay $0x1  }
0x101: {  	v9 =	vcvt.s32.f32 v9;
	v4 =	vadd.f32 v6, v4;
	v5 =	vadd.f32 v7, v5;
	_ =	sdelay $0x1  }
0x102: {  	v63 =	vsub.f32 v62, v9;
	v5 =	vsub.f32 v5, v4;
	_ =	sdelay $0x1  }
0x103: {  	v5 =	vmul.f32 v5, v63;
	_ =	sdelay $0x1  }
0x104: {  	v4 =	vadd.f32 v5, v4;
	_ =	sdelay $0x1  }
0x105: {  	[tilespmem:s11+$0x6150] =	vst v4  }
0x106: {  	v4 =	vld [tilespmem:$0x7280]  }
0x107: {  	v16 =	vld [tilespmem:$0x7290]  }
0x108: {  	v17 =	vld [tilespmem:$0x72A0]  }
0x109: {  	v18 =	vld [tilespmem:$0x72B0]  }
0x10a: {  	v19 =	vld [tilespmem:$0x72C0]  }
0x10b: {  	v20 =	vld [tilespmem:$0x72D0]  }
0x10c: {  	v21 =	vld [tilespmem:$0x72E0]  }
0x10d: {  	v22 =	vld [tilespmem:$0x72F0];
	_ =	sdelay $0x3  }
0x10e: {  	v9 =	vsub.f32 v19, v4;
	v10 =	vsub.f32 v20, v16  }
0x10f: {  	v11 =	vsub.f32 v21, v17;
	v12 =	vsub.f32 v22, v18  }
0x110: {  	v9 =	vmul.f32 v9, v2;
	v10 =	vmul.f32 v10, v2  }
0x111: {  	v11 =	vmul.f32 v11, v2;
	v2 =	vmul.f32 v12, v2  }
0x112: {  	v4 =	vadd.f32 v9, v4;
	v5 =	vadd.f32 v10, v16  }
0x113: {  	v7 =	vadd.f32 v11, v17;
	v2 =	vadd.f32 v2, v18;
	_ =	sdelay $0x1  }
0x114: {  	v7 =	vsub.f32 v7, v4;
	v2 =	vsub.f32 v2, v5;
	_ =	sdelay $0x1  }
0x115: {  	v7 =	vmul.f32 v7, v3;
	v2 =	vmul.f32 v2, v3;
	_ =	sdelay $0x1  }
0x116: {  	v3 =	vadd.f32 v7, v4;
	v2 =	vadd.f32 v2, v5;
	_ =	sdelay $0x1  }
0x117: {  	v2 =	vsub.f32 v2, v3;
	_ =	sdelay $0x1  }
0x118: {  	v2 =	vmul.f32 v2, v63;
	_ =	sdelay $0x1  }
0x119: {  	v2 =	vadd.f32 v2, v3;
	_ =	sdelay $0x1  }
0x11a: {  	[tilespmem:s11+$0x6350] =	vst v2  }
0x11b: {  	v2 =	vld [tilespmem:s8+$0x0]  }
0x11c: {  	v3 =	vld [tilespmem:s1+$0x2060]  }
0x11d: {  	v23 =	vld [tilespmem:$0x7300]  }
0x11e: {  	v24 =	vld [tilespmem:$0x7310]  }
0x11f: {  	v25 =	vld [tilespmem:$0x7320]  }
0x120: {  	v26 =	vld [tilespmem:$0x7330]  }
0x121: {  	v27 =	vld [tilespmem:$0x7340];
	v2 =	vmul.f32 v2, v0  }
0x122: {  	v29 =	vld [tilespmem:$0x7350]  }
0x123: {  	v30 =	vld [tilespmem:$0x7360];
	v28 =	vtrunc.f32 v2  }
0x124: {  	v31 =	vld [tilespmem:$0x7370];
	v9 =	vcvt.f32.s32 v28;
	_ =	sdelay $0x1  }
0x125: {  	v3 =	vmul.f32 v3, v0;
	v9 =	vcvt.s32.f32 v9  }
0x126: {  	v8 =	vsub.f32 v27, v23  }
0x127: {  	v32 =	vld [tilespmem:s1+$0x4060];
	v10 =	vsub.f32 v29, v24;
	v33 =	vtrunc.f32 v3;
	v2 =	vsub.f32 v2, v9  }
0x128: {  	v11 =	vsub.f32 v30, v25;
	v12 =	vsub.f32 v31, v26;
	v13 =	vcvt.f32.s32 v33  }
0x129: {  	v8 =	vmul.f32 v8, v2;
	v10 =	vmul.f32 v10, v2  }
0x12a: {  	v11 =	vmul.f32 v11, v2;
	v12 =	vmul.f32 v12, v2  }
0x12b: {  	v13 =	vcvt.s32.f32 v13;
	v4 =	vadd.f32 v8, v23;
	v5 =	vadd.f32 v10, v24  }
0x12c: {  	v34 =	vmul.f32 v32, v0;
	v6 =	vadd.f32 v11, v25;
	v7 =	vadd.f32 v12, v26  }
0x12d: {  	v3 =	vsub.f32 v3, v13  }
0x12e: {  	v9 =	vtrunc.f32 v34;
	v6 =	vsub.f32 v6, v4;
	v7 =	vsub.f32 v7, v5  }
0x12f: {  	v9 =	vcvt.f32.s32 v9  }
0x130: {  	v6 =	vmul.f32 v6, v3;
	v7 =	vmul.f32 v7, v3;
	_ =	sdelay $0x1  }
0x131: {  	v9 =	vcvt.s32.f32 v9;
	v4 =	vadd.f32 v6, v4;
	v5 =	vadd.f32 v7, v5;
	_ =	sdelay $0x1  }
0x132: {  	v35 =	vsub.f32 v34, v9;
	v5 =	vsub.f32 v5, v4;
	_ =	sdelay $0x1  }
0x133: {  	v5 =	vmul.f32 v5, v35;
	_ =	sdelay $0x1  }
0x134: {  	v4 =	vadd.f32 v5, v4;
	_ =	sdelay $0x1  }
0x135: {  	[tilespmem:s11+$0x6160] =	vst v4  }
0x136: {  	v4 =	vld [tilespmem:$0x7380]  }
0x137: {  	v36 =	vld [tilespmem:$0x7390]  }
0x138: {  	v37 =	vld [tilespmem:$0x73A0]  }
0x139: {  	v38 =	vld [tilespmem:$0x73B0]  }
0x13a: {  	v39 =	vld [tilespmem:$0x73C0]  }
0x13b: {  	v40 =	vld [tilespmem:$0x73D0]  }
0x13c: {  	v41 =	vld [tilespmem:$0x73E0]  }
0x13d: {  	v42 =	vld [tilespmem:$0x73F0];
	_ =	sdelay $0x3  }
0x13e: {  	v9 =	vsub.f32 v39, v4;
	v10 =	vsub.f32 v40, v36  }
0x13f: {  	v11 =	vsub.f32 v41, v37;
	v12 =	vsub.f32 v42, v38  }
0x140: {  	v9 =	vmul.f32 v9, v2;
	v10 =	vmul.f32 v10, v2  }
0x141: {  	v11 =	vmul.f32 v11, v2;
	v2 =	vmul.f32 v12, v2  }
0x142: {  	v4 =	vadd.f32 v9, v4;
	v5 =	vadd.f32 v10, v36  }
0x143: {  	v7 =	vadd.f32 v11, v37;
	v2 =	vadd.f32 v2, v38;
	_ =	sdelay $0x1  }
0x144: {  	v7 =	vsub.f32 v7, v4;
	v2 =	vsub.f32 v2, v5;
	_ =	sdelay $0x1  }
0x145: {  	v7 =	vmul.f32 v7, v3;
	v2 =	vmul.f32 v2, v3;
	_ =	sdelay $0x1  }
0x146: {  	v3 =	vadd.f32 v7, v4;
	v2 =	vadd.f32 v2, v5;
	_ =	sdelay $0x1  }
0x147: {  	v2 =	vsub.f32 v2, v3;
	_ =	sdelay $0x1  }
0x148: {  	v2 =	vmul.f32 v2, v35;
	_ =	sdelay $0x1  }
0x149: {  	v2 =	vadd.f32 v2, v3;
	_ =	sdelay $0x1  }
0x14a: {  	[tilespmem:s11+$0x6360] =	vst v2  }
0x14b: {  	v2 =	vld [tilespmem:s13+$0x0]  }
0x14c: {  	v3 =	vld [tilespmem:s1+$0x2070]  }
0x14d: {  	v43 =	vld [tilespmem:$0x7400]  }
0x14e: {  	v44 =	vld [tilespmem:$0x7410]  }
0x14f: {  	v45 =	vld [tilespmem:$0x7420]  }
0x150: {  	v46 =	vld [tilespmem:$0x7430]  }
0x151: {  	v47 =	vld [tilespmem:$0x7440];
	v2 =	vmul.f32 v2, v0  }
0x152: {  	v49 =	vld [tilespmem:$0x7450]  }
0x153: {  	v50 =	vld [tilespmem:$0x7460];
	v48 =	vtrunc.f32 v2  }
0x154: {  	v51 =	vld [tilespmem:$0x7470];
	v9 =	vcvt.f32.s32 v48;
	_ =	sdelay $0x1  }
0x155: {  	v3 =	vmul.f32 v3, v0;
	v9 =	vcvt.s32.f32 v9  }
0x156: {  	v8 =	vsub.f32 v47, v43  }
0x157: {  	v52 =	vld [tilespmem:s1+$0x4070];
	v10 =	vsub.f32 v49, v44;
	v53 =	vtrunc.f32 v3;
	v2 =	vsub.f32 v2, v9  }
0x158: {  	v11 =	vsub.f32 v50, v45;
	v12 =	vsub.f32 v51, v46;
	v13 =	vcvt.f32.s32 v53  }
0x159: {  	v8 =	vmul.f32 v8, v2;
	v10 =	vmul.f32 v10, v2  }
0x15a: {  	v11 =	vmul.f32 v11, v2;
	v12 =	vmul.f32 v12, v2  }
0x15b: {  	v54 =	vcvt.s32.f32 v13;
	v4 =	vadd.f32 v8, v43;
	v5 =	vadd.f32 v10, v44  }
0x15c: {  	v9 =	vmul.f32 v52, v0;
	v6 =	vadd.f32 v11, v45;
	v7 =	vadd.f32 v12, v46  }
0x15d: {  	v3 =	vsub.f32 v3, v54  }
0x15e: {  	v55 =	vtrunc.f32 v9;
	v6 =	vsub.f32 v6, v4;
	v7 =	vsub.f32 v7, v5  }
0x15f: {  	v8 =	vcvt.f32.s32 v55  }
0x160: {  	v6 =	vmul.f32 v6, v3;
	v7 =	vmul.f32 v7, v3;
	_ =	sdelay $0x1  }
0x161: {  	v8 =	vcvt.s32.f32 v8;
	v4 =	vadd.f32 v6, v4;
	v5 =	vadd.f32 v7, v5;
	_ =	sdelay $0x1  }
0x162: {  	v56 =	vsub.f32 v9, v8;
	v5 =	vsub.f32 v5, v4;
	_ =	sdelay $0x1  }
0x163: {  	v5 =	vmul.f32 v5, v56;
	_ =	sdelay $0x1  }
0x164: {  	v4 =	vadd.f32 v5, v4;
	_ =	sdelay $0x1  }
0x165: {  	[tilespmem:s11+$0x6170] =	vst v4  }
0x166: {  	v4 =	vld [tilespmem:$0x7480]  }
0x167: {  	v57 =	vld [tilespmem:$0x7490]  }
0x168: {  	v58 =	vld [tilespmem:$0x74A0]  }
0x169: {  	v59 =	vld [tilespmem:$0x74B0]  }
0x16a: {  	v60 =	vld [tilespmem:$0x74C0]  }
0x16b: {  	v61 =	vld [tilespmem:$0x74D0]  }
0x16c: {  	v62 =	vld [tilespmem:$0x74E0]  }
0x16d: {  	v63 =	vld [tilespmem:$0x74F0];
	_ =	sdelay $0x3  }
0x16e: {  	v9 =	vsub.f32 v60, v4;
	v10 =	vsub.f32 v61, v57  }
0x16f: {  	v11 =	vsub.f32 v62, v58;
	v12 =	vsub.f32 v63, v59  }
0x170: {  	v9 =	vmul.f32 v9, v2;
	v10 =	vmul.f32 v10, v2  }
0x171: {  	v11 =	vmul.f32 v11, v2;
	v2 =	vmul.f32 v12, v2  }
0x172: {  	v4 =	vadd.f32 v9, v4;
	v5 =	vadd.f32 v10, v57  }
0x173: {  	v7 =	vadd.f32 v11, v58;
	v2 =	vadd.f32 v2, v59;
	_ =	sdelay $0x1  }
0x174: {  	v7 =	vsub.f32 v7, v4;
	v2 =	vsub.f32 v2, v5;
	_ =	sdelay $0x1  }
0x175: {  	v7 =	vmul.f32 v7, v3;
	v2 =	vmul.f32 v2, v3;
	_ =	sdelay $0x1  }
0x176: {  	v3 =	vadd.f32 v7, v4;
	v2 =	vadd.f32 v2, v5;
	_ =	sdelay $0x1  }
0x177: {  	s9 =	sadd.s32 $0x200, s9;
	v2 =	vsub.f32 v2, v3  }
0x178: {  	p0 =	sne.s32 s9, $0x800  }
.Ltmp7:
0x179: {  	v2 =	vmul.f32 v2, v56;
	(pc) =	sbr.rel @!p0 .LBB2_7-.Ltmp7, $3  }
0x17a: {  	_ = 	snop  }
0x17b: {  	v2 =	vadd.f32 v2, v3;
	_ =	sdelay $0x1  }
0x17c: {  	s2 =	sadd.s32 $0x80, s2;
	[tilespmem:s11+$0x6370] =	vst v2  }
.LBB2_4:
0x17d: {  	_ =	sdelay $0x2  }
0x17e: {  	s11 =	sshra.s32 s9, $0x2  }
0x17f: {  	v2 =	vld.idx.msk [tilespmem:v1+s11+$0x40 ss:$0x1], $0xffff  }
0x180: {  	v3 =	vld.idx.msk [tilespmem:v1+s11+$0x2040 ss:$0x1], $0xffff  }
0x181: {  	v4 =	vld.idx.msk [tilespmem:v1+s11+$0x4040 ss:$0x1], $0xffff;
	_ =	sdelay $0x3  }
0x182: {  	v2 =	vmul.f32 v2, v0;
	v3 =	vmul.f32 v3, v0  }
0x183: {  	v4 =	vmul.f32 v4, v0  }
0x184: {  	v2 =	vtrunc.f32 v2;
	v3 =	vtrunc.f32 v3  }
0x185: {  	v4 =	vtrunc.f32 v4;
	v3 =	vcvt.f32.s32 v3  }
0x186: {  	v2 =	vcvt.f32.s32 v2;
	v4 =	vcvt.f32.s32 v4  }
0x187: {  	v3 =	vmul.u32 $0x3C6EF362, v3  }
0x188: {  	v2 =	vshll.u32 v2, $0x1;
	v4 =	vmul.u32 $0x6004AF2A, v4  }
0x189: {  	v5 =	vxor.u32 v2, v3  }
0x18a: {  	v7 =	vadd.s32 $0x6004AF2A, v4;
	v6 =	vxor.u32 v4, v5  }
0x18b: {  	v5 =	vxor.u32 v5, v7;
	v6 =	vand.u32 $0xFFFFE, v6  }
0x18c: {  	v8 =	vadd.s32 $0x3C6EF362, v3;
	v5 =	vand.u32 $0xFFFFE, v5;
	[tilespmem:$0x6900] =	vst v6  }
0x18d: {  	v52 =	vxor.u32 v2, v8;
	v6 =	vor.u32 $0x1, v6;
	[tilespmem:$0x6910] =	vst v5  }
0x18e: {  	v2 =	vadd.s32 $0x2, v2;
	v9 =	vxor.u32 v4, v52;
	v5 =	vor.u32 $0x1, v5;
	[tilespmem:$0x6980] =	vst v6  }
0x18f: {  	v3 =	vxor.u32 v3, v2;
	v53 =	vand.u32 $0xFFFFE, v9;
	[tilespmem:$0x6990] =	vst v5  }
0x190: {  	v55 =	vxor.u32 v4, v3;
	[tilespmem:$0x6920] =	vst v53;
	v5 =	vor.u32 $0x1, v53  }
0x191: {  	v2 =	vxor.u32 v2, v8;
	v3 =	vxor.u32 v3, v7;
	v56 =	vand.u32 $0xFFFFE, v55;
	[tilespmem:$0x69A0] =	vst v5  }
0x192: {  	v4 =	vxor.u32 v4, v2;
	v2 =	vxor.u32 v7, v2;
	v3 =	vand.u32 $0xFFFFE, v3;
	[tilespmem:$0x6940] =	vst v56  }
0x193: {  	v6 =	vxor.u32 v7, v52;
	v2 =	vand.u32 $0xFFFFE, v2;
	[tilespmem:$0x6950] =	vst v3  }
0x194: {  	v54 =	vand.u32 $0xFFFFE, v6;
	[tilespmem:$0x6970] =	vst v2  }
0x195: {  	v3 =	vor.u32 $0x1, v3;
	[tilespmem:$0x6930] =	vst v54  }
0x196: {  	v2 =	vor.u32 $0x1, v2;
	[tilespmem:$0x69D0] =	vst v3  }
0x197: {  	v5 =	vor.u32 $0x1, v54;
	[tilespmem:$0x69F0] =	vst v2  }
0x198: {  	v3 =	vand.u32 $0xFFFFE, v4;
	[tilespmem:$0x69B0] =	vst v5  }
0x199: {  	v5 =	vor.u32 $0x1, v56;
	[tilespmem:$0x6960] =	vst v3  }
0x19a: {  	v3 =	vor.u32 $0x1, v3;
	[tilespmem:$0x69C0] =	vst v5  }
0x19b: {  	s30 =	sor.u32 $0x50, s2;
	[tilespmem:$0x69E0] =	vst v3  }
0x19c: {  	v2 =	vld [tilespmem:s30+$0x0]  }
0x19d: {  	v3 =	vld.idx.msk [tilespmem:v1+s11+$0x2050 ss:$0x1], $0xffff  }
0x19e: {  	v57 =	vld.idx.msk [tilespmem:v1+s11+$0x4050 ss:$0x1], $0xffff;
	_ =	sdelay $0x3  }
0x19f: {  	v2 =	vmul.f32 v2, v0;
	v3 =	vmul.f32 v3, v0  }
0x1a0: {  	v4 =	vmul.f32 v57, v0  }
0x1a1: {  	v2 =	vtrunc.f32 v2;
	v3 =	vtrunc.f32 v3  }
0x1a2: {  	v4 =	vtrunc.f32 v4;
	v3 =	vcvt.f32.s32 v3  }
0x1a3: {  	v2 =	vcvt.f32.s32 v2;
	v4 =	vcvt.f32.s32 v4  }
0x1a4: {  	v3 =	vmul.u32 $0x3C6EF362, v3  }
0x1a5: {  	v2 =	vshll.u32 v2, $0x1;
	v4 =	vmul.u32 $0x6004AF2A, v4  }
0x1a6: {  	v58 =	vxor.u32 v2, v3  }
0x1a7: {  	v60 =	vadd.s32 $0x6004AF2A, v4;
	v59 =	vxor.u32 v4, v58  }
0x1a8: {  	v5 =	vxor.u32 v58, v60;
	v6 =	vand.u32 $0xFFFFE, v59  }
0x1a9: {  	v61 =	vadd.s32 $0x3C6EF362, v3;
	v5 =	vand.u32 $0xFFFFE, v5;
	[tilespmem:$0x6A00] =	vst v6  }
0x1aa: {  	v62 =	vxor.u32 v2, v61;
	v6 =	vor.u32 $0x1, v6;
	[tilespmem:$0x6A10] =	vst v5  }
0x1ab: {  	v2 =	vadd.s32 $0x2, v2;
	v63 =	vxor.u32 v4, v62;
	v5 =	vor.u32 $0x1, v5;
	[tilespmem:$0x6A80] =	vst v6  }
0x1ac: {  	v3 =	vxor.u32 v3, v2;
	v9 =	vand.u32 $0xFFFFE, v63;
	[tilespmem:$0x6A90] =	vst v5  }
0x1ad: {  	v11 =	vxor.u32 v4, v3;
	[tilespmem:$0x6A20] =	vst v9;
	v5 =	vor.u32 $0x1, v9  }
0x1ae: {  	v2 =	vxor.u32 v2, v61;
	v3 =	vxor.u32 v3, v60;
	v12 =	vand.u32 $0xFFFFE, v11;
	[tilespmem:$0x6AA0] =	vst v5  }
0x1af: {  	v4 =	vxor.u32 v4, v2;
	v2 =	vxor.u32 v60, v2;
	v3 =	vand.u32 $0xFFFFE, v3;
	[tilespmem:$0x6A40] =	vst v12  }
0x1b0: {  	v6 =	vxor.u32 v60, v62;
	v2 =	vand.u32 $0xFFFFE, v2;
	[tilespmem:$0x6A50] =	vst v3  }
0x1b1: {  	v10 =	vand.u32 $0xFFFFE, v6;
	[tilespmem:$0x6A70] =	vst v2  }
0x1b2: {  	v3 =	vor.u32 $0x1, v3;
	[tilespmem:$0x6A30] =	vst v10  }
0x1b3: {  	v2 =	vor.u32 $0x1, v2;
	[tilespmem:$0x6AD0] =	vst v3  }
0x1b4: {  	v5 =	vor.u32 $0x1, v10;
	[tilespmem:$0x6AF0] =	vst v2  }
0x1b5: {  	v3 =	vand.u32 $0xFFFFE, v4;
	[tilespmem:$0x6AB0] =	vst v5  }
0x1b6: {  	v5 =	vor.u32 $0x1, v12;
	[tilespmem:$0x6A60] =	vst v3  }
0x1b7: {  	v3 =	vor.u32 $0x1, v3;
	[tilespmem:$0x6AC0] =	vst v5  }
0x1b8: {  	s8 =	sor.u32 $0x60, s2;
	[tilespmem:$0x6AE0] =	vst v3  }
0x1b9: {  	v2 =	vld [tilespmem:s8+$0x0]  }
0x1ba: {  	v3 =	vld.idx.msk [tilespmem:v1+s11+$0x2060 ss:$0x1], $0xffff  }
0x1bb: {  	v13 =	vld.idx.msk [tilespmem:v1+s11+$0x4060 ss:$0x1], $0xffff;
	_ =	sdelay $0x3  }
0x1bc: {  	v2 =	vmul.f32 v2, v0;
	v3 =	vmul.f32 v3, v0  }
0x1bd: {  	v4 =	vmul.f32 v13, v0  }
0x1be: {  	v2 =	vtrunc.f32 v2;
	v3 =	vtrunc.f32 v3  }
0x1bf: {  	v4 =	vtrunc.f32 v4;
	v3 =	vcvt.f32.s32 v3  }
0x1c0: {  	v2 =	vcvt.f32.s32 v2;
	v4 =	vcvt.f32.s32 v4  }
0x1c1: {  	v3 =	vmul.u32 $0x3C6EF362, v3  }
0x1c2: {  	v2 =	vshll.u32 v2, $0x1;
	v4 =	vmul.u32 $0x6004AF2A, v4  }
0x1c3: {  	v14 =	vxor.u32 v2, v3  }
0x1c4: {  	v16 =	vadd.s32 $0x6004AF2A, v4;
	v15 =	vxor.u32 v4, v14  }
0x1c5: {  	v5 =	vxor.u32 v14, v16;
	v6 =	vand.u32 $0xFFFFE, v15  }
0x1c6: {  	v17 =	vadd.s32 $0x3C6EF362, v3;
	v5 =	vand.u32 $0xFFFFE, v5;
	[tilespmem:$0x6B00] =	vst v6  }
0x1c7: {  	v18 =	vxor.u32 v2, v17;
	v6 =	vor.u32 $0x1, v6;
	[tilespmem:$0x6B10] =	vst v5  }
0x1c8: {  	v2 =	vadd.s32 $0x2, v2;
	v19 =	vxor.u32 v4, v18;
	v5 =	vor.u32 $0x1, v5;
	[tilespmem:$0x6B80] =	vst v6  }
0x1c9: {  	v3 =	vxor.u32 v3, v2;
	v20 =	vand.u32 $0xFFFFE, v19;
	[tilespmem:$0x6B90] =	vst v5  }
0x1ca: {  	v22 =	vxor.u32 v4, v3;
	[tilespmem:$0x6B20] =	vst v20;
	v5 =	vor.u32 $0x1, v20  }
0x1cb: {  	v2 =	vxor.u32 v2, v17;
	v3 =	vxor.u32 v3, v16;
	v23 =	vand.u32 $0xFFFFE, v22;
	[tilespmem:$0x6BA0] =	vst v5  }
0x1cc: {  	v4 =	vxor.u32 v4, v2;
	v2 =	vxor.u32 v16, v2;
	v3 =	vand.u32 $0xFFFFE, v3;
	[tilespmem:$0x6B40] =	vst v23  }
0x1cd: {  	v6 =	vxor.u32 v16, v18;
	v2 =	vand.u32 $0xFFFFE, v2;
	[tilespmem:$0x6B50] =	vst v3  }
0x1ce: {  	v21 =	vand.u32 $0xFFFFE, v6;
	[tilespmem:$0x6B70] =	vst v2  }
0x1cf: {  	v3 =	vor.u32 $0x1, v3;
	[tilespmem:$0x6B30] =	vst v21  }
0x1d0: {  	v2 =	vor.u32 $0x1, v2;
	[tilespmem:$0x6BD0] =	vst v3  }
0x1d1: {  	v5 =	vor.u32 $0x1, v21;
	[tilespmem:$0x6BF0] =	vst v2  }
0x1d2: {  	v3 =	vand.u32 $0xFFFFE, v4;
	[tilespmem:$0x6BB0] =	vst v5  }
0x1d3: {  	v5 =	vor.u32 $0x1, v23;
	[tilespmem:$0x6B60] =	vst v3  }
0x1d4: {  	v3 =	vor.u32 $0x1, v3;
	[tilespmem:$0x6BC0] =	vst v5  }
0x1d5: {  	s13 =	sor.u32 $0x70, s2;
	[tilespmem:$0x6BE0] =	vst v3  }
0x1d6: {  	v2 =	vld [tilespmem:s13+$0x0]  }
0x1d7: {  	v3 =	vld.idx.msk [tilespmem:v1+s11+$0x2070 ss:$0x1], $0xffff  }
0x1d8: {  	v24 =	vld.idx.msk [tilespmem:v1+s11+$0x4070 ss:$0x1], $0xffff;
	_ =	sdelay $0x3  }
0x1d9: {  	v2 =	vmul.f32 v2, v0;
	v3 =	vmul.f32 v3, v0  }
0x1da: {  	v4 =	vmul.f32 v24, v0  }
0x1db: {  	v2 =	vtrunc.f32 v2;
	v3 =	vtrunc.f32 v3  }
0x1dc: {  	v4 =	vtrunc.f32 v4;
	v3 =	vcvt.f32.s32 v3  }
0x1dd: {  	v2 =	vcvt.f32.s32 v2;
	v4 =	vcvt.f32.s32 v4  }
0x1de: {  	v3 =	vmul.u32 $0x3C6EF362, v3  }
0x1df: {  	v2 =	vshll.u32 v2, $0x1;
	v4 =	vmul.u32 $0x6004AF2A, v4  }
0x1e0: {  	v25 =	vxor.u32 v2, v3  }
0x1e1: {  	v27 =	vadd.s32 $0x6004AF2A, v4;
	v26 =	vxor.u32 v4, v25  }
0x1e2: {  	v5 =	vxor.u32 v25, v27;
	v6 =	vand.u32 $0xFFFFE, v26  }
0x1e3: {  	v28 =	vadd.s32 $0x3C6EF362, v3;
	v5 =	vand.u32 $0xFFFFE, v5;
	[tilespmem:$0x6C00] =	vst v6  }
0x1e4: {  	v29 =	vxor.u32 v2, v28;
	v6 =	vor.u32 $0x1, v6;
	[tilespmem:$0x6C10] =	vst v5  }
0x1e5: {  	v2 =	vadd.s32 $0x2, v2;
	v30 =	vxor.u32 v4, v29;
	v5 =	vor.u32 $0x1, v5;
	[tilespmem:$0x6C80] =	vst v6  }
0x1e6: {  	v3 =	vxor.u32 v3, v2;
	v31 =	vand.u32 $0xFFFFE, v30;
	[tilespmem:$0x6C90] =	vst v5  }
0x1e7: {  	v33 =	vxor.u32 v4, v3;
	[tilespmem:$0x6C20] =	vst v31;
	v5 =	vor.u32 $0x1, v31  }
0x1e8: {  	v2 =	vxor.u32 v2, v28;
	v3 =	vxor.u32 v3, v27;
	v34 =	vand.u32 $0xFFFFE, v33;
	[tilespmem:$0x6CA0] =	vst v5  }
0x1e9: {  	v4 =	vxor.u32 v4, v2;
	v2 =	vxor.u32 v27, v2;
	v3 =	vand.u32 $0xFFFFE, v3;
	[tilespmem:$0x6C40] =	vst v34  }
0x1ea: {  	v6 =	vxor.u32 v27, v29;
	v2 =	vand.u32 $0xFFFFE, v2;
	[tilespmem:$0x6C50] =	vst v3  }
0x1eb: {  	v32 =	vand.u32 $0xFFFFE, v6;
	[tilespmem:$0x6C70] =	vst v2  }
0x1ec: {  	v3 =	vor.u32 $0x1, v3;
	[tilespmem:$0x6C30] =	vst v32  }
0x1ed: {  	v2 =	vor.u32 $0x1, v2;
	[tilespmem:$0x6CD0] =	vst v3  }
0x1ee: {  	v5 =	vor.u32 $0x1, v32;
	[tilespmem:$0x6CF0] =	vst v2  }
0x1ef: {  	v3 =	vand.u32 $0xFFFFE, v4;
	[tilespmem:$0x6CB0] =	vst v5  }
0x1f0: {  	v5 =	vor.u32 $0x1, v34;
	[tilespmem:$0x6C60] =	vst v3  }
0x1f1: {  	v3 =	vor.u32 $0x1, v3;
	[tilespmem:$0x6CC0] =	vst v5  }
0x1f2: {  	[tilespmem:$0x6CE0] =	vst v3  }
0x1f3: {  	[tilespmem:s24], [sflag:$0x2] =	stream.indirect.gather [spmem:s5], $0x1, s23, s20, $0xb8;
	[tilespmem:$0x17500] =	vst v63  }
0x1f4: {  	_ =	swait.ge [sflag:s25], $0x400  }
0x1f5: {  	[sflag:s25] =	ssyncset.done $0x0  }
0x1f6: {  	[sflag:s25] =	ssyncadd.s32 $0xFFFFFC00  }
0x1f7: {  	v2 =	vld.idx.msk [tilespmem:v1+s11+$0x0 ss:$0x1], $0xffff  }
0x1f8: {  	v3 =	vld.idx.msk [tilespmem:v1+s11+$0x2000 ss:$0x1], $0xffff  }
0x1f9: {  	v35 =	vld [tilespmem:$0x6D00]  }
0x1fa: {  	v36 =	vld [tilespmem:$0x6D10]  }
0x1fb: {  	v37 =	vld [tilespmem:$0x6D20]  }
0x1fc: {  	v38 =	vld [tilespmem:$0x6D30]  }
0x1fd: {  	v39 =	vld [tilespmem:$0x6D40];
	v2 =	vmul.f32 v2, v0  }
0x1fe: {  	v10 =	vld [tilespmem:$0x6D50]  }
0x1ff: {  	v11 =	vld [tilespmem:$0x6D60];
	v40 =	vtrunc.f32 v2  }
0x200: {  	v12 =	vld [tilespmem:$0x6D70];
	v9 =	vcvt.f32.s32 v40;
	_ =	sdelay $0x1  }
0x201: {  	v3 =	vmul.f32 v3, v0;
	v9 =	vcvt.s32.f32 v9  }
0x202: {  	v8 =	vsub.f32 v39, v35  }
0x203: {  	v41 =	vld.idx.msk [tilespmem:v1+s11+$0x4000 ss:$0x1], $0xffff;
	v10 =	vsub.f32 v10, v36;
	v13 =	vtrunc.f32 v3;
	v2 =	vsub.f32 v2, v9  }
0x204: {  	v11 =	vsub.f32 v11, v37;
	v12 =	vsub.f32 v12, v38;
	v13 =	vcvt.f32.s32 v13  }
0x205: {  	v8 =	vmul.f32 v8, v2;
	v10 =	vmul.f32 v10, v2  }
0x206: {  	v11 =	vmul.f32 v11, v2;
	v12 =	vmul.f32 v12, v2  }
0x207: {  	v13 =	vcvt.s32.f32 v13;
	v4 =	vadd.f32 v8, v35;
	v5 =	vadd.f32 v10, v36  }
0x208: {  	v42 =	vmul.f32 v41, v0;
	v6 =	vadd.f32 v11, v37;
	v7 =	vadd.f32 v12, v38  }
0x209: {  	v3 =	vsub.f32 v3, v13  }
0x20a: {  	v9 =	vtrunc.f32 v42;
	v6 =	vsub.f32 v6, v4;
	v7 =	vsub.f32 v7, v5  }
0x20b: {  	v9 =	vcvt.f32.s32 v9  }
0x20c: {  	v6 =	vmul.f32 v6, v3;
	v7 =	vmul.f32 v7, v3;
	_ =	sdelay $0x1  }
0x20d: {  	v9 =	vcvt.s32.f32 v9;
	v4 =	vadd.f32 v6, v4;
	v5 =	vadd.f32 v7, v5;
	_ =	sdelay $0x1  }
0x20e: {  	v43 =	vsub.f32 v42, v9;
	v5 =	vsub.f32 v5, v4;
	_ =	sdelay $0x1  }
0x20f: {  	v5 =	vmul.f32 v5, v43;
	_ =	sdelay $0x1  }
0x210: {  	v4 =	vadd.f32 v5, v4;
	_ =	sdelay $0x1  }
0x211: {  	[tilespmem:s11+$0x6100] =	vst v4  }
0x212: {  	v4 =	vld [tilespmem:$0x6D80]  }
0x213: {  	v44 =	vld [tilespmem:$0x6D90]  }
0x214: {  	v45 =	vld [tilespmem:$0x6DA0]  }
0x215: {  	v46 =	vld [tilespmem:$0x6DB0]  }
0x216: {  	v47 =	vld [tilespmem:$0x6DC0]  }
0x217: {  	v48 =	vld [tilespmem:$0x6DD0]  }
0x218: {  	v49 =	vld [tilespmem:$0x6DE0]  }
0x219: {  	v50 =	vld [tilespmem:$0x6DF0];
	_ =	sdelay $0x3  }
0x21a: {  	v9 =	vsub.f32 v47, v4;
	v10 =	vsub.f32 v48, v44  }
0x21b: {  	v11 =	vsub.f32 v49, v45;
	v12 =	vsub.f32 v50, v46  }
0x21c: {  	v9 =	vmul.f32 v9, v2;
	v10 =	vmul.f32 v10, v2  }
0x21d: {  	v11 =	vmul.f32 v11, v2;
	v2 =	vmul.f32 v12, v2  }
0x21e: {  	v4 =	vadd.f32 v9, v4;
	v5 =	vadd.f32 v10, v44  }
0x21f: {  	v7 =	vadd.f32 v11, v45;
	v2 =	vadd.f32 v2, v46;
	_ =	sdelay $0x1  }
0x220: {  	v7 =	vsub.f32 v7, v4;
	v2 =	vsub.f32 v2, v5;
	_ =	sdelay $0x1  }
0x221: {  	v7 =	vmul.f32 v7, v3;
	v2 =	vmul.f32 v2, v3;
	_ =	sdelay $0x1  }
0x222: {  	v3 =	vadd.f32 v7, v4;
	v2 =	vadd.f32 v2, v5;
	_ =	sdelay $0x1  }
0x223: {  	v2 =	vsub.f32 v2, v3;
	_ =	sdelay $0x1  }
0x224: {  	v2 =	vmul.f32 v2, v43;
	_ =	sdelay $0x1  }
0x225: {  	v2 =	vadd.f32 v2, v3;
	_ =	sdelay $0x1  }
0x226: {  	[tilespmem:s11+$0x6300] =	vst v2  }
0x227: {  	v2 =	vld.idx.msk [tilespmem:v1+s11+$0x10 ss:$0x1], $0xffff  }
0x228: {  	v3 =	vld.idx.msk [tilespmem:v1+s11+$0x2010 ss:$0x1], $0xffff  }
0x229: {  	v51 =	vld [tilespmem:$0x6E00]  }
0x22a: {  	v52 =	vld [tilespmem:$0x6E10]  }
0x22b: {  	v53 =	vld [tilespmem:$0x6E20]  }
0x22c: {  	v54 =	vld [tilespmem:$0x6E30]  }
0x22d: {  	v55 =	vld [tilespmem:$0x6E40];
	v2 =	vmul.f32 v2, v0  }
0x22e: {  	v57 =	vld [tilespmem:$0x6E50]  }
0x22f: {  	v58 =	vld [tilespmem:$0x6E60];
	v56 =	vtrunc.f32 v2  }
0x230: {  	v59 =	vld [tilespmem:$0x6E70];
	v9 =	vcvt.f32.s32 v56;
	_ =	sdelay $0x1  }
0x231: {  	v3 =	vmul.f32 v3, v0;
	v9 =	vcvt.s32.f32 v9  }
0x232: {  	v8 =	vsub.f32 v55, v51  }
0x233: {  	v60 =	vld.idx.msk [tilespmem:v1+s11+$0x4010 ss:$0x1], $0xffff;
	v10 =	vsub.f32 v57, v52;
	v61 =	vtrunc.f32 v3;
	v2 =	vsub.f32 v2, v9  }
0x234: {  	v11 =	vsub.f32 v58, v53;
	v12 =	vsub.f32 v59, v54;
	v13 =	vcvt.f32.s32 v61  }
0x235: {  	v8 =	vmul.f32 v8, v2;
	v10 =	vmul.f32 v10, v2  }
0x236: {  	v11 =	vmul.f32 v11, v2;
	v12 =	vmul.f32 v12, v2  }
0x237: {  	v13 =	vcvt.s32.f32 v13;
	v4 =	vadd.f32 v8, v51;
	v5 =	vadd.f32 v10, v52  }
0x238: {  	v62 =	vmul.f32 v60, v0;
	v6 =	vadd.f32 v11, v53;
	v7 =	vadd.f32 v12, v54  }
0x239: {  	v3 =	vsub.f32 v3, v13  }
0x23a: {  	v9 =	vtrunc.f32 v62;
	v6 =	vsub.f32 v6, v4;
	v7 =	vsub.f32 v7, v5  }
0x23b: {  	v9 =	vcvt.f32.s32 v9  }
0x23c: {  	v6 =	vmul.f32 v6, v3;
	v7 =	vmul.f32 v7, v3;
	_ =	sdelay $0x1  }
0x23d: {  	v9 =	vcvt.s32.f32 v9;
	v4 =	vadd.f32 v6, v4;
	v5 =	vadd.f32 v7, v5;
	_ =	sdelay $0x1  }
0x23e: {  	v63 =	vsub.f32 v62, v9;
	v5 =	vsub.f32 v5, v4;
	_ =	sdelay $0x1  }
0x23f: {  	v5 =	vmul.f32 v5, v63;
	_ =	sdelay $0x1  }
0x240: {  	v4 =	vadd.f32 v5, v4;
	_ =	sdelay $0x1  }
0x241: {  	[tilespmem:s11+$0x6110] =	vst v4  }
0x242: {  	v4 =	vld [tilespmem:$0x6E80]  }
0x243: {  	v16 =	vld [tilespmem:$0x6E90]  }
0x244: {  	v17 =	vld [tilespmem:$0x6EA0]  }
0x245: {  	v18 =	vld [tilespmem:$0x6EB0]  }
0x246: {  	v19 =	vld [tilespmem:$0x6EC0]  }
0x247: {  	v20 =	vld [tilespmem:$0x6ED0]  }
0x248: {  	v21 =	vld [tilespmem:$0x6EE0]  }
0x249: {  	v22 =	vld [tilespmem:$0x6EF0];
	_ =	sdelay $0x3  }
0x24a: {  	v9 =	vsub.f32 v19, v4;
	v10 =	vsub.f32 v20, v16  }
0x24b: {  	v11 =	vsub.f32 v21, v17;
	v12 =	vsub.f32 v22, v18  }
0x24c: {  	v9 =	vmul.f32 v9, v2;
	v10 =	vmul.f32 v10, v2  }
0x24d: {  	v11 =	vmul.f32 v11, v2;
	v2 =	vmul.f32 v12, v2  }
0x24e: {  	v4 =	vadd.f32 v9, v4;
	v5 =	vadd.f32 v10, v16  }
0x24f: {  	v7 =	vadd.f32 v11, v17;
	v2 =	vadd.f32 v2, v18;
	_ =	sdelay $0x1  }
0x250: {  	v7 =	vsub.f32 v7, v4;
	v2 =	vsub.f32 v2, v5;
	_ =	sdelay $0x1  }
0x251: {  	v7 =	vmul.f32 v7, v3;
	v2 =	vmul.f32 v2, v3;
	_ =	sdelay $0x1  }
0x252: {  	v3 =	vadd.f32 v7, v4;
	v2 =	vadd.f32 v2, v5;
	_ =	sdelay $0x1  }
0x253: {  	v2 =	vsub.f32 v2, v3;
	_ =	sdelay $0x1  }
0x254: {  	v2 =	vmul.f32 v2, v63;
	_ =	sdelay $0x1  }
0x255: {  	v2 =	vadd.f32 v2, v3;
	_ =	sdelay $0x1  }
0x256: {  	[tilespmem:s11+$0x6310] =	vst v2  }
0x257: {  	v2 =	vld.idx.msk [tilespmem:v1+s11+$0x20 ss:$0x1], $0xffff  }
0x258: {  	v3 =	vld.idx.msk [tilespmem:v1+s11+$0x2020 ss:$0x1], $0xffff  }
0x259: {  	v23 =	vld [tilespmem:$0x6F00]  }
0x25a: {  	v24 =	vld [tilespmem:$0x6F10]  }
0x25b: {  	v25 =	vld [tilespmem:$0x6F20]  }
0x25c: {  	v26 =	vld [tilespmem:$0x6F30]  }
0x25d: {  	v27 =	vld [tilespmem:$0x6F40];
	v2 =	vmul.f32 v2, v0  }
0x25e: {  	v29 =	vld [tilespmem:$0x6F50]  }
0x25f: {  	v30 =	vld [tilespmem:$0x6F60];
	v28 =	vtrunc.f32 v2  }
0x260: {  	v31 =	vld [tilespmem:$0x6F70];
	v9 =	vcvt.f32.s32 v28;
	_ =	sdelay $0x1  }
0x261: {  	v3 =	vmul.f32 v3, v0;
	v9 =	vcvt.s32.f32 v9  }
0x262: {  	v8 =	vsub.f32 v27, v23  }
0x263: {  	v32 =	vld.idx.msk [tilespmem:v1+s11+$0x4020 ss:$0x1], $0xffff;
	v10 =	vsub.f32 v29, v24;
	v33 =	vtrunc.f32 v3;
	v2 =	vsub.f32 v2, v9  }
0x264: {  	v11 =	vsub.f32 v30, v25;
	v12 =	vsub.f32 v31, v26;
	v13 =	vcvt.f32.s32 v33  }
0x265: {  	v8 =	vmul.f32 v8, v2;
	v10 =	vmul.f32 v10, v2  }
0x266: {  	v11 =	vmul.f32 v11, v2;
	v12 =	vmul.f32 v12, v2  }
0x267: {  	v13 =	vcvt.s32.f32 v13;
	v4 =	vadd.f32 v8, v23;
	v5 =	vadd.f32 v10, v24  }
0x268: {  	v34 =	vmul.f32 v32, v0;
	v6 =	vadd.f32 v11, v25;
	v7 =	vadd.f32 v12, v26  }
0x269: {  	v3 =	vsub.f32 v3, v13  }
0x26a: {  	v9 =	vtrunc.f32 v34;
	v6 =	vsub.f32 v6, v4;
	v7 =	vsub.f32 v7, v5  }
0x26b: {  	v9 =	vcvt.f32.s32 v9  }
0x26c: {  	v6 =	vmul.f32 v6, v3;
	v7 =	vmul.f32 v7, v3;
	_ =	sdelay $0x1  }
0x26d: {  	v9 =	vcvt.s32.f32 v9;
	v4 =	vadd.f32 v6, v4;
	v5 =	vadd.f32 v7, v5;
	_ =	sdelay $0x1  }
0x26e: {  	v35 =	vsub.f32 v34, v9;
	v5 =	vsub.f32 v5, v4;
	_ =	sdelay $0x1  }
0x26f: {  	v5 =	vmul.f32 v5, v35;
	_ =	sdelay $0x1  }
0x270: {  	v4 =	vadd.f32 v5, v4;
	_ =	sdelay $0x1  }
0x271: {  	[tilespmem:s11+$0x6120] =	vst v4  }
0x272: {  	v4 =	vld [tilespmem:$0x6F80]  }
0x273: {  	v36 =	vld [tilespmem:$0x6F90]  }
0x274: {  	v37 =	vld [tilespmem:$0x6FA0]  }
0x275: {  	v38 =	vld [tilespmem:$0x6FB0]  }
0x276: {  	v39 =	vld [tilespmem:$0x6FC0]  }
0x277: {  	v40 =	vld [tilespmem:$0x6FD0]  }
0x278: {  	v41 =	vld [tilespmem:$0x6FE0]  }
0x279: {  	v42 =	vld [tilespmem:$0x6FF0];
	_ =	sdelay $0x3  }
0x27a: {  	v9 =	vsub.f32 v39, v4;
	v10 =	vsub.f32 v40, v36  }
0x27b: {  	v11 =	vsub.f32 v41, v37;
	v12 =	vsub.f32 v42, v38  }
0x27c: {  	v9 =	vmul.f32 v9, v2;
	v10 =	vmul.f32 v10, v2  }
0x27d: {  	v11 =	vmul.f32 v11, v2;
	v2 =	vmul.f32 v12, v2  }
0x27e: {  	v4 =	vadd.f32 v9, v4;
	v5 =	vadd.f32 v10, v36  }
0x27f: {  	v7 =	vadd.f32 v11, v37;
	v2 =	vadd.f32 v2, v38;
	_ =	sdelay $0x1  }
0x280: {  	v7 =	vsub.f32 v7, v4;
	v2 =	vsub.f32 v2, v5;
	_ =	sdelay $0x1  }
0x281: {  	v7 =	vmul.f32 v7, v3;
	v2 =	vmul.f32 v2, v3;
	_ =	sdelay $0x1  }
0x282: {  	v3 =	vadd.f32 v7, v4;
	v2 =	vadd.f32 v2, v5;
	_ =	sdelay $0x1  }
0x283: {  	v2 =	vsub.f32 v2, v3;
	_ =	sdelay $0x1  }
0x284: {  	v2 =	vmul.f32 v2, v35;
	_ =	sdelay $0x1  }
0x285: {  	v2 =	vadd.f32 v2, v3;
	_ =	sdelay $0x1  }
0x286: {  	[tilespmem:s11+$0x6320] =	vst v2  }
0x287: {  	v2 =	vld.idx.msk [tilespmem:v1+s11+$0x30 ss:$0x1], $0xffff  }
0x288: {  	v3 =	vld.idx.msk [tilespmem:v1+s11+$0x2030 ss:$0x1], $0xffff  }
0x289: {  	v43 =	vld [tilespmem:$0x7000]  }
0x28a: {  	v44 =	vld [tilespmem:$0x7010]  }
0x28b: {  	v45 =	vld [tilespmem:$0x7020]  }
0x28c: {  	v46 =	vld [tilespmem:$0x7030]  }
0x28d: {  	v47 =	vld [tilespmem:$0x7040];
	v2 =	vmul.f32 v2, v0  }
0x28e: {  	v49 =	vld [tilespmem:$0x7050]  }
0x28f: {  	v50 =	vld [tilespmem:$0x7060];
	v48 =	vtrunc.f32 v2  }
0x290: {  	v51 =	vld [tilespmem:$0x7070];
	v9 =	vcvt.f32.s32 v48;
	_ =	sdelay $0x1  }
0x291: {  	v3 =	vmul.f32 v3, v0;
	v9 =	vcvt.s32.f32 v9  }
0x292: {  	v8 =	vsub.f32 v47, v43  }
0x293: {  	v52 =	vld.idx.msk [tilespmem:v1+s11+$0x4030 ss:$0x1], $0xffff;
	v10 =	vsub.f32 v49, v44;
	v53 =	vtrunc.f32 v3;
	v2 =	vsub.f32 v2, v9  }
0x294: {  	v11 =	vsub.f32 v50, v45;
	v12 =	vsub.f32 v51, v46;
	v13 =	vcvt.f32.s32 v53  }
0x295: {  	v8 =	vmul.f32 v8, v2;
	v10 =	vmul.f32 v10, v2  }
0x296: {  	v11 =	vmul.f32 v11, v2;
	v12 =	vmul.f32 v12, v2  }
0x297: {  	v54 =	vcvt.s32.f32 v13;
	v4 =	vadd.f32 v8, v43;
	v5 =	vadd.f32 v10, v44  }
0x298: {  	v9 =	vmul.f32 v52, v0;
	v6 =	vadd.f32 v11, v45;
	v7 =	vadd.f32 v12, v46  }
0x299: {  	v3 =	vsub.f32 v3, v54  }
0x29a: {  	v55 =	vtrunc.f32 v9;
	v6 =	vsub.f32 v6, v4;
	v7 =	vsub.f32 v7, v5  }
0x29b: {  	v8 =	vcvt.f32.s32 v55  }
0x29c: {  	v6 =	vmul.f32 v6, v3;
	v7 =	vmul.f32 v7, v3;
	_ =	sdelay $0x1  }
0x29d: {  	v8 =	vcvt.s32.f32 v8;
	v4 =	vadd.f32 v6, v4;
	v5 =	vadd.f32 v7, v5;
	_ =	sdelay $0x1  }
0x29e: {  	v56 =	vsub.f32 v9, v8;
	v5 =	vsub.f32 v5, v4;
	_ =	sdelay $0x1  }
0x29f: {  	v5 =	vmul.f32 v5, v56;
	_ =	sdelay $0x1  }
0x2a0: {  	v4 =	vadd.f32 v5, v4;
	_ =	sdelay $0x1  }
0x2a1: {  	[tilespmem:s11+$0x6130] =	vst v4  }
0x2a2: {  	v4 =	vld [tilespmem:$0x7080]  }
0x2a3: {  	v57 =	vld [tilespmem:$0x7090]  }
0x2a4: {  	v58 =	vld [tilespmem:$0x70A0]  }
0x2a5: {  	v59 =	vld [tilespmem:$0x70B0]  }
0x2a6: {  	v60 =	vld [tilespmem:$0x70C0]  }
0x2a7: {  	v61 =	vld [tilespmem:$0x70D0]  }
0x2a8: {  	v62 =	vld [tilespmem:$0x70E0]  }
0x2a9: {  	v63 =	vld [tilespmem:$0x70F0];
	_ =	sdelay $0x3  }
0x2aa: {  	v9 =	vsub.f32 v60, v4;
	v10 =	vsub.f32 v61, v57  }
0x2ab: {  	v11 =	vsub.f32 v62, v58;
	v12 =	vsub.f32 v63, v59  }
0x2ac: {  	v9 =	vmul.f32 v9, v2;
	v10 =	vmul.f32 v10, v2  }
0x2ad: {  	v11 =	vmul.f32 v11, v2;
	v2 =	vmul.f32 v12, v2  }
0x2ae: {  	v4 =	vadd.f32 v9, v4;
	v5 =	vadd.f32 v10, v57  }
0x2af: {  	v7 =	vadd.f32 v11, v58;
	v2 =	vadd.f32 v2, v59;
	_ =	sdelay $0x1  }
0x2b0: {  	v7 =	vsub.f32 v7, v4;
	v2 =	vsub.f32 v2, v5;
	_ =	sdelay $0x1  }
0x2b1: {  	v7 =	vmul.f32 v7, v3;
	v2 =	vmul.f32 v2, v3;
	_ =	sdelay $0x1  }
0x2b2: {  	v3 =	vadd.f32 v7, v4;
	v2 =	vadd.f32 v2, v5;
	_ =	sdelay $0x1  }
0x2b3: {  	v2 =	vsub.f32 v2, v3  }
0x2b4: {  	p0 =	seq.s32 s9, $0x600  }
.Ltmp8:
0x2b5: {  	v2 =	vmul.f32 v2, v56;
	(pc) =	sbr.rel @p0 .LBB2_6-.Ltmp8, $3  }
0x2b6: {  	_ = 	snop  }
0x2b7: {  	v2 =	vadd.f32 v2, v3;
	_ =	sdelay $0x1  }
0x2b8: {  	s1 =	sadd.s32 s11, s0;
	[tilespmem:s11+$0x6330] =	vst v2  }
0x2b9: {  	v2 =	vld [tilespmem:s1+$0x80]  }
0x2ba: {  	v3 =	vld [tilespmem:s1+$0x2080]  }
0x2bb: {  	v4 =	vld [tilespmem:s1+$0x4080];
	_ =	sdelay $0x3  }
0x2bc: {  	v2 =	vmul.f32 v2, v0;
	v3 =	vmul.f32 v3, v0  }
0x2bd: {  	v4 =	vmul.f32 v4, v0  }
0x2be: {  	v2 =	vtrunc.f32 v2;
	v3 =	vtrunc.f32 v3  }
0x2bf: {  	v4 =	vtrunc.f32 v4;
	v3 =	vcvt.f32.s32 v3  }
0x2c0: {  	v2 =	vcvt.f32.s32 v2;
	v4 =	vcvt.f32.s32 v4  }
0x2c1: {  	v3 =	vmul.u32 $0x3C6EF362, v3  }
0x2c2: {  	v2 =	vshll.u32 v2, $0x1;
	v4 =	vmul.u32 $0x6004AF2A, v4  }
0x2c3: {  	v5 =	vxor.u32 v2, v3  }
0x2c4: {  	v7 =	vadd.s32 $0x6004AF2A, v4;
	v6 =	vxor.u32 v4, v5  }
0x2c5: {  	v5 =	vxor.u32 v5, v7;
	v6 =	vand.u32 $0xFFFFE, v6  }
0x2c6: {  	v8 =	vadd.s32 $0x3C6EF362, v3;
	v5 =	vand.u32 $0xFFFFE, v5;
	[tilespmem:$0x6500] =	vst v6  }
0x2c7: {  	v26 =	vxor.u32 v2, v8;
	v6 =	vor.u32 $0x1, v6;
	[tilespmem:$0x6510] =	vst v5  }
0x2c8: {  	v2 =	vadd.s32 $0x2, v2;
	v9 =	vxor.u32 v4, v26;
	v5 =	vor.u32 $0x1, v5;
	[tilespmem:$0x6580] =	vst v6  }
0x2c9: {  	v3 =	vxor.u32 v3, v2;
	v27 =	vand.u32 $0xFFFFE, v9;
	[tilespmem:$0x6590] =	vst v5  }
0x2ca: {  	v29 =	vxor.u32 v4, v3;
	[tilespmem:$0x6520] =	vst v27;
	v5 =	vor.u32 $0x1, v27  }
0x2cb: {  	v2 =	vxor.u32 v2, v8;
	v3 =	vxor.u32 v3, v7;
	v30 =	vand.u32 $0xFFFFE, v29;
	[tilespmem:$0x65A0] =	vst v5  }
0x2cc: {  	v4 =	vxor.u32 v4, v2;
	v2 =	vxor.u32 v7, v2;
	v3 =	vand.u32 $0xFFFFE, v3;
	[tilespmem:$0x6540] =	vst v30  }
0x2cd: {  	v6 =	vxor.u32 v7, v26;
	v2 =	vand.u32 $0xFFFFE, v2;
	[tilespmem:$0x6550] =	vst v3  }
0x2ce: {  	v28 =	vand.u32 $0xFFFFE, v6;
	[tilespmem:$0x6570] =	vst v2  }
0x2cf: {  	v3 =	vor.u32 $0x1, v3;
	[tilespmem:$0x6530] =	vst v28  }
0x2d0: {  	v2 =	vor.u32 $0x1, v2;
	[tilespmem:$0x65D0] =	vst v3  }
0x2d1: {  	v5 =	vor.u32 $0x1, v28;
	[tilespmem:$0x65F0] =	vst v2  }
0x2d2: {  	v3 =	vand.u32 $0xFFFFE, v4;
	[tilespmem:$0x65B0] =	vst v5  }
0x2d3: {  	v5 =	vor.u32 $0x1, v30;
	[tilespmem:$0x6560] =	vst v3  }
0x2d4: {  	v3 =	vor.u32 $0x1, v3;
	[tilespmem:$0x65C0] =	vst v5  }
0x2d5: {  	[tilespmem:$0x65E0] =	vst v3  }
0x2d6: {  	v2 =	vld [tilespmem:s1+$0x90]  }
0x2d7: {  	v3 =	vld [tilespmem:s1+$0x2090]  }
0x2d8: {  	v31 =	vld [tilespmem:s1+$0x4090];
	_ =	sdelay $0x3  }
0x2d9: {  	v2 =	vmul.f32 v2, v0;
	v3 =	vmul.f32 v3, v0  }
0x2da: {  	v4 =	vmul.f32 v31, v0  }
0x2db: {  	v2 =	vtrunc.f32 v2;
	v3 =	vtrunc.f32 v3  }
0x2dc: {  	v4 =	vtrunc.f32 v4;
	v3 =	vcvt.f32.s32 v3  }
0x2dd: {  	v2 =	vcvt.f32.s32 v2;
	v4 =	vcvt.f32.s32 v4  }
0x2de: {  	v3 =	vmul.u32 $0x3C6EF362, v3  }
0x2df: {  	v2 =	vshll.u32 v2, $0x1;
	v4 =	vmul.u32 $0x6004AF2A, v4  }
0x2e0: {  	v32 =	vxor.u32 v2, v3  }
0x2e1: {  	v34 =	vadd.s32 $0x6004AF2A, v4;
	v33 =	vxor.u32 v4, v32  }
0x2e2: {  	v5 =	vxor.u32 v32, v34;
	v6 =	vand.u32 $0xFFFFE, v33  }
0x2e3: {  	v35 =	vadd.s32 $0x3C6EF362, v3;
	v5 =	vand.u32 $0xFFFFE, v5;
	[tilespmem:$0x6600] =	vst v6  }
0x2e4: {  	v36 =	vxor.u32 v2, v35;
	v6 =	vor.u32 $0x1, v6;
	[tilespmem:$0x6610] =	vst v5  }
0x2e5: {  	v2 =	vadd.s32 $0x2, v2;
	v37 =	vxor.u32 v4, v36;
	v5 =	vor.u32 $0x1, v5;
	[tilespmem:$0x6680] =	vst v6  }
0x2e6: {  	v3 =	vxor.u32 v3, v2;
	v38 =	vand.u32 $0xFFFFE, v37;
	[tilespmem:$0x6690] =	vst v5  }
0x2e7: {  	v40 =	vxor.u32 v4, v3;
	[tilespmem:$0x6620] =	vst v38;
	v5 =	vor.u32 $0x1, v38  }
0x2e8: {  	v2 =	vxor.u32 v2, v35;
	v3 =	vxor.u32 v3, v34;
	v41 =	vand.u32 $0xFFFFE, v40;
	[tilespmem:$0x66A0] =	vst v5  }
0x2e9: {  	v4 =	vxor.u32 v4, v2;
	v2 =	vxor.u32 v34, v2;
	v3 =	vand.u32 $0xFFFFE, v3;
	[tilespmem:$0x6640] =	vst v41  }
0x2ea: {  	v6 =	vxor.u32 v34, v36;
	v2 =	vand.u32 $0xFFFFE, v2;
	[tilespmem:$0x6650] =	vst v3  }
0x2eb: {  	v39 =	vand.u32 $0xFFFFE, v6;
	[tilespmem:$0x6670] =	vst v2  }
0x2ec: {  	v3 =	vor.u32 $0x1, v3;
	[tilespmem:$0x6630] =	vst v39  }
0x2ed: {  	v2 =	vor.u32 $0x1, v2;
	[tilespmem:$0x66D0] =	vst v3  }
0x2ee: {  	v5 =	vor.u32 $0x1, v39;
	[tilespmem:$0x66F0] =	vst v2  }
0x2ef: {  	v3 =	vand.u32 $0xFFFFE, v4;
	[tilespmem:$0x66B0] =	vst v5  }
0x2f0: {  	v5 =	vor.u32 $0x1, v41;
	[tilespmem:$0x6660] =	vst v3  }
0x2f1: {  	v3 =	vor.u32 $0x1, v3;
	[tilespmem:$0x66C0] =	vst v5  }
0x2f2: {  	[tilespmem:$0x66E0] =	vst v3  }
0x2f3: {  	v2 =	vld [tilespmem:s1+$0xA0]  }
0x2f4: {  	v3 =	vld [tilespmem:s1+$0x20A0]  }
0x2f5: {  	v42 =	vld [tilespmem:s1+$0x40A0];
	_ =	sdelay $0x3  }
0x2f6: {  	v2 =	vmul.f32 v2, v0;
	v3 =	vmul.f32 v3, v0  }
0x2f7: {  	v4 =	vmul.f32 v42, v0  }
0x2f8: {  	v2 =	vtrunc.f32 v2;
	v3 =	vtrunc.f32 v3  }
0x2f9: {  	v4 =	vtrunc.f32 v4;
	v3 =	vcvt.f32.s32 v3  }
0x2fa: {  	v2 =	vcvt.f32.s32 v2;
	v4 =	vcvt.f32.s32 v4  }
0x2fb: {  	v3 =	vmul.u32 $0x3C6EF362, v3  }
0x2fc: {  	v2 =	vshll.u32 v2, $0x1;
	v4 =	vmul.u32 $0x6004AF2A, v4  }
0x2fd: {  	v43 =	vxor.u32 v2, v3  }
0x2fe: {  	v45 =	vadd.s32 $0x6004AF2A, v4;
	v44 =	vxor.u32 v4, v43  }
0x2ff: {  	v5 =	vxor.u32 v43, v45;
	v6 =	vand.u32 $0xFFFFE, v44  }
0x300: {  	v46 =	vadd.s32 $0x3C6EF362, v3;
	v5 =	vand.u32 $0xFFFFE, v5;
	[tilespmem:$0x6700] =	vst v6  }
0x301: {  	v47 =	vxor.u32 v2, v46;
	v6 =	vor.u32 $0x1, v6;
	[tilespmem:$0x6710] =	vst v5  }
0x302: {  	v2 =	vadd.s32 $0x2, v2;
	v48 =	vxor.u32 v4, v47;
	v5 =	vor.u32 $0x1, v5;
	[tilespmem:$0x6780] =	vst v6  }
0x303: {  	v3 =	vxor.u32 v3, v2;
	v49 =	vand.u32 $0xFFFFE, v48;
	[tilespmem:$0x6790] =	vst v5  }
0x304: {  	v51 =	vxor.u32 v4, v3;
	[tilespmem:$0x6720] =	vst v49;
	v5 =	vor.u32 $0x1, v49  }
0x305: {  	v2 =	vxor.u32 v2, v46;
	v3 =	vxor.u32 v3, v45;
	v52 =	vand.u32 $0xFFFFE, v51;
	[tilespmem:$0x67A0] =	vst v5  }
0x306: {  	v4 =	vxor.u32 v4, v2;
	v2 =	vxor.u32 v45, v2;
	v3 =	vand.u32 $0xFFFFE, v3;
	[tilespmem:$0x6740] =	vst v52  }
0x307: {  	v6 =	vxor.u32 v45, v47;
	v2 =	vand.u32 $0xFFFFE, v2;
	[tilespmem:$0x6750] =	vst v3  }
0x308: {  	v50 =	vand.u32 $0xFFFFE, v6;
	[tilespmem:$0x6770] =	vst v2  }
0x309: {  	v3 =	vor.u32 $0x1, v3;
	[tilespmem:$0x6730] =	vst v50  }
0x30a: {  	v2 =	vor.u32 $0x1, v2;
	[tilespmem:$0x67D0] =	vst v3  }
0x30b: {  	v5 =	vor.u32 $0x1, v50;
	[tilespmem:$0x67F0] =	vst v2  }
0x30c: {  	v3 =	vand.u32 $0xFFFFE, v4;
	[tilespmem:$0x67B0] =	vst v5  }
0x30d: {  	v5 =	vor.u32 $0x1, v52;
	[tilespmem:$0x6760] =	vst v3  }
0x30e: {  	v3 =	vor.u32 $0x1, v3;
	[tilespmem:$0x67C0] =	vst v5  }
0x30f: {  	[tilespmem:$0x67E0] =	vst v3  }
0x310: {  	v2 =	vld [tilespmem:s1+$0xB0]  }
0x311: {  	v3 =	vld [tilespmem:s1+$0x20B0]  }
0x312: {  	v53 =	vld [tilespmem:s1+$0x40B0];
	_ =	sdelay $0x3  }
0x313: {  	v2 =	vmul.f32 v2, v0;
	v3 =	vmul.f32 v3, v0  }
0x314: {  	v4 =	vmul.f32 v53, v0  }
0x315: {  	v2 =	vtrunc.f32 v2;
	v3 =	vtrunc.f32 v3  }
0x316: {  	v4 =	vtrunc.f32 v4;
	v3 =	vcvt.f32.s32 v3  }
0x317: {  	v2 =	vcvt.f32.s32 v2;
	v4 =	vcvt.f32.s32 v4  }
0x318: {  	v3 =	vmul.u32 $0x3C6EF362, v3  }
0x319: {  	v2 =	vshll.u32 v2, $0x1;
	v4 =	vmul.u32 $0x6004AF2A, v4  }
0x31a: {  	v54 =	vxor.u32 v2, v3  }
0x31b: {  	v56 =	vadd.s32 $0x6004AF2A, v4;
	v55 =	vxor.u32 v4, v54  }
0x31c: {  	v5 =	vxor.u32 v54, v56;
	v6 =	vand.u32 $0xFFFFE, v55  }
0x31d: {  	v57 =	vadd.s32 $0x3C6EF362, v3;
	v5 =	vand.u32 $0xFFFFE, v5;
	[tilespmem:$0x6800] =	vst v6  }
0x31e: {  	v58 =	vxor.u32 v2, v57;
	v6 =	vor.u32 $0x1, v6;
	[tilespmem:$0x6810] =	vst v5  }
0x31f: {  	v2 =	vadd.s32 $0x2, v2;
	v59 =	vxor.u32 v4, v58;
	v5 =	vor.u32 $0x1, v5;
	[tilespmem:$0x6880] =	vst v6  }
0x320: {  	v3 =	vxor.u32 v3, v2;
	v60 =	vand.u32 $0xFFFFE, v59;
	[tilespmem:$0x6890] =	vst v5  }
0x321: {  	v62 =	vxor.u32 v4, v3;
	[tilespmem:$0x6820] =	vst v60;
	v5 =	vor.u32 $0x1, v60  }
0x322: {  	v2 =	vxor.u32 v2, v57;
	v3 =	vxor.u32 v3, v56;
	v63 =	vand.u32 $0xFFFFE, v62;
	[tilespmem:$0x68A0] =	vst v5  }
0x323: {  	v4 =	vxor.u32 v4, v2;
	v2 =	vxor.u32 v56, v2;
	v3 =	vand.u32 $0xFFFFE, v3;
	[tilespmem:$0x6840] =	vst v63  }
0x324: {  	v6 =	vxor.u32 v56, v58;
	v2 =	vand.u32 $0xFFFFE, v2;
	[tilespmem:$0x6850] =	vst v3  }
0x325: {  	v61 =	vand.u32 $0xFFFFE, v6;
	[tilespmem:$0x6870] =	vst v2  }
0x326: {  	v3 =	vor.u32 $0x1, v3;
	[tilespmem:$0x6830] =	vst v61  }
0x327: {  	v2 =	vor.u32 $0x1, v2;
	[tilespmem:$0x68D0] =	vst v3  }
0x328: {  	v5 =	vor.u32 $0x1, v61;
	[tilespmem:$0x68F0] =	vst v2  }
.Ltmp9:
0x329: {  	v3 =	vand.u32 $0xFFFFE, v4;
	[tilespmem:$0x68B0] =	vst v5;
	(pc) =	sbr.rel .LBB2_6-.Ltmp9, $4  }
0x32a: {  	v5 =	vor.u32 $0x1, v63;
	[tilespmem:$0x6860] =	vst v3  }
0x32b: {  	v3 =	vor.u32 $0x1, v3;
	[tilespmem:$0x68C0] =	vst v5  }
0x32c: {  	[tilespmem:$0x68E0] =	vst v3  }
0x32d: {  	[tilespmem:s22], [sflag:$0x1] =	stream.indirect.gather [spmem:s5], $0x1, s21, s20, $0xb8;
	[tilespmem:$0x17500] =	vst v63  }
.LBB2_10:
0x32e: {  	_ =	sfence.sel $0x180000  }
0x32f: {  	[bflag:$0x0] =	sbarrier.arrive $0xFFFF  }
0x330: {  	_ =	strace $0x90000047  }
0x331: {  	s0 =	stileid.u32;
	[bflag:$0x2] =	sbarrier.arrive $0xFFFF  }
0x332: {  	p0 =	sne.s32 s0, $0x0;
	s0 =	rddreg [dreg:$0x5]  }
0x333: {  	s0 =	sadd.s32 @!p0 $0x100000, s0  }
0x334: {  	[sflag:s0] =	ssyncadd.tile.s32 @!p0 $0x1;
	_ =	shalt  }
.Lfunc_end2:
_tile_overlayer_lowered:
.L_overlay_start_2:
0x335: {  	(tag) =	ssettag $0x2  }
0x336: {  	s0 =	rddreg [dreg:$0x0];
	s2 =	stileid.u32  }
0x337: {  	s1 =	rddreg [dreg:$0x1];
	p0 =	sne.s32 s2, $0x0  }
0x338: {  	s3 =	rddreg [dreg:$0x2];
	[bflag:$0x3] =	sbarrier.arrive $0xFFFF;
	s2 =	simm.s32 @!p0 $0x1C03  }
0x339: {  	[timem:s3], [sflag:s2] =	dma.local @!p0 [hbm:s0], s1  }
0x33a: {  	s0 =	simm.s32 @!p0 $0x3  }
0x33b: {  	_ =	swait.ge @!p0 [sflag:s0], s1  }
0x33c: {  	s1 =	ssub.s32 @!p0 $0x0, s1;
	[sflag:s0] =	ssyncset.done @!p0 $0x0  }
0x33d: {  	[sflag:s0] =	ssyncadd.s32 @!p0 s1  }
0x33e: {  	[bflag:$0x3] =	sbarrier.arrive $0xFFFF  }
0x33f: {  	_ =	shalt  }

</sc_bundles>
